<compile_context>
chip_gen: v7x
topology: tpu7x:2x2x1
jax: 0.10.2.dev20260603
libtpu: 0.0.44.dev20260713+nightly
codegen_flags: <defaults>
</compile_context>

<pallas_src>
import functools

import jax
import jax.numpy as jnp
from jax import lax
from jax.experimental import pallas as pl
from jax.experimental.pallas import tpu as pltpu
from jax.experimental.pallas import tpu_sc as plsc

_NC = 2
_NS = 16


def _ymm(n, kk, pe, cin, cout, rb=1000):
    nb = n // rb

    def body(x_ref, w_ref, y_ref):
        r = lax.dot_general(
            x_ref[...], w_ref[...], (((1,), (0,)), ((), ())),
            preferred_element_type=jnp.float32)
        for k in range(kk):
            y_ref[k] = r[:, k * cout:(k + 1) * cout]

    return pl.pallas_call(
        body,
        grid=(nb,),
        in_specs=[
            pl.BlockSpec((rb, cin), lambda i: (i, 0)),
            pl.BlockSpec((cin, kk * cout), lambda i: (0, 0)),
        ],
        out_specs=pl.BlockSpec((kk, rb, cout), lambda i: (0, i, 0)),
        out_shape=jax.ShapeDtypeStruct((kk, pe, cout), jnp.float32),
    )


def _scatter_add(n, kk, pe, cout, ch=2048):
    half = n // 2
    grp = ch // 128
    nch = pe // ch
    sb = 512
    sgrp = sb // 128
    jmax = -(-nch // _NS)
    hpad = -(-(half + 8) // sb) * sb
    zch = hpad // sb
    dch = 1000
    nd = half // dch
    djmax = -(-nd // _NS)
    mesh = plsc.VectorSubcoreMesh(core_axis_name="c", subcore_axis_name="s")

    @functools.partial(
        pl.kernel,
        out_type=jax.ShapeDtypeStruct((n, cout), jnp.float32),
        mesh=mesh,
        compiler_params=pltpu.CompilerParams(use_tc_tiling_on_sc=False),
        scratch_types=[
            pltpu.VMEM_SHARED((hpad, cout), jnp.float32),
            pltpu.VMEM((sb, cout), jnp.float32),
            pltpu.VMEM((grp, 128), jnp.int32),
            pltpu.VMEM((grp, 128), jnp.int32),
            pltpu.SemaphoreType.DMA,
            pltpu.SemaphoreType.DMA,
        ],
    )
    def sadd(y_hbm, pin_hbm, pout_hbm, conv_hbm, shared, buf, pin_v, pout_v,
             gsem, ssem):
        sc = lax.axis_index("c")
        s = lax.axis_index("s")
        lo = sc * half
        zero = jnp.zeros((16,), jnp.float32)

        def zvec(i, _):
            buf[pl.ds((i * 16) // cout, 1), pl.ds((i * 16) % cout, 16)] = (
                zero.reshape(1, 16))
            return 0

        lax.fori_loop(0, sb * cout // 16, zvec, 0)

        def zfill(j, _):
            c = s + _NS * j

            @pl.when(c < zch)
            def _():
                pltpu.sync_copy(buf, shared.at[pl.ds(c * sb, sb)])
            return 0

        lax.fori_loop(0, -(-zch // _NS), zfill, 0)
        plsc.subcore_barrier()

        lov = jnp.full((16,), lo, jnp.int32)
        hiv = jnp.full((16,), lo + half, jnp.int32)
        trashv = jnp.full((16,), half, jnp.int32)

        def k_body(k, _):
            kbv = jnp.full((16,), k * pe, jnp.int32)
            c0 = (s - nch * k) & (_NS - 1)

            def j_body(j, _):
                c = c0 + _NS * j

                @pl.when(c < nch)
                def _():
                    row0 = (k * pe + c * ch) // 128
                    pltpu.sync_copy(pin_hbm.at[pl.ds(row0, grp)], pin_v)
                    pltpu.sync_copy(pout_hbm.at[pl.ds(row0, grp)], pout_v)
                    for sub in range(ch // sb):
                        r0 = sub * sgrp
                        first = pout_v[r0, pl.ds(0, 16)][0]
                        last = pout_v[r0 + sgrp - 1, pl.ds(112, 16)][15]
                        take0 = jnp.logical_and(sc == 0, first < half)
                        take1 = jnp.logical_and(
                            sc == 1,
                            jnp.logical_and(last >= half, first < n))

                        @pl.when(jnp.logical_or(take0, take1))
                        def _():
                            def idx_body(q, _):
                                r = r0 + q // 8
                                cs = pl.ds((q % 8) * 16, 16)
                                p = pout_v[r, cs]
                                inh = jnp.logical_and(p >= lov, p < hiv)
                                pout_v[r, cs] = jnp.where(
                                    inh, p - lov, trashv)
                                pin_v[r, cs] = pin_v[r, cs] + kbv
                                return 0

                            lax.fori_loop(0, sb // 16, idx_body, 0)
                            hs = [
                                pltpu.async_copy(
                                    y_hbm.at[pin_v.at[r0 + g]],
                                    buf.at[pl.ds(g * 128, 128)],
                                    gsem,
                                )
                                for g in range(sgrp)
                            ]
                            for h in hs:
                                h.wait()
                            hs = [
                                pltpu.async_copy(
                                    buf.at[pl.ds(g * 128, 128)],
                                    shared.at[pout_v.at[r0 + g]],
                                    ssem,
                                    add=True,
                                )
                                for g in range(sgrp)
                            ]
                            for h in hs:
                                h.wait()
                return 0

            lax.fori_loop(0, jmax, j_body, 0)
            return 0

        lax.fori_loop(0, kk, k_body, 0)
        plsc.subcore_barrier()

        def drain(j, _):
            t = s + _NS * j

            @pl.when(t < nd)
            def _():
                pltpu.sync_copy(
                    shared.at[pl.ds(t * dch, dch)],
                    conv_hbm.at[pl.ds(lo + t * dch, dch)])
            return 0

        lax.fori_loop(0, djmax, drain, 0)

    return sadd


def _stats(n, cout, rb=2000):
    nb = n // rb

    def body(x_ref, stats_ref):
        @pl.when(pl.program_id(0) == 0)
        def _():
            stats_ref[...] = jnp.zeros_like(stats_ref)

        x = x_ref[...]
        s1 = jnp.sum(x, axis=0, keepdims=True)
        s2 = jnp.sum(x * x, axis=0, keepdims=True)
        stats_ref[...] += jnp.concatenate(
            [s1, s2, jnp.zeros((6, cout), jnp.float32)], axis=0)

    return pl.pallas_call(
        body,
        grid=(nb,),
        in_specs=[pl.BlockSpec((rb, cout), lambda i: (i, 0))],
        out_specs=pl.BlockSpec((8, cout), lambda i: (0, 0)),
        out_shape=jax.ShapeDtypeStruct((8, cout), jnp.float32),
    )


def _bn_leaky(n, cout, rb=2000, eps=1e-5, slope=0.01):
    grid = n // rb

    def body(x_ref, stats_ref, gamma_ref, beta_ref, out_ref):
        s = stats_ref[...]
        mean = s[0:1] * (1.0 / n)
        var = s[1:2] * (1.0 / n) - mean * mean
        scale = gamma_ref[...] * lax.rsqrt(var + eps)
        shift = beta_ref[...] - mean * scale
        y = x_ref[...] * scale + shift
        out_ref[...] = jnp.where(y >= 0, y, slope * y)

    return pl.pallas_call(
        body,
        grid=(grid,),
        in_specs=[
            pl.BlockSpec((rb, cout), lambda i: (i, 0)),
            pl.BlockSpec((8, cout), lambda i: (0, 0)),
            pl.BlockSpec((1, cout), lambda i: (0, 0)),
            pl.BlockSpec((1, cout), lambda i: (0, 0)),
        ],
        out_specs=pl.BlockSpec((rb, cout), lambda i: (i, 0)),
        out_shape=jax.ShapeDtypeStruct((n, cout), jnp.float32),
    )


def kernel(feats, W, gamma, beta, pair_in, pair_out):
    n, cin = feats.shape
    kk, _, cout = W.shape
    ch = 2048
    pe = -(-n // ch) * ch
    pin2 = (jnp.full((kk, pe), n, jnp.int32).at[:, :n].set(pair_in)
            .reshape(kk * pe // 128, 128))
    pout2 = (jnp.full((kk, pe), n, jnp.int32).at[:, :n].set(pair_out)
             .reshape(kk * pe // 128, 128))
    Y = _ymm(n, kk, pe, cin, cout)(
        feats, W.transpose(1, 0, 2).reshape(cin, kk * cout))
    conv = _scatter_add(n, kk, pe, cout)(
        Y.reshape(kk * pe, cout), pin2, pout2)
    stats = _stats(n, cout)(conv)
    return _bn_leaky(n, cout)(conv, stats,
                              gamma.reshape(1, cout), beta.reshape(1, cout))

# --- scband reference (transcript-rebuilt; emitter-appended) ---
"""Pipeline reference for scband-conv-56676388438711 (READ-ONLY COPY).

The authoritative reference and input builder live on the scoring server;
editing this copy changes nothing except your own understanding.
"""

import jax, jax.numpy as jnp
import numpy as np

N = 100000
CIN = 32
COUT = 32
K = 3
GRID = (128, 128, 16)


def _build_pairs():
    rng = np.random.default_rng(0)
    total = GRID[0] * GRID[1] * GRID[2]
    flat = rng.choice(total, size=N, replace=False)
    z, y, x = np.unravel_index(flat, GRID)
    grid = -np.ones(GRID, dtype=np.int64)
    grid[z, y, x] = np.arange(N)
    offs = [(dz, dy, dx) for dz in (-1, 0, 1) for dy in (-1, 0, 1) for dx in (-1, 0, 1)]
    pin = np.full((len(offs), N), N, dtype=np.int32)
    pout = np.full((len(offs), N), N, dtype=np.int32)
    for k, (dz, dy, dx) in enumerate(offs):
        nz, ny, nx = z + dz, y + dy, x + dx
        valid = (nz >= 0) & (nz < GRID[0]) & (ny >= 0) & (ny < GRID[1]) & (nx >= 0) & (nx < GRID[2])
        nidx = np.full(N, -1, dtype=np.int64)
        nidx[valid] = grid[nz[valid], ny[valid], nx[valid]]
        m = nidx >= 0
        cnt = int(m.sum())
        pin[k, :cnt] = nidx[m].astype(np.int32)
        pout[k, :cnt] = np.arange(N, dtype=np.int32)[m]
    return pin, pout


def setup_inputs(seed: int = 0):
    key = jax.random.key(seed)
    k1, k2 = jax.random.split(key)
    pin, pout = _build_pairs()
    feats = jax.random.normal(k1, (N, CIN), dtype=jnp.float32)
    W = jax.random.normal(k2, (K ** 3, CIN, COUT), dtype=jnp.float32) * (1.0 / np.sqrt(CIN * K ** 3))
    gamma = jnp.ones((COUT,), jnp.float32)
    beta = jnp.zeros((COUT,), jnp.float32)
    return {"feats": feats, "W": W, "gamma": gamma, "beta": beta,
            "pair_in": jnp.asarray(pin), "pair_out": jnp.asarray(pout)}


def reference(feats, W, gamma, beta, pair_in, pair_out):
    # SubMConv3d: gather neighbor features per kernel offset, apply per-offset
    # weight, scatter-add into output at the same active voxel sites.
    n = feats.shape[0]
    fp = jnp.concatenate([feats, jnp.zeros((1, feats.shape[1]), feats.dtype)], axis=0)
    out = jnp.zeros((n + 1, W.shape[2]), feats.dtype)
    for k in range(W.shape[0]):
        msg = fp[pair_in[k]] @ W[k]
        out = out.at[pair_out[k]].add(msg)
    out = out[:n]
    # BatchNorm1d (training mode: batch statistics), then LeakyReLU(0.01)
    mean = out.mean(axis=0)
    var = out.var(axis=0)
    out = (out - mean) / jnp.sqrt(var + 1e-5) * gamma + beta
    out = jnp.where(out >= 0, out, 0.01 * out)
    return out

if __name__ == "__main__":
    import jax
    _d = setup_inputs()
    print(jax.jit(kernel)(*tuple(_d.values())))

</pallas_src>

<mosaic_0001>
#map = affine_map<(d0, d1) -> (0, 0)>
module attributes {stable_mosaic.version = 14 : i64} {
  func.func @sadd(%arg0: i32, %arg1: i32, %arg2: memref<2709504x32xf32, #tpu.memory_space<hbm>>, %arg3: memref<21168x128xi32, #tpu.memory_space<hbm>>, %arg4: memref<21168x128xi32, #tpu.memory_space<hbm>>, %arg5: memref<100000x32xf32, #tpu.memory_space<hbm>>, %arg6: memref<50176x32xf32, #tpu.memory_space<vmem_shared>>, %arg7: memref<512x32xf32, #tpu.memory_space<vmem>>, %arg8: memref<16x128xi32, #tpu.memory_space<vmem>>, %arg9: memref<16x128xi32, #tpu.memory_space<vmem>>, %arg10: memref<!tpu.dma_semaphore, #tpu.memory_space<semaphore_mem>>, %arg11: memref<!tpu.dma_semaphore, #tpu.memory_space<semaphore_mem>>) attributes {dimension_semantics = [#tpu.dimension_semantics<core_parallel>, #tpu.dimension_semantics<subcore_parallel>], iteration_bounds = array<i64: 2, 16>, scalar_prefetch = 0 : i64, scratch_operands = 6 : i64, tpu.core_type = #tpu.core_type<sc_vector_subcore>, window_params = [{transform_indices = #map}, {transform_indices = #map}, {transform_indices = #map}, {transform_indices = #map}]} {
    %mul3A = arith.constant 50000 : i32
    %mul3A_0 = arith.muli %arg0, %mul3A : i32
    %broadcast_in_dim3A = arith.constant 0.000000e+00 : f32
    %broadcast_in_dim3A_1 = vector.broadcast %broadcast_in_dim3A : f32 to vector<16xf32>
    %scan3A = arith.constant 0 : i32
    %scan3A_2 = arith.constant 0 : i32
    %scan3A_3 = arith.constant 1024 : i32
    %scan3A_4 = arith.addi %scan3A_2, %scan3A_3 : i32
    %scan3A_5 = arith.constant 1 : i32
    %scan3A_6 = scf.for %scan3A_35 = %scan3A_2 to %scan3A_4 step %scan3A_5 iter_args(%scan3A_36 = %scan3A) -> (i32)  : i32 {
      %reshape3A = vector.shape_cast %broadcast_in_dim3A_1 : vector<16xf32> to vector<1x16xf32>
      %mul3A_37 = arith.constant 16 : i32
      %mul3A_38 = arith.muli %scan3A_35, %mul3A_37 : i32
      %jit3A = arith.constant 32 : i32
      %div3A = arith.divsi %mul3A_38, %jit3A : i32
      %sign3A = arith.constant 0 : i32
      %sign3A_39 = arith.cmpi sgt, %mul3A_38, %sign3A : i32
      %sign3A_40 = arith.extui %sign3A_39 : i1 to i32
      %sign3A_41 = arith.constant 0 : i32
      %sign3A_42 = arith.cmpi slt, %mul3A_38, %sign3A_41 : i32
      %sign3A_43 = arith.extui %sign3A_42 : i1 to i32
      %sign3A_44 = arith.subi %sign3A_40, %sign3A_43 : i32
      %sign3A_45 = arith.constant 0 : i32
      %sign3A_46 = arith.cmpi sgt, %jit3A, %sign3A_45 : i32
      %sign3A_47 = arith.extui %sign3A_46 : i1 to i32
      %sign3A_48 = arith.constant 0 : i32
      %sign3A_49 = arith.cmpi slt, %jit3A, %sign3A_48 : i32
      %sign3A_50 = arith.extui %sign3A_49 : i1 to i32
      %sign3A_51 = arith.subi %sign3A_47, %sign3A_50 : i32
      %ne3A = arith.cmpi ne, %sign3A_44, %sign3A_51 : i32
      %rem3A = arith.remsi %mul3A_38, %jit3A : i32
      %ne3A_52 = arith.constant 0 : i32
      %ne3A_53 = arith.cmpi ne, %rem3A, %ne3A_52 : i32
      %and3A = arith.andi %ne3A, %ne3A_53 : i1
      %sub3A = arith.constant 1 : i32
      %sub3A_54 = arith.subi %div3A, %sub3A : i32
      %select_n3A = arith.select %and3A, %sub3A_54, %div3A : i32
      %mul3A_55 = arith.constant 16 : i32
      %mul3A_56 = arith.muli %scan3A_35, %mul3A_55 : i32
      %jit3A_57 = arith.constant 32 : i32
      %eq3A = arith.constant 0 : i32
      %eq3A_58 = arith.cmpi eq, %jit3A_57, %eq3A : i32
      %jit3A_59 = arith.constant 1 : i32
      %select_n3A_60 = arith.select %eq3A_58, %jit3A_59, %jit3A_57 : i32
      %rem3A_61 = arith.remsi %mul3A_56, %select_n3A_60 : i32
      %ne3A_62 = arith.constant 0 : i32
      %ne3A_63 = arith.cmpi ne, %rem3A_61, %ne3A_62 : i32
      %lt3A = arith.constant 0 : i32
      %lt3A_64 = arith.cmpi slt, %rem3A_61, %lt3A : i32
      %lt3A_65 = arith.constant 0 : i32
      %lt3A_66 = arith.cmpi slt, %select_n3A_60, %lt3A_65 : i32
      %ne3A_67 = arith.xori %lt3A_64, %lt3A_66 : i1
      %and3A_68 = arith.andi %ne3A_67, %ne3A_63 : i1
      %add3A_69 = arith.addi %rem3A_61, %select_n3A_60 : i32
      %select_n3A_70 = arith.select %and3A_68, %add3A_69, %rem3A_61 : i32
      %swap3A = arith.index_cast %select_n3A : i32 to index
      %swap3A_71 = arith.index_cast %select_n3A_70 : i32 to index
      %swap3A_72 = tpu.vector_load %arg7[%swap3A, %swap3A_71] {strides = array<i32>} : memref<512x32xf32, #tpu.memory_space<vmem>>, vector<1x16xf32>,
      %swap3A_73 = vector.shape_cast %swap3A_72 : vector<1x16xf32> to vector<1x16xf32>
      %swap3A_74 = vector.shape_cast %reshape3A : vector<1x16xf32> to vector<1x16xf32>
      tpu.vector_store %arg7[%swap3A, %swap3A_71], %swap3A_74 {strides = array<i32>} : memref<512x32xf32, #tpu.memory_space<vmem>>, vector<1x16xf32>,
      %scan3A_75 = arith.constant 0 : i32
      scf.yield %scan3A_75 : i32
    }
    %scan3A_7 = arith.constant 1024 : i32
    %scan3A_8 = arith.constant 0 : i32
    %scan3A_9 = arith.constant 0 : i32
    %scan3A_10 = arith.constant 7 : i32
    %scan3A_11 = arith.addi %scan3A_9, %scan3A_10 : i32
    %scan3A_12 = arith.constant 1 : i32
    %scan3A_13 = scf.for %scan3A_35 = %scan3A_9 to %scan3A_11 step %scan3A_12 iter_args(%scan3A_36 = %scan3A_8) -> (i32)  : i32 {
      %mul3A_37 = arith.constant 16 : i32
      %mul3A_38 = arith.muli %mul3A_37, %scan3A_35 : i32
      %add3A_39 = arith.addi %arg1, %mul3A_38 : i32
      %lt3A = arith.constant 98 : i32
      %lt3A_40 = arith.cmpi slt, %add3A_39, %lt3A : i32
      %convert_element_type3A = arith.extui %lt3A_40 : i1 to i32
      %cond3A = arith.constant 0 : i32
      %cond3A_41 = arith.cmpi ne, %convert_element_type3A, %cond3A : i32
      scf.if %cond3A_41 {
        %mul3A_43 = arith.constant 512 : i32
        %mul3A_44 = arith.muli %add3A_39, %mul3A_43 : i32
        "tpu.region"() ({
          %run_scoped3A = tpu.sem_alloc : memref<!tpu.dma_semaphore, #tpu.memory_space<semaphore_mem>>
          %dma_start3A = arith.constant 0 : i32
          %dma_start3A_45 = tpu.memref_slice %arg6[%mul3A_44, %dma_start3A] : memref<50176x32xf32, #tpu.memory_space<vmem_shared>> -> memref<512x32xf32, #tpu.memory_space<vmem_shared>>
          %dma_start3A_46 = arith.constant 0 : i32
          %dma_start3A_47 = tpu.memref_slice %arg6[%mul3A_44, %dma_start3A_46] : memref<50176x32xf32, #tpu.memory_space<vmem_shared>> -> memref<512x32xf32, #tpu.memory_space<vmem_shared>>
          tpu.enqueue_dma source(%arg7 : memref<512x32xf32, #tpu.memory_space<vmem>>) target(%dma_start3A_47 : memref<512x32xf32, #tpu.memory_space<vmem_shared>>) target_semaphore(%run_scoped3A : memref<!tpu.dma_semaphore, #tpu.memory_space<semaphore_mem>>)
          %dma_wait3A = arith.constant 0 : i32
          %dma_wait3A_48 = tpu.memref_slice %arg6[%mul3A_44, %dma_wait3A] : memref<50176x32xf32, #tpu.memory_space<vmem_shared>> -> memref<512x32xf32, #tpu.memory_space<vmem_shared>>
          %dma_wait3A_49 = arith.constant 0 : i32
          %dma_wait3A_50 = tpu.memref_slice %arg6[%mul3A_44, %dma_wait3A_49] : memref<50176x32xf32, #tpu.memory_space<vmem_shared>> -> memref<512x32xf32, #tpu.memory_space<vmem_shared>>
          tpu.wait_dma2 semaphore(%run_scoped3A : memref<!tpu.dma_semaphore, #tpu.memory_space<semaphore_mem>>) src(%arg7 : memref<512x32xf32, #tpu.memory_space<vmem>>) dst(%dma_wait3A_50 : memref<512x32xf32, #tpu.memory_space<vmem_shared>>)
          tpu.yield
        }) : () -> ()
      } else {
      }
      %scan3A_42 = arith.constant 0 : i32
      scf.yield %scan3A_42 : i32
    }
    %scan3A_14 = arith.constant 7 : i32
    %barrier3A = arith.constant 0 : index
    tpu.barrier barrier_id(%barrier3A)
    %broadcast_in_dim3A_15 = vector.broadcast %mul3A_0 : i32 to vector<16xi32>
    %add3A = arith.constant 50000 : i32
    %add3A_16 = arith.addi %mul3A_0, %add3A : i32
    %broadcast_in_dim3A_17 = vector.broadcast %add3A_16 : i32 to vector<16xi32>
    %broadcast_in_dim3A_18 = arith.constant 50000 : i32
    %broadcast_in_dim3A_19 = vector.broadcast %broadcast_in_dim3A_18 : i32 to vector<16xi32>
    %scan3A_20 = arith.constant 0 : i32
    %scan3A_21 = arith.constant 0 : i32
    %scan3A_22 = arith.constant 27 : i32
    %scan3A_23 = arith.addi %scan3A_21, %scan3A_22 : i32
    %scan3A_24 = arith.constant 1 : i32
    %scan3A_25 = scf.for %scan3A_35 = %scan3A_21 to %scan3A_23 step %scan3A_24 iter_args(%scan3A_36 = %scan3A_20) -> (i32)  : i32 {
      %mul3A_37 = arith.constant 100352 : i32
      %mul3A_38 = arith.muli %scan3A_35, %mul3A_37 : i32
      %broadcast_in_dim3A_39 = vector.broadcast %mul3A_38 : i32 to vector<16xi32>
      %mul3A_40 = arith.constant 49 : i32
      %mul3A_41 = arith.muli %mul3A_40, %scan3A_35 : i32
      %sub3A = arith.subi %arg1, %mul3A_41 : i32
      %and3A = arith.constant 15 : i32
      %and3A_42 = arith.andi %sub3A, %and3A : i32
      %scan3A_43 = arith.constant 0 : i32
      %scan3A_44 = arith.constant 0 : i32
      %scan3A_45 = arith.constant 4 : i32
      %scan3A_46 = arith.addi %scan3A_44, %scan3A_45 : i32
      %scan3A_47 = arith.constant 1 : i32
      %scan3A_48 = scf.for %scan3A_51 = %scan3A_44 to %scan3A_46 step %scan3A_47 iter_args(%scan3A_52 = %scan3A_43) -> (i32)  : i32 {
        %mul3A_53 = arith.constant 16 : i32
        %mul3A_54 = arith.muli %mul3A_53, %scan3A_51 : i32
        %add3A_55 = arith.addi %and3A_42, %mul3A_54 : i32
        %lt3A = arith.constant 49 : i32
        %lt3A_56 = arith.cmpi slt, %add3A_55, %lt3A : i32
        %convert_element_type3A = arith.extui %lt3A_56 : i1 to i32
        %cond3A = arith.constant 0 : i32
        %cond3A_57 = arith.cmpi ne, %convert_element_type3A, %cond3A : i32
        scf.if %cond3A_57 {
          %mul3A_59 = arith.constant 100352 : i32
          %mul3A_60 = arith.muli %scan3A_35, %mul3A_59 : i32
          %mul3A_61 = arith.constant 2048 : i32
          %mul3A_62 = arith.muli %add3A_55, %mul3A_61 : i32
          %add3A_63 = arith.addi %mul3A_60, %mul3A_62 : i32
          %jit3A = arith.constant 128 : i32
          %div3A = arith.divsi %add3A_63, %jit3A : i32
          %sign3A = arith.constant 0 : i32
          %sign3A_64 = arith.cmpi sgt, %add3A_63, %sign3A : i32
          %sign3A_65 = arith.extui %sign3A_64 : i1 to i32
          %sign3A_66 = arith.constant 0 : i32
          %sign3A_67 = arith.cmpi slt, %add3A_63, %sign3A_66 : i32
          %sign3A_68 = arith.extui %sign3A_67 : i1 to i32
          %sign3A_69 = arith.subi %sign3A_65, %sign3A_68 : i32
          %sign3A_70 = arith.constant 0 : i32
          %sign3A_71 = arith.cmpi sgt, %jit3A, %sign3A_70 : i32
          %sign3A_72 = arith.extui %sign3A_71 : i1 to i32
          %sign3A_73 = arith.constant 0 : i32
          %sign3A_74 = arith.cmpi slt, %jit3A, %sign3A_73 : i32
          %sign3A_75 = arith.extui %sign3A_74 : i1 to i32
          %sign3A_76 = arith.subi %sign3A_72, %sign3A_75 : i32
          %ne3A = arith.cmpi ne, %sign3A_69, %sign3A_76 : i32
          %rem3A = arith.remsi %add3A_63, %jit3A : i32
          %ne3A_77 = arith.constant 0 : i32
          %ne3A_78 = arith.cmpi ne, %rem3A, %ne3A_77 : i32
          %and3A_79 = arith.andi %ne3A, %ne3A_78 : i1
          %sub3A_80 = arith.constant 1 : i32
          %sub3A_81 = arith.subi %div3A, %sub3A_80 : i32
          %select_n3A = arith.select %and3A_79, %sub3A_81, %div3A : i32
          "tpu.region"() ({
            %run_scoped3A = tpu.sem_alloc : memref<!tpu.dma_semaphore, #tpu.memory_space<semaphore_mem>>
            %dma_start3A = arith.constant 0 : i32
            %dma_start3A_200 = tpu.memref_slice %arg3[%select_n3A, %dma_start3A] : memref<21168x128xi32, #tpu.memory_space<hbm>> -> memref<16x128xi32, #tpu.memory_space<hbm>>
            %dma_start3A_201 = arith.constant 0 : i32
            %dma_start3A_202 = tpu.memref_slice %arg3[%select_n3A, %dma_start3A_201] : memref<21168x128xi32, #tpu.memory_space<hbm>> -> memref<16x128xi32, #tpu.memory_space<hbm>>
            tpu.enqueue_dma source(%dma_start3A_202 : memref<16x128xi32, #tpu.memory_space<hbm>>) target(%arg8 : memref<16x128xi32, #tpu.memory_space<vmem>>) target_semaphore(%run_scoped3A : memref<!tpu.dma_semaphore, #tpu.memory_space<semaphore_mem>>)
            %dma_wait3A = arith.constant 0 : i32
            %dma_wait3A_203 = tpu.memref_slice %arg3[%select_n3A, %dma_wait3A] : memref<21168x128xi32, #tpu.memory_space<hbm>> -> memref<16x128xi32, #tpu.memory_space<hbm>>
            %dma_wait3A_204 = arith.constant 0 : i32
            %dma_wait3A_205 = tpu.memref_slice %arg3[%select_n3A, %dma_wait3A_204] : memref<21168x128xi32, #tpu.memory_space<hbm>> -> memref<16x128xi32, #tpu.memory_space<hbm>>
            tpu.wait_dma2 semaphore(%run_scoped3A : memref<!tpu.dma_semaphore, #tpu.memory_space<semaphore_mem>>) src(%dma_wait3A_205 : memref<16x128xi32, #tpu.memory_space<hbm>>) dst(%arg8 : memref<16x128xi32, #tpu.memory_space<vmem>>)
            tpu.yield
          }) : () -> ()
          "tpu.region"() ({
            %run_scoped3A = tpu.sem_alloc : memref<!tpu.dma_semaphore, #tpu.memory_space<semaphore_mem>>
            %dma_start3A = arith.constant 0 : i32
            %dma_start3A_200 = tpu.memref_slice %arg4[%select_n3A, %dma_start3A] : memref<21168x128xi32, #tpu.memory_space<hbm>> -> memref<16x128xi32, #tpu.memory_space<hbm>>
            %dma_start3A_201 = arith.constant 0 : i32
            %dma_start3A_202 = tpu.memref_slice %arg4[%select_n3A, %dma_start3A_201] : memref<21168x128xi32, #tpu.memory_space<hbm>> -> memref<16x128xi32, #tpu.memory_space<hbm>>
            tpu.enqueue_dma source(%dma_start3A_202 : memref<16x128xi32, #tpu.memory_space<hbm>>) target(%arg9 : memref<16x128xi32, #tpu.memory_space<vmem>>) target_semaphore(%run_scoped3A : memref<!tpu.dma_semaphore, #tpu.memory_space<semaphore_mem>>)
            %dma_wait3A = arith.constant 0 : i32
            %dma_wait3A_203 = tpu.memref_slice %arg4[%select_n3A, %dma_wait3A] : memref<21168x128xi32, #tpu.memory_space<hbm>> -> memref<16x128xi32, #tpu.memory_space<hbm>>
            %dma_wait3A_204 = arith.constant 0 : i32
            %dma_wait3A_205 = tpu.memref_slice %arg4[%select_n3A, %dma_wait3A_204] : memref<21168x128xi32, #tpu.memory_space<hbm>> -> memref<16x128xi32, #tpu.memory_space<hbm>>
            tpu.wait_dma2 semaphore(%run_scoped3A : memref<!tpu.dma_semaphore, #tpu.memory_space<semaphore_mem>>) src(%dma_wait3A_205 : memref<16x128xi32, #tpu.memory_space<hbm>>) dst(%arg9 : memref<16x128xi32, #tpu.memory_space<vmem>>)
            tpu.yield
          }) : () -> ()
          %get3A = arith.constant 0 : i32
          %get3A_82 = arith.index_cast %get3A : i32 to index
          %get3A_83 = arith.constant 0 : index
          %get3A_84 = tpu.vector_load %arg9[%get3A_82, %get3A_83] {strides = array<i32>} : memref<16x128xi32, #tpu.memory_space<vmem>>, vector<1x16xi32>,
          %get3A_85 = vector.shape_cast %get3A_84 : vector<1x16xi32> to vector<16xi32>
          %slice3A = vector.extract_strided_slice %get3A_85 {offsets = [0], sizes = [1], strides = [1]} : vector<16xi32> to vector<1xi32>
          %squeeze3A = vector.extract %slice3A[0] : i32 from vector<1xi32>
          %get3A_86 = arith.constant 3 : i32
          %get3A_87 = arith.index_cast %get3A_86 : i32 to index
          %get3A_88 = arith.constant 112 : index
          %get3A_89 = tpu.vector_load %arg9[%get3A_87, %get3A_88] {strides = array<i32>} : memref<16x128xi32, #tpu.memory_space<vmem>>, vector<1x16xi32>,
          %get3A_90 = vector.shape_cast %get3A_89 : vector<1x16xi32> to vector<16xi32>
          %slice3A_91 = vector.extract_strided_slice %get3A_90 {offsets = [15], sizes = [1], strides = [1]} : vector<16xi32> to vector<1xi32>
          %squeeze3A_92 = vector.extract %slice3A_91[0] : i32 from vector<1xi32>
          %eq3A = arith.constant 0 : i32
          %eq3A_93 = arith.cmpi eq, %arg0, %eq3A : i32
          %lt3A_94 = arith.constant 50000 : i32
          %lt3A_95 = arith.cmpi slt, %squeeze3A, %lt3A_94 : i32
          %and3A_96 = arith.andi %eq3A_93, %lt3A_95 : i1
          %eq3A_97 = arith.constant 1 : i32
          %eq3A_98 = arith.cmpi eq, %arg0, %eq3A_97 : i32
          %ge3A = arith.constant 50000 : i32
          %ge3A_99 = arith.cmpi sge, %squeeze3A_92, %ge3A : i32
          %lt3A_100 = arith.constant 100000 : i32
          %lt3A_101 = arith.cmpi slt, %squeeze3A, %lt3A_100 : i32
          %and3A_102 = arith.andi %ge3A_99, %lt3A_101 : i1
          %and3A_103 = arith.andi %eq3A_98, %and3A_102 : i1
          %or3A = arith.ori %and3A_96, %and3A_103 : i1
          %convert_element_type3A_104 = arith.extui %or3A : i1 to i32
          %cond3A_105 = arith.constant 0 : i32
          %cond3A_106 = arith.cmpi ne, %convert_element_type3A_104, %cond3A_105 : i32
          scf.if %cond3A_106 {
            %scan3A_200 = arith.constant 0 : i32
            %scan3A_201 = arith.constant 0 : i32
            %scan3A_202 = arith.constant 32 : i32
            %scan3A_203 = arith.addi %scan3A_201, %scan3A_202 : i32
            %scan3A_204 = arith.constant 1 : i32
            %scan3A_205 = scf.for %scan3A_365 = %scan3A_201 to %scan3A_203 step %scan3A_204 iter_args(%scan3A_366 = %scan3A_200) -> (i32)  : i32 {
              %jit3A_367 = arith.constant 8 : i32
              %div3A_368 = arith.divsi %scan3A_365, %jit3A_367 : i32
              %sign3A_369 = arith.constant 0 : i32
              %sign3A_370 = arith.cmpi sgt, %scan3A_365, %sign3A_369 : i32
              %sign3A_371 = arith.extui %sign3A_370 : i1 to i32
              %sign3A_372 = arith.constant 0 : i32
              %sign3A_373 = arith.cmpi slt, %scan3A_365, %sign3A_372 : i32
              %sign3A_374 = arith.extui %sign3A_373 : i1 to i32
              %sign3A_375 = arith.subi %sign3A_371, %sign3A_374 : i32
              %sign3A_376 = arith.constant 0 : i32
              %sign3A_377 = arith.cmpi sgt, %jit3A_367, %sign3A_376 : i32
              %sign3A_378 = arith.extui %sign3A_377 : i1 to i32
              %sign3A_379 = arith.constant 0 : i32
              %sign3A_380 = arith.cmpi slt, %jit3A_367, %sign3A_379 : i32
              %sign3A_381 = arith.extui %sign3A_380 : i1 to i32
              %sign3A_382 = arith.subi %sign3A_378, %sign3A_381 : i32
              %ne3A_383 = arith.cmpi ne, %sign3A_375, %sign3A_382 : i32
              %rem3A_384 = arith.remsi %scan3A_365, %jit3A_367 : i32
              %ne3A_385 = arith.constant 0 : i32
              %ne3A_386 = arith.cmpi ne, %rem3A_384, %ne3A_385 : i32
              %and3A_387 = arith.andi %ne3A_383, %ne3A_386 : i1
              %sub3A_388 = arith.constant 1 : i32
              %sub3A_389 = arith.subi %div3A_368, %sub3A_388 : i32
              %select_n3A_390 = arith.select %and3A_387, %sub3A_389, %div3A_368 : i32
              %add3A_391 = arith.constant 0 : i32
              %add3A_392 = arith.addi %add3A_391, %select_n3A_390 : i32
              %jit3A_393 = arith.constant 8 : i32
              %eq3A_394 = arith.constant 0 : i32
              %eq3A_395 = arith.cmpi eq, %jit3A_393, %eq3A_394 : i32
              %jit3A_396 = arith.constant 1 : i32
              %select_n3A_397 = arith.select %eq3A_395, %jit3A_396, %jit3A_393 : i32
              %rem3A_398 = arith.remsi %scan3A_365, %select_n3A_397 : i32
              %ne3A_399 = arith.constant 0 : i32
              %ne3A_400 = arith.cmpi ne, %rem3A_398, %ne3A_399 : i32
              %lt3A_401 = arith.constant 0 : i32
              %lt3A_402 = arith.cmpi slt, %rem3A_398, %lt3A_401 : i32
              %lt3A_403 = arith.constant 0 : i32
              %lt3A_404 = arith.cmpi slt, %select_n3A_397, %lt3A_403 : i32
              %ne3A_405 = arith.xori %lt3A_402, %lt3A_404 : i1
              %and3A_406 = arith.andi %ne3A_405, %ne3A_400 : i1
              %add3A_407 = arith.addi %rem3A_398, %select_n3A_397 : i32
              %select_n3A_408 = arith.select %and3A_406, %add3A_407, %rem3A_398 : i32
              %mul3A_409 = arith.constant 16 : i32
              %mul3A_410 = arith.muli %select_n3A_408, %mul3A_409 : i32
              %get3A_411 = arith.index_cast %add3A_392 : i32 to index
              %get3A_412 = arith.index_cast %mul3A_410 : i32 to index
              %get3A_413 = tpu.vector_load %arg9[%get3A_411, %get3A_412] {strides = array<i32>} : memref<16x128xi32, #tpu.memory_space<vmem>>, vector<1x16xi32>,
              %get3A_414 = vector.shape_cast %get3A_413 : vector<1x16xi32> to vector<16xi32>
              %ge3A_415 = arith.cmpi sge, %get3A_414, %broadcast_in_dim3A_15 : vector<16xi32>
              %lt3A_416 = arith.cmpi slt, %get3A_414, %broadcast_in_dim3A_17 : vector<16xi32>
              %and3A_417 = arith.andi %ge3A_415, %lt3A_416 : vector<16xi1>
              %sub3A_418 = arith.subi %get3A_414, %broadcast_in_dim3A_15 : vector<16xi32>
              %select_n3A_419 = arith.select %and3A_417, %sub3A_418, %broadcast_in_dim3A_19 : vector<16xi1>, vector<16xi32>
              %swap3A = arith.index_cast %add3A_392 : i32 to index
              %swap3A_420 = arith.index_cast %mul3A_410 : i32 to index
              %swap3A_421 = tpu.vector_load %arg9[%swap3A, %swap3A_420] {strides = array<i32>} : memref<16x128xi32, #tpu.memory_space<vmem>>, vector<1x16xi32>,
              %swap3A_422 = vector.shape_cast %swap3A_421 : vector<1x16xi32> to vector<16xi32>
              %swap3A_423 = vector.shape_cast %select_n3A_419 : vector<16xi32> to vector<1x16xi32>
              tpu.vector_store %arg9[%swap3A, %swap3A_420], %swap3A_423 {strides = array<i32>} : memref<16x128xi32, #tpu.memory_space<vmem>>, vector<1x16xi32>,
              %get3A_424 = arith.index_cast %add3A_392 : i32 to index
              %get3A_425 = arith.index_cast %mul3A_410 : i32 to index
              %get3A_426 = tpu.vector_load %arg8[%get3A_424, %get3A_425] {strides = array<i32>} : memref<16x128xi32, #tpu.memory_space<vmem>>, vector<1x16xi32>,
              %get3A_427 = vector.shape_cast %get3A_426 : vector<1x16xi32> to vector<16xi32>
              %add3A_428 = arith.addi %get3A_427, %broadcast_in_dim3A_39 : vector<16xi32>
              %swap3A_429 = arith.index_cast %add3A_392 : i32 to index
              %swap3A_430 = arith.index_cast %mul3A_410 : i32 to index
              %swap3A_431 = tpu.vector_load %arg8[%swap3A_429, %swap3A_430] {strides = array<i32>} : memref<16x128xi32, #tpu.memory_space<vmem>>, vector<1x16xi32>,
              %swap3A_432 = vector.shape_cast %swap3A_431 : vector<1x16xi32> to vector<16xi32>
              %swap3A_433 = vector.shape_cast %add3A_428 : vector<16xi32> to vector<1x16xi32>
              tpu.vector_store %arg8[%swap3A_429, %swap3A_430], %swap3A_433 {strides = array<i32>} : memref<16x128xi32, #tpu.memory_space<vmem>>, vector<1x16xi32>,
              %scan3A_434 = arith.constant 0 : i32
              scf.yield %scan3A_434 : i32
            }
            %scan3A_206 = arith.constant 32 : i32
            %dma_start3A = arith.constant 0 : i32
            %dma_start3A_207 = arith.constant 0 : i32
            %dma_start3A_208 = arith.constant 0 : i32
            %dma_start3A_209 = tpu.memref_slice %arg7[%dma_start3A_207, %dma_start3A_208] : memref<512x32xf32, #tpu.memory_space<vmem>> -> memref<128x32xf32, #tpu.memory_space<vmem>>
            %dma_start3A_210 = arith.constant 0 : i32
            %dma_start3A_211 = tpu.memref_slice %arg8[%dma_start3A, %dma_start3A_210] : memref<16x128xi32, #tpu.memory_space<vmem>> -> memref<1x128xi32, #tpu.memory_space<vmem>>
            %dma_start3A_212 = tpu.memref_squeeze %dma_start3A_211 : memref<1x128xi32, #tpu.memory_space<vmem>> -> memref<128xi32, #tpu.memory_space<vmem>>
            %dma_start3A_213 = arith.constant 0 : i32
            %dma_start3A_214 = arith.constant 0 : i32
            %dma_start3A_215 = tpu.memref_slice %arg2[%dma_start3A_213, %dma_start3A_214] : memref<2709504x32xf32, #tpu.memory_space<hbm>> -> memref<2709504x32xf32, #tpu.memory_space<hbm>>
            tpu.enqueue_indirect_dma source(%dma_start3A_215 : memref<2709504x32xf32, #tpu.memory_space<hbm>>) target(%dma_start3A_209 : memref<128x32xf32, #tpu.memory_space<vmem>>) offsets(%dma_start3A_212 : memref<128xi32, #tpu.memory_space<vmem>>) semaphore(%arg10 : memref<!tpu.dma_semaphore, #tpu.memory_space<semaphore_mem>>)
            %dma_start3A_216 = arith.constant 1 : i32
            %dma_start3A_217 = arith.constant 128 : i32
            %dma_start3A_218 = arith.constant 0 : i32
            %dma_start3A_219 = tpu.memref_slice %arg7[%dma_start3A_217, %dma_start3A_218] : memref<512x32xf32, #tpu.memory_space<vmem>> -> memref<128x32xf32, #tpu.memory_space<vmem>>
            %dma_start3A_220 = arith.constant 0 : i32
            %dma_start3A_221 = tpu.memref_slice %arg8[%dma_start3A_216, %dma_start3A_220] : memref<16x128xi32, #tpu.memory_space<vmem>> -> memref<1x128xi32, #tpu.memory_space<vmem>>
            %dma_start3A_222 = tpu.memref_squeeze %dma_start3A_221 : memref<1x128xi32, #tpu.memory_space<vmem>> -> memref<128xi32, #tpu.memory_space<vmem>>
            %dma_start3A_223 = arith.constant 0 : i32
            %dma_start3A_224 = arith.constant 0 : i32
            %dma_start3A_225 = tpu.memref_slice %arg2[%dma_start3A_223, %dma_start3A_224] : memref<2709504x32xf32, #tpu.memory_space<hbm>> -> memref<2709504x32xf32, #tpu.memory_space<hbm>>
            tpu.enqueue_indirect_dma source(%dma_start3A_225 : memref<2709504x32xf32, #tpu.memory_space<hbm>>) target(%dma_start3A_219 : memref<128x32xf32, #tpu.memory_space<vmem>>) offsets(%dma_start3A_222 : memref<128xi32, #tpu.memory_space<vmem>>) semaphore(%arg10 : memref<!tpu.dma_semaphore, #tpu.memory_space<semaphore_mem>>)
            %dma_start3A_226 = arith.constant 2 : i32
            %dma_start3A_227 = arith.constant 256 : i32
            %dma_start3A_228 = arith.constant 0 : i32
            %dma_start3A_229 = tpu.memref_slice %arg7[%dma_start3A_227, %dma_start3A_228] : memref<512x32xf32, #tpu.memory_space<vmem>> -> memref<128x32xf32, #tpu.memory_space<vmem>>
            %dma_start3A_230 = arith.constant 0 : i32
            %dma_start3A_231 = tpu.memref_slice %arg8[%dma_start3A_226, %dma_start3A_230] : memref<16x128xi32, #tpu.memory_space<vmem>> -> memref<1x128xi32, #tpu.memory_space<vmem>>
            %dma_start3A_232 = tpu.memref_squeeze %dma_start3A_231 : memref<1x128xi32, #tpu.memory_space<vmem>> -> memref<128xi32, #tpu.memory_space<vmem>>
            %dma_start3A_233 = arith.constant 0 : i32
            %dma_start3A_234 = arith.constant 0 : i32
            %dma_start3A_235 = tpu.memref_slice %arg2[%dma_start3A_233, %dma_start3A_234] : memref<2709504x32xf32, #tpu.memory_space<hbm>> -> memref<2709504x32xf32, #tpu.memory_space<hbm>>
            tpu.enqueue_indirect_dma source(%dma_start3A_235 : memref<2709504x32xf32, #tpu.memory_space<hbm>>) target(%dma_start3A_229 : memref<128x32xf32, #tpu.memory_space<vmem>>) offsets(%dma_start3A_232 : memref<128xi32, #tpu.memory_space<vmem>>) semaphore(%arg10 : memref<!tpu.dma_semaphore, #tpu.memory_space<semaphore_mem>>)
            %dma_start3A_236 = arith.constant 3 : i32
            %dma_start3A_237 = arith.constant 384 : i32
            %dma_start3A_238 = arith.constant 0 : i32
            %dma_start3A_239 = tpu.memref_slice %arg7[%dma_start3A_237, %dma_start3A_238] : memref<512x32xf32, #tpu.memory_space<vmem>> -> memref<128x32xf32, #tpu.memory_space<vmem>>
            %dma_start3A_240 = arith.constant 0 : i32
            %dma_start3A_241 = tpu.memref_slice %arg8[%dma_start3A_236, %dma_start3A_240] : memref<16x128xi32, #tpu.memory_space<vmem>> -> memref<1x128xi32, #tpu.memory_space<vmem>>
            %dma_start3A_242 = tpu.memref_squeeze %dma_start3A_241 : memref<1x128xi32, #tpu.memory_space<vmem>> -> memref<128xi32, #tpu.memory_space<vmem>>
            %dma_start3A_243 = arith.constant 0 : i32
            %dma_start3A_244 = arith.constant 0 : i32
            %dma_start3A_245 = tpu.memref_slice %arg2[%dma_start3A_243, %dma_start3A_244] : memref<2709504x32xf32, #tpu.memory_space<hbm>> -> memref<2709504x32xf32, #tpu.memory_space<hbm>>
            tpu.enqueue_indirect_dma source(%dma_start3A_245 : memref<2709504x32xf32, #tpu.memory_space<hbm>>) target(%dma_start3A_239 : memref<128x32xf32, #tpu.memory_space<vmem>>) offsets(%dma_start3A_242 : memref<128xi32, #tpu.memory_space<vmem>>) semaphore(%arg10 : memref<!tpu.dma_semaphore, #tpu.memory_space<semaphore_mem>>)
            %dma_wait3A = arith.constant 0 : i32
            %dma_wait3A_246 = arith.constant 0 : i32
            %dma_wait3A_247 = arith.constant 0 : i32
            %dma_wait3A_248 = tpu.memref_slice %arg7[%dma_wait3A_246, %dma_wait3A_247] : memref<512x32xf32, #tpu.memory_space<vmem>> -> memref<128x32xf32, #tpu.memory_space<vmem>>
            %dma_wait3A_249 = arith.constant 0 : i32
            %dma_wait3A_250 = tpu.memref_slice %arg8[%dma_wait3A, %dma_wait3A_249] : memref<16x128xi32, #tpu.memory_space<vmem>> -> memref<1x128xi32, #tpu.memory_space<vmem>>
            %dma_wait3A_251 = tpu.memref_squeeze %dma_wait3A_250 : memref<1x128xi32, #tpu.memory_space<vmem>> -> memref<128xi32, #tpu.memory_space<vmem>>
            %dma_wait3A_252 = arith.constant 0 : i32
            %dma_wait3A_253 = arith.constant 0 : i32
            %dma_wait3A_254 = tpu.memref_slice %arg2[%dma_wait3A_252, %dma_wait3A_253] : memref<2709504x32xf32, #tpu.memory_space<hbm>> -> memref<2709504x32xf32, #tpu.memory_space<hbm>>
            tpu.wait_indirect_dma semaphore(%arg10 : memref<!tpu.dma_semaphore, #tpu.memory_space<semaphore_mem>>) src(%dma_wait3A_254 : memref<2709504x32xf32, #tpu.memory_space<hbm>>) dst(%dma_wait3A_248 : memref<128x32xf32, #tpu.memory_space<vmem>>)
            %dma_wait3A_255 = arith.constant 1 : i32
            %dma_wait3A_256 = arith.constant 128 : i32
            %dma_wait3A_257 = arith.constant 0 : i32
            %dma_wait3A_258 = tpu.memref_slice %arg7[%dma_wait3A_256, %dma_wait3A_257] : memref<512x32xf32, #tpu.memory_space<vmem>> -> memref<128x32xf32, #tpu.memory_space<vmem>>
            %dma_wait3A_259 = arith.constant 0 : i32
            %dma_wait3A_260 = tpu.memref_slice %arg8[%dma_wait3A_255, %dma_wait3A_259] : memref<16x128xi32, #tpu.memory_space<vmem>> -> memref<1x128xi32, #tpu.memory_space<vmem>>
            %dma_wait3A_261 = tpu.memref_squeeze %dma_wait3A_260 : memref<1x128xi32, #tpu.memory_space<vmem>> -> memref<128xi32, #tpu.memory_space<vmem>>
            %dma_wait3A_262 = arith.constant 0 : i32
            %dma_wait3A_263 = arith.constant 0 : i32
            %dma_wait3A_264 = tpu.memref_slice %arg2[%dma_wait3A_262, %dma_wait3A_263] : memref<2709504x32xf32, #tpu.memory_space<hbm>> -> memref<2709504x32xf32, #tpu.memory_space<hbm>>
            tpu.wait_indirect_dma semaphore(%arg10 : memref<!tpu.dma_semaphore, #tpu.memory_space<semaphore_mem>>) src(%dma_wait3A_264 : memref<2709504x32xf32, #tpu.memory_space<hbm>>) dst(%dma_wait3A_258 : memref<128x32xf32, #tpu.memory_space<vmem>>)
            %dma_wait3A_265 = arith.constant 2 : i32
            %dma_wait3A_266 = arith.constant 256 : i32
            %dma_wait3A_267 = arith.constant 0 : i32
            %dma_wait3A_268 = tpu.memref_slice %arg7[%dma_wait3A_266, %dma_wait3A_267] : memref<512x32xf32, #tpu.memory_space<vmem>> -> memref<128x32xf32, #tpu.memory_space<vmem>>
            %dma_wait3A_269 = arith.constant 0 : i32
            %dma_wait3A_270 = tpu.memref_slice %arg8[%dma_wait3A_265, %dma_wait3A_269] : memref<16x128xi32, #tpu.memory_space<vmem>> -> memref<1x128xi32, #tpu.memory_space<vmem>>
            %dma_wait3A_271 = tpu.memref_squeeze %dma_wait3A_270 : memref<1x128xi32, #tpu.memory_space<vmem>> -> memref<128xi32, #tpu.memory_space<vmem>>
            %dma_wait3A_272 = arith.constant 0 : i32
            %dma_wait3A_273 = arith.constant 0 : i32
            %dma_wait3A_274 = tpu.memref_slice %arg2[%dma_wait3A_272, %dma_wait3A_273] : memref<2709504x32xf32, #tpu.memory_space<hbm>> -> memref<2709504x32xf32, #tpu.memory_space<hbm>>
            tpu.wait_indirect_dma semaphore(%arg10 : memref<!tpu.dma_semaphore, #tpu.memory_space<semaphore_mem>>) src(%dma_wait3A_274 : memref<2709504x32xf32, #tpu.memory_space<hbm>>) dst(%dma_wait3A_268 : memref<128x32xf32, #tpu.memory_space<vmem>>)
            %dma_wait3A_275 = arith.constant 3 : i32
            %dma_wait3A_276 = arith.constant 384 : i32
            %dma_wait3A_277 = arith.constant 0 : i32
            %dma_wait3A_278 = tpu.memref_slice %arg7[%dma_wait3A_276, %dma_wait3A_277] : memref<512x32xf32, #tpu.memory_space<vmem>> -> memref<128x32xf32, #tpu.memory_space<vmem>>
            %dma_wait3A_279 = arith.constant 0 : i32
            %dma_wait3A_280 = tpu.memref_slice %arg8[%dma_wait3A_275, %dma_wait3A_279] : memref<16x128xi32, #tpu.memory_space<vmem>> -> memref<1x128xi32, #tpu.memory_space<vmem>>
            %dma_wait3A_281 = tpu.memref_squeeze %dma_wait3A_280 : memref<1x128xi32, #tpu.memory_space<vmem>> -> memref<128xi32, #tpu.memory_space<vmem>>
            %dma_wait3A_282 = arith.constant 0 : i32
            %dma_wait3A_283 = arith.constant 0 : i32
            %dma_wait3A_284 = tpu.memref_slice %arg2[%dma_wait3A_282, %dma_wait3A_283] : memref<2709504x32xf32, #tpu.memory_space<hbm>> -> memref<2709504x32xf32, #tpu.memory_space<hbm>>
            tpu.wait_indirect_dma semaphore(%arg10 : memref<!tpu.dma_semaphore, #tpu.memory_space<semaphore_mem>>) src(%dma_wait3A_284 : memref<2709504x32xf32, #tpu.memory_space<hbm>>) dst(%dma_wait3A_278 : memref<128x32xf32, #tpu.memory_space<vmem>>)
            %dma_start3A_285 = arith.constant 0 : i32
            %dma_start3A_286 = arith.constant 0 : i32
            %dma_start3A_287 = arith.constant 0 : i32
            %dma_start3A_288 = tpu.memref_slice %arg7[%dma_start3A_286, %dma_start3A_287] : memref<512x32xf32, #tpu.memory_space<vmem>> -> memref<128x32xf32, #tpu.memory_space<vmem>>
            %dma_start3A_289 = arith.constant 0 : i32
            %dma_start3A_290 = tpu.memref_slice %arg9[%dma_start3A_285, %dma_start3A_289] : memref<16x128xi32, #tpu.memory_space<vmem>> -> memref<1x128xi32, #tpu.memory_space<vmem>>
            %dma_start3A_291 = tpu.memref_squeeze %dma_start3A_290 : memref<1x128xi32, #tpu.memory_space<vmem>> -> memref<128xi32, #tpu.memory_space<vmem>>
            %dma_start3A_292 = arith.constant 0 : i32
            %dma_start3A_293 = arith.constant 0 : i32
            %dma_start3A_294 = tpu.memref_slice %arg6[%dma_start3A_292, %dma_start3A_293] : memref<50176x32xf32, #tpu.memory_space<vmem_shared>> -> memref<50176x32xf32, #tpu.memory_space<vmem_shared>>
            tpu.enqueue_indirect_dma source(%dma_start3A_288 : memref<128x32xf32, #tpu.memory_space<vmem>>) target(%dma_start3A_294 : memref<50176x32xf32, #tpu.memory_space<vmem_shared>>) offsets(%dma_start3A_291 : memref<128xi32, #tpu.memory_space<vmem>>) semaphore(%arg11 : memref<!tpu.dma_semaphore, #tpu.memory_space<semaphore_mem>>) {add = true}
            %dma_start3A_295 = arith.constant 1 : i32
            %dma_start3A_296 = arith.constant 128 : i32
            %dma_start3A_297 = arith.constant 0 : i32
            %dma_start3A_298 = tpu.memref_slice %arg7[%dma_start3A_296, %dma_start3A_297] : memref<512x32xf32, #tpu.memory_space<vmem>> -> memref<128x32xf32, #tpu.memory_space<vmem>>
            %dma_start3A_299 = arith.constant 0 : i32
            %dma_start3A_300 = tpu.memref_slice %arg9[%dma_start3A_295, %dma_start3A_299] : memref<16x128xi32, #tpu.memory_space<vmem>> -> memref<1x128xi32, #tpu.memory_space<vmem>>
            %dma_start3A_301 = tpu.memref_squeeze %dma_start3A_300 : memref<1x128xi32, #tpu.memory_space<vmem>> -> memref<128xi32, #tpu.memory_space<vmem>>
            %dma_start3A_302 = arith.constant 0 : i32
            %dma_start3A_303 = arith.constant 0 : i32
            %dma_start3A_304 = tpu.memref_slice %arg6[%dma_start3A_302, %dma_start3A_303] : memref<50176x32xf32, #tpu.memory_space<vmem_shared>> -> memref<50176x32xf32, #tpu.memory_space<vmem_shared>>
            tpu.enqueue_indirect_dma source(%dma_start3A_298 : memref<128x32xf32, #tpu.memory_space<vmem>>) target(%dma_start3A_304 : memref<50176x32xf32, #tpu.memory_space<vmem_shared>>) offsets(%dma_start3A_301 : memref<128xi32, #tpu.memory_space<vmem>>) semaphore(%arg11 : memref<!tpu.dma_semaphore, #tpu.memory_space<semaphore_mem>>) {add = true}
            %dma_start3A_305 = arith.constant 2 : i32
            %dma_start3A_306 = arith.constant 256 : i32
            %dma_start3A_307 = arith.constant 0 : i32
            %dma_start3A_308 = tpu.memref_slice %arg7[%dma_start3A_306, %dma_start3A_307] : memref<512x32xf32, #tpu.memory_space<vmem>> -> memref<128x32xf32, #tpu.memory_space<vmem>>
            %dma_start3A_309 = arith.constant 0 : i32
            %dma_start3A_310 = tpu.memref_slice %arg9[%dma_start3A_305, %dma_start3A_309] : memref<16x128xi32, #tpu.memory_space<vmem>> -> memref<1x128xi32, #tpu.memory_space<vmem>>
            %dma_start3A_311 = tpu.memref_squeeze %dma_start3A_310 : memref<1x128xi32, #tpu.memory_space<vmem>> -> memref<128xi32, #tpu.memory_space<vmem>>
            %dma_start3A_312 = arith.constant 0 : i32
            %dma_start3A_313 = arith.constant 0 : i32
            %dma_start3A_314 = tpu.memref_slice %arg6[%dma_start3A_312, %dma_start3A_313] : memref<50176x32xf32, #tpu.memory_space<vmem_shared>> -> memref<50176x32xf32, #tpu.memory_space<vmem_shared>>
            tpu.enqueue_indirect_dma source(%dma_start3A_308 : memref<128x32xf32, #tpu.memory_space<vmem>>) target(%dma_start3A_314 : memref<50176x32xf32, #tpu.memory_space<vmem_shared>>) offsets(%dma_start3A_311 : memref<128xi32, #tpu.memory_space<vmem>>) semaphore(%arg11 : memref<!tpu.dma_semaphore, #tpu.memory_space<semaphore_mem>>) {add = true}
            %dma_start3A_315 = arith.constant 3 : i32
            %dma_start3A_316 = arith.constant 384 : i32
            %dma_start3A_317 = arith.constant 0 : i32
            %dma_start3A_318 = tpu.memref_slice %arg7[%dma_start3A_316, %dma_start3A_317] : memref<512x32xf32, #tpu.memory_space<vmem>> -> memref<128x32xf32, #tpu.memory_space<vmem>>
            %dma_start3A_319 = arith.constant 0 : i32
            %dma_start3A_320 = tpu.memref_slice %arg9[%dma_start3A_315, %dma_start3A_319] : memref<16x128xi32, #tpu.memory_space<vmem>> -> memref<1x128xi32, #tpu.memory_space<vmem>>
            %dma_start3A_321 = tpu.memref_squeeze %dma_start3A_320 : memref<1x128xi32, #tpu.memory_space<vmem>> -> memref<128xi32, #tpu.memory_space<vmem>>
            %dma_start3A_322 = arith.constant 0 : i32
            %dma_start3A_323 = arith.constant 0 : i32
            %dma_start3A_324 = tpu.memref_slice %arg6[%dma_start3A_322, %dma_start3A_323] : memref<50176x32xf32, #tpu.memory_space<vmem_shared>> -> memref<50176x32xf32, #tpu.memory_space<vmem_shared>>
            tpu.enqueue_indirect_dma source(%dma_start3A_318 : memref<128x32xf32, #tpu.memory_space<vmem>>) target(%dma_start3A_324 : memref<50176x32xf32, #tpu.memory_space<vmem_shared>>) offsets(%dma_start3A_321 : memref<128xi32, #tpu.memory_space<vmem>>) semaphore(%arg11 : memref<!tpu.dma_semaphore, #tpu.memory_space<semaphore_mem>>) {add = true}
            %dma_wait3A_325 = arith.constant 0 : i32
            %dma_wait3A_326 = arith.constant 0 : i32
            %dma_wait3A_327 = arith.constant 0 : i32
            %dma_wait3A_328 = tpu.memref_slice %arg7[%dma_wait3A_326, %dma_wait3A_327] : memref<512x32xf32, #tpu.memory_space<vmem>> -> memref<128x32xf32, #tpu.memory_space<vmem>>
            %dma_wait3A_329 = arith.constant 0 : i32
            %dma_wait3A_330 = tpu.memref_slice %arg9[%dma_wait3A_325, %dma_wait3A_329] : memref<16x128xi32, #tpu.memory_space<vmem>> -> memref<1x128xi32, #tpu.memory_space<vmem>>
            %dma_wait3A_331 = tpu.memref_squeeze %dma_wait3A_330 : memref<1x128xi32, #tpu.memory_space<vmem>> -> memref<128xi32, #tpu.memory_space<vmem>>
            %dma_wait3A_332 = arith.constant 0 : i32
            %dma_wait3A_333 = arith.constant 0 : i32
            %dma_wait3A_334 = tpu.memref_slice %arg6[%dma_wait3A_332, %dma_wait3A_333] : memref<50176x32xf32, #tpu.memory_space<vmem_shared>> -> memref<50176x32xf32, #tpu.memory_space<vmem_shared>>
            tpu.wait_indirect_dma semaphore(%arg11 : memref<!tpu.dma_semaphore, #tpu.memory_space<semaphore_mem>>) src(%dma_wait3A_328 : memref<128x32xf32, #tpu.memory_space<vmem>>) dst(%dma_wait3A_334 : memref<50176x32xf32, #tpu.memory_space<vmem_shared>>)
            %dma_wait3A_335 = arith.constant 1 : i32
            %dma_wait3A_336 = arith.constant 128 : i32
            %dma_wait3A_337 = arith.constant 0 : i32
            %dma_wait3A_338 = tpu.memref_slice %arg7[%dma_wait3A_336, %dma_wait3A_337] : memref<512x32xf32, #tpu.memory_space<vmem>> -> memref<128x32xf32, #tpu.memory_space<vmem>>
            %dma_wait3A_339 = arith.constant 0 : i32
            %dma_wait3A_340 = tpu.memref_slice %arg9[%dma_wait3A_335, %dma_wait3A_339] : memref<16x128xi32, #tpu.memory_space<vmem>> -> memref<1x128xi32, #tpu.memory_space<vmem>>
            %dma_wait3A_341 = tpu.memref_squeeze %dma_wait3A_340 : memref<1x128xi32, #tpu.memory_space<vmem>> -> memref<128xi32, #tpu.memory_space<vmem>>
            %dma_wait3A_342 = arith.constant 0 : i32
            %dma_wait3A_343 = arith.constant 0 : i32
            %dma_wait3A_344 = tpu.memref_slice %arg6[%dma_wait3A_342, %dma_wait3A_343] : memref<50176x32xf32, #tpu.memory_space<vmem_shared>> -> memref<50176x32xf32, #tpu.memory_space<vmem_shared>>
            tpu.wait_indirect_dma semaphore(%arg11 : memref<!tpu.dma_semaphore, #tpu.memory_space<semaphore_mem>>) src(%dma_wait3A_338 : memref<128x32xf32, #tpu.memory_space<vmem>>) dst(%dma_wait3A_344 : memref<50176x32xf32, #tpu.memory_space<vmem_shared>>)
            %dma_wait3A_345 = arith.constant 2 : i32
            %dma_wait3A_346 = arith.constant 256 : i32
            %dma_wait3A_347 = arith.constant 0 : i32
            %dma_wait3A_348 = tpu.memref_slice %arg7[%dma_wait3A_346, %dma_wait3A_347] : memref<512x32xf32, #tpu.memory_space<vmem>> -> memref<128x32xf32, #tpu.memory_space<vmem>>
            %dma_wait3A_349 = arith.constant 0 : i32
            %dma_wait3A_350 = tpu.memref_slice %arg9[%dma_wait3A_345, %dma_wait3A_349] : memref<16x128xi32, #tpu.memory_space<vmem>> -> memref<1x128xi32, #tpu.memory_space<vmem>>
            %dma_wait3A_351 = tpu.memref_squeeze %dma_wait3A_350 : memref<1x128xi32, #tpu.memory_space<vmem>> -> memref<128xi32, #tpu.memory_space<vmem>>
            %dma_wait3A_352 = arith.constant 0 : i32
            %dma_wait3A_353 = arith.constant 0 : i32
            %dma_wait3A_354 = tpu.memref_slice %arg6[%dma_wait3A_352, %dma_wait3A_353] : memref<50176x32xf32, #tpu.memory_space<vmem_shared>> -> memref<50176x32xf32, #tpu.memory_space<vmem_shared>>
            tpu.wait_indirect_dma semaphore(%arg11 : memref<!tpu.dma_semaphore, #tpu.memory_space<semaphore_mem>>) src(%dma_wait3A_348 : memref<128x32xf32, #tpu.memory_space<vmem>>) dst(%dma_wait3A_354 : memref<50176x32xf32, #tpu.memory_space<vmem_shared>>)
            %dma_wait3A_355 = arith.constant 3 : i32
            %dma_wait3A_356 = arith.constant 384 : i32
            %dma_wait3A_357 = arith.constant 0 : i32
            %dma_wait3A_358 = tpu.memref_slice %arg7[%dma_wait3A_356, %dma_wait3A_357] : memref<512x32xf32, #tpu.memory_space<vmem>> -> memref<128x32xf32, #tpu.memory_space<vmem>>
            %dma_wait3A_359 = arith.constant 0 : i32
            %dma_wait3A_360 = tpu.memref_slice %arg9[%dma_wait3A_355, %dma_wait3A_359] : memref<16x128xi32, #tpu.memory_space<vmem>> -> memref<1x128xi32, #tpu.memory_space<vmem>>
            %dma_wait3A_361 = tpu.memref_squeeze %dma_wait3A_360 : memref<1x128xi32, #tpu.memory_space<vmem>> -> memref<128xi32, #tpu.memory_space<vmem>>
            %dma_wait3A_362 = arith.constant 0 : i32
            %dma_wait3A_363 = arith.constant 0 : i32
            %dma_wait3A_364 = tpu.memref_slice %arg6[%dma_wait3A_362, %dma_wait3A_363] : memref<50176x32xf32, #tpu.memory_space<vmem_shared>> -> memref<50176x32xf32, #tpu.memory_space<vmem_shared>>
            tpu.wait_indirect_dma semaphore(%arg11 : memref<!tpu.dma_semaphore, #tpu.memory_space<semaphore_mem>>) src(%dma_wait3A_358 : memref<128x32xf32, #tpu.memory_space<vmem>>) dst(%dma_wait3A_364 : memref<50176x32xf32, #tpu.memory_space<vmem_shared>>)
          } else {
          }
          %get3A_107 = arith.constant 4 : i32
          %get3A_108 = arith.index_cast %get3A_107 : i32 to index
          %get3A_109 = arith.constant 0 : index
          %get3A_110 = tpu.vector_load %arg9[%get3A_108, %get3A_109] {strides = array<i32>} : memref<16x128xi32, #tpu.memory_space<vmem>>, vector<1x16xi32>,
          %get3A_111 = vector.shape_cast %get3A_110 : vector<1x16xi32> to vector<16xi32>
          %slice3A_112 = vector.extract_strided_slice %get3A_111 {offsets = [0], sizes = [1], strides = [1]} : vector<16xi32> to vector<1xi32>
          %squeeze3A_113 = vector.extract %slice3A_112[0] : i32 from vector<1xi32>
          %get3A_114 = arith.constant 7 : i32
          %get3A_115 = arith.index_cast %get3A_114 : i32 to index
          %get3A_116 = arith.constant 112 : index
          %get3A_117 = tpu.vector_load %arg9[%get3A_115, %get3A_116] {strides = array<i32>} : memref<16x128xi32, #tpu.memory_space<vmem>>, vector<1x16xi32>,
          %get3A_118 = vector.shape_cast %get3A_117 : vector<1x16xi32> to vector<16xi32>
          %slice3A_119 = vector.extract_strided_slice %get3A_118 {offsets = [15], sizes = [1], strides = [1]} : vector<16xi32> to vector<1xi32>
          %squeeze3A_120 = vector.extract %slice3A_119[0] : i32 from vector<1xi32>
          %eq3A_121 = arith.constant 0 : i32
          %eq3A_122 = arith.cmpi eq, %arg0, %eq3A_121 : i32
          %lt3A_123 = arith.constant 50000 : i32
          %lt3A_124 = arith.cmpi slt, %squeeze3A_113, %lt3A_123 : i32
          %and3A_125 = arith.andi %eq3A_122, %lt3A_124 : i1
          %eq3A_126 = arith.constant 1 : i32
          %eq3A_127 = arith.cmpi eq, %arg0, %eq3A_126 : i32
          %ge3A_128 = arith.constant 50000 : i32
          %ge3A_129 = arith.cmpi sge, %squeeze3A_120, %ge3A_128 : i32
          %lt3A_130 = arith.constant 100000 : i32
          %lt3A_131 = arith.cmpi slt, %squeeze3A_113, %lt3A_130 : i32
          %and3A_132 = arith.andi %ge3A_129, %lt3A_131 : i1
          %and3A_133 = arith.andi %eq3A_127, %and3A_132 : i1
          %or3A_134 = arith.ori %and3A_125, %and3A_133 : i1
          %convert_element_type3A_135 = arith.extui %or3A_134 : i1 to i32
          %cond3A_136 = arith.constant 0 : i32
          %cond3A_137 = arith.cmpi ne, %convert_element_type3A_135, %cond3A_136 : i32
          scf.if %cond3A_137 {
            %scan3A_200 = arith.constant 0 : i32
            %scan3A_201 = arith.constant 0 : i32
            %scan3A_202 = arith.constant 32 : i32
            %scan3A_203 = arith.addi %scan3A_201, %scan3A_202 : i32
            %scan3A_204 = arith.constant 1 : i32
            %scan3A_205 = scf.for %scan3A_365 = %scan3A_201 to %scan3A_203 step %scan3A_204 iter_args(%scan3A_366 = %scan3A_200) -> (i32)  : i32 {
              %jit3A_367 = arith.constant 8 : i32
              %div3A_368 = arith.divsi %scan3A_365, %jit3A_367 : i32
              %sign3A_369 = arith.constant 0 : i32
              %sign3A_370 = arith.cmpi sgt, %scan3A_365, %sign3A_369 : i32
              %sign3A_371 = arith.extui %sign3A_370 : i1 to i32
              %sign3A_372 = arith.constant 0 : i32
              %sign3A_373 = arith.cmpi slt, %scan3A_365, %sign3A_372 : i32
              %sign3A_374 = arith.extui %sign3A_373 : i1 to i32
              %sign3A_375 = arith.subi %sign3A_371, %sign3A_374 : i32
              %sign3A_376 = arith.constant 0 : i32
              %sign3A_377 = arith.cmpi sgt, %jit3A_367, %sign3A_376 : i32
              %sign3A_378 = arith.extui %sign3A_377 : i1 to i32
              %sign3A_379 = arith.constant 0 : i32
              %sign3A_380 = arith.cmpi slt, %jit3A_367, %sign3A_379 : i32
              %sign3A_381 = arith.extui %sign3A_380 : i1 to i32
              %sign3A_382 = arith.subi %sign3A_378, %sign3A_381 : i32
              %ne3A_383 = arith.cmpi ne, %sign3A_375, %sign3A_382 : i32
              %rem3A_384 = arith.remsi %scan3A_365, %jit3A_367 : i32
              %ne3A_385 = arith.constant 0 : i32
              %ne3A_386 = arith.cmpi ne, %rem3A_384, %ne3A_385 : i32
              %and3A_387 = arith.andi %ne3A_383, %ne3A_386 : i1
              %sub3A_388 = arith.constant 1 : i32
              %sub3A_389 = arith.subi %div3A_368, %sub3A_388 : i32
              %select_n3A_390 = arith.select %and3A_387, %sub3A_389, %div3A_368 : i32
              %add3A_391 = arith.constant 4 : i32
              %add3A_392 = arith.addi %add3A_391, %select_n3A_390 : i32
              %jit3A_393 = arith.constant 8 : i32
              %eq3A_394 = arith.constant 0 : i32
              %eq3A_395 = arith.cmpi eq, %jit3A_393, %eq3A_394 : i32
              %jit3A_396 = arith.constant 1 : i32
              %select_n3A_397 = arith.select %eq3A_395, %jit3A_396, %jit3A_393 : i32
              %rem3A_398 = arith.remsi %scan3A_365, %select_n3A_397 : i32
              %ne3A_399 = arith.constant 0 : i32
              %ne3A_400 = arith.cmpi ne, %rem3A_398, %ne3A_399 : i32
              %lt3A_401 = arith.constant 0 : i32
              %lt3A_402 = arith.cmpi slt, %rem3A_398, %lt3A_401 : i32
              %lt3A_403 = arith.constant 0 : i32
              %lt3A_404 = arith.cmpi slt, %select_n3A_397, %lt3A_403 : i32
              %ne3A_405 = arith.xori %lt3A_402, %lt3A_404 : i1
              %and3A_406 = arith.andi %ne3A_405, %ne3A_400 : i1
              %add3A_407 = arith.addi %rem3A_398, %select_n3A_397 : i32
              %select_n3A_408 = arith.select %and3A_406, %add3A_407, %rem3A_398 : i32
              %mul3A_409 = arith.constant 16 : i32
              %mul3A_410 = arith.muli %select_n3A_408, %mul3A_409 : i32
              %get3A_411 = arith.index_cast %add3A_392 : i32 to index
              %get3A_412 = arith.index_cast %mul3A_410 : i32 to index
              %get3A_413 = tpu.vector_load %arg9[%get3A_411, %get3A_412] {strides = array<i32>} : memref<16x128xi32, #tpu.memory_space<vmem>>, vector<1x16xi32>,
              %get3A_414 = vector.shape_cast %get3A_413 : vector<1x16xi32> to vector<16xi32>
              %ge3A_415 = arith.cmpi sge, %get3A_414, %broadcast_in_dim3A_15 : vector<16xi32>
              %lt3A_416 = arith.cmpi slt, %get3A_414, %broadcast_in_dim3A_17 : vector<16xi32>
              %and3A_417 = arith.andi %ge3A_415, %lt3A_416 : vector<16xi1>
              %sub3A_418 = arith.subi %get3A_414, %broadcast_in_dim3A_15 : vector<16xi32>
              %select_n3A_419 = arith.select %and3A_417, %sub3A_418, %broadcast_in_dim3A_19 : vector<16xi1>, vector<16xi32>
              %swap3A = arith.index_cast %add3A_392 : i32 to index
              %swap3A_420 = arith.index_cast %mul3A_410 : i32 to index
              %swap3A_421 = tpu.vector_load %arg9[%swap3A, %swap3A_420] {strides = array<i32>} : memref<16x128xi32, #tpu.memory_space<vmem>>, vector<1x16xi32>,
              %swap3A_422 = vector.shape_cast %swap3A_421 : vector<1x16xi32> to vector<16xi32>
              %swap3A_423 = vector.shape_cast %select_n3A_419 : vector<16xi32> to vector<1x16xi32>
              tpu.vector_store %arg9[%swap3A, %swap3A_420], %swap3A_423 {strides = array<i32>} : memref<16x128xi32, #tpu.memory_space<vmem>>, vector<1x16xi32>,
              %get3A_424 = arith.index_cast %add3A_392 : i32 to index
              %get3A_425 = arith.index_cast %mul3A_410 : i32 to index
              %get3A_426 = tpu.vector_load %arg8[%get3A_424, %get3A_425] {strides = array<i32>} : memref<16x128xi32, #tpu.memory_space<vmem>>, vector<1x16xi32>,
              %get3A_427 = vector.shape_cast %get3A_426 : vector<1x16xi32> to vector<16xi32>
              %add3A_428 = arith.addi %get3A_427, %broadcast_in_dim3A_39 : vector<16xi32>
              %swap3A_429 = arith.index_cast %add3A_392 : i32 to index
              %swap3A_430 = arith.index_cast %mul3A_410 : i32 to index
              %swap3A_431 = tpu.vector_load %arg8[%swap3A_429, %swap3A_430] {strides = array<i32>} : memref<16x128xi32, #tpu.memory_space<vmem>>, vector<1x16xi32>,
              %swap3A_432 = vector.shape_cast %swap3A_431 : vector<1x16xi32> to vector<16xi32>
              %swap3A_433 = vector.shape_cast %add3A_428 : vector<16xi32> to vector<1x16xi32>
              tpu.vector_store %arg8[%swap3A_429, %swap3A_430], %swap3A_433 {strides = array<i32>} : memref<16x128xi32, #tpu.memory_space<vmem>>, vector<1x16xi32>,
              %scan3A_434 = arith.constant 0 : i32
              scf.yield %scan3A_434 : i32
            }
            %scan3A_206 = arith.constant 32 : i32
            %dma_start3A = arith.constant 4 : i32
            %dma_start3A_207 = arith.constant 0 : i32
            %dma_start3A_208 = arith.constant 0 : i32
            %dma_start3A_209 = tpu.memref_slice %arg7[%dma_start3A_207, %dma_start3A_208] : memref<512x32xf32, #tpu.memory_space<vmem>> -> memref<128x32xf32, #tpu.memory_space<vmem>>
            %dma_start3A_210 = arith.constant 0 : i32
            %dma_start3A_211 = tpu.memref_slice %arg8[%dma_start3A, %dma_start3A_210] : memref<16x128xi32, #tpu.memory_space<vmem>> -> memref<1x128xi32, #tpu.memory_space<vmem>>
            %dma_start3A_212 = tpu.memref_squeeze %dma_start3A_211 : memref<1x128xi32, #tpu.memory_space<vmem>> -> memref<128xi32, #tpu.memory_space<vmem>>
            %dma_start3A_213 = arith.constant 0 : i32
            %dma_start3A_214 = arith.constant 0 : i32
            %dma_start3A_215 = tpu.memref_slice %arg2[%dma_start3A_213, %dma_start3A_214] : memref<2709504x32xf32, #tpu.memory_space<hbm>> -> memref<2709504x32xf32, #tpu.memory_space<hbm>>
            tpu.enqueue_indirect_dma source(%dma_start3A_215 : memref<2709504x32xf32, #tpu.memory_space<hbm>>) target(%dma_start3A_209 : memref<128x32xf32, #tpu.memory_space<vmem>>) offsets(%dma_start3A_212 : memref<128xi32, #tpu.memory_space<vmem>>) semaphore(%arg10 : memref<!tpu.dma_semaphore, #tpu.memory_space<semaphore_mem>>)
            %dma_start3A_216 = arith.constant 5 : i32
            %dma_start3A_217 = arith.constant 128 : i32
            %dma_start3A_218 = arith.constant 0 : i32
            %dma_start3A_219 = tpu.memref_slice %arg7[%dma_start3A_217, %dma_start3A_218] : memref<512x32xf32, #tpu.memory_space<vmem>> -> memref<128x32xf32, #tpu.memory_space<vmem>>
            %dma_start3A_220 = arith.constant 0 : i32
            %dma_start3A_221 = tpu.memref_slice %arg8[%dma_start3A_216, %dma_start3A_220] : memref<16x128xi32, #tpu.memory_space<vmem>> -> memref<1x128xi32, #tpu.memory_space<vmem>>
            %dma_start3A_222 = tpu.memref_squeeze %dma_start3A_221 : memref<1x128xi32, #tpu.memory_space<vmem>> -> memref<128xi32, #tpu.memory_space<vmem>>
            %dma_start3A_223 = arith.constant 0 : i32
            %dma_start3A_224 = arith.constant 0 : i32
            %dma_start3A_225 = tpu.memref_slice %arg2[%dma_start3A_223, %dma_start3A_224] : memref<2709504x32xf32, #tpu.memory_space<hbm>> -> memref<2709504x32xf32, #tpu.memory_space<hbm>>
            tpu.enqueue_indirect_dma source(%dma_start3A_225 : memref<2709504x32xf32, #tpu.memory_space<hbm>>) target(%dma_start3A_219 : memref<128x32xf32, #tpu.memory_space<vmem>>) offsets(%dma_start3A_222 : memref<128xi32, #tpu.memory_space<vmem>>) semaphore(%arg10 : memref<!tpu.dma_semaphore, #tpu.memory_space<semaphore_mem>>)
            %dma_start3A_226 = arith.constant 6 : i32
            %dma_start3A_227 = arith.constant 256 : i32
            %dma_start3A_228 = arith.constant 0 : i32
            %dma_start3A_229 = tpu.memref_slice %arg7[%dma_start3A_227, %dma_start3A_228] : memref<512x32xf32, #tpu.memory_space<vmem>> -> memref<128x32xf32, #tpu.memory_space<vmem>>
            %dma_start3A_230 = arith.constant 0 : i32
            %dma_start3A_231 = tpu.memref_slice %arg8[%dma_start3A_226, %dma_start3A_230] : memref<16x128xi32, #tpu.memory_space<vmem>> -> memref<1x128xi32, #tpu.memory_space<vmem>>
            %dma_start3A_232 = tpu.memref_squeeze %dma_start3A_231 : memref<1x128xi32, #tpu.memory_space<vmem>> -> memref<128xi32, #tpu.memory_space<vmem>>
            %dma_start3A_233 = arith.constant 0 : i32
            %dma_start3A_234 = arith.constant 0 : i32
            %dma_start3A_235 = tpu.memref_slice %arg2[%dma_start3A_233, %dma_start3A_234] : memref<2709504x32xf32, #tpu.memory_space<hbm>> -> memref<2709504x32xf32, #tpu.memory_space<hbm>>
            tpu.enqueue_indirect_dma source(%dma_start3A_235 : memref<2709504x32xf32, #tpu.memory_space<hbm>>) target(%dma_start3A_229 : memref<128x32xf32, #tpu.memory_space<vmem>>) offsets(%dma_start3A_232 : memref<128xi32, #tpu.memory_space<vmem>>) semaphore(%arg10 : memref<!tpu.dma_semaphore, #tpu.memory_space<semaphore_mem>>)
            %dma_start3A_236 = arith.constant 7 : i32
            %dma_start3A_237 = arith.constant 384 : i32
            %dma_start3A_238 = arith.constant 0 : i32
            %dma_start3A_239 = tpu.memref_slice %arg7[%dma_start3A_237, %dma_start3A_238] : memref<512x32xf32, #tpu.memory_space<vmem>> -> memref<128x32xf32, #tpu.memory_space<vmem>>
            %dma_start3A_240 = arith.constant 0 : i32
            %dma_start3A_241 = tpu.memref_slice %arg8[%dma_start3A_236, %dma_start3A_240] : memref<16x128xi32, #tpu.memory_space<vmem>> -> memref<1x128xi32, #tpu.memory_space<vmem>>
            %dma_start3A_242 = tpu.memref_squeeze %dma_start3A_241 : memref<1x128xi32, #tpu.memory_space<vmem>> -> memref<128xi32, #tpu.memory_space<vmem>>
            %dma_start3A_243 = arith.constant 0 : i32
            %dma_start3A_244 = arith.constant 0 : i32
            %dma_start3A_245 = tpu.memref_slice %arg2[%dma_start3A_243, %dma_start3A_244] : memref<2709504x32xf32, #tpu.memory_space<hbm>> -> memref<2709504x32xf32, #tpu.memory_space<hbm>>
            tpu.enqueue_indirect_dma source(%dma_start3A_245 : memref<2709504x32xf32, #tpu.memory_space<hbm>>) target(%dma_start3A_239 : memref<128x32xf32, #tpu.memory_space<vmem>>) offsets(%dma_start3A_242 : memref<128xi32, #tpu.memory_space<vmem>>) semaphore(%arg10 : memref<!tpu.dma_semaphore, #tpu.memory_space<semaphore_mem>>)
            %dma_wait3A = arith.constant 4 : i32
            %dma_wait3A_246 = arith.constant 0 : i32
            %dma_wait3A_247 = arith.constant 0 : i32
            %dma_wait3A_248 = tpu.memref_slice %arg7[%dma_wait3A_246, %dma_wait3A_247] : memref<512x32xf32, #tpu.memory_space<vmem>> -> memref<128x32xf32, #tpu.memory_space<vmem>>
            %dma_wait3A_249 = arith.constant 0 : i32
            %dma_wait3A_250 = tpu.memref_slice %arg8[%dma_wait3A, %dma_wait3A_249] : memref<16x128xi32, #tpu.memory_space<vmem>> -> memref<1x128xi32, #tpu.memory_space<vmem>>
            %dma_wait3A_251 = tpu.memref_squeeze %dma_wait3A_250 : memref<1x128xi32, #tpu.memory_space<vmem>> -> memref<128xi32, #tpu.memory_space<vmem>>
            %dma_wait3A_252 = arith.constant 0 : i32
            %dma_wait3A_253 = arith.constant 0 : i32
            %dma_wait3A_254 = tpu.memref_slice %arg2[%dma_wait3A_252, %dma_wait3A_253] : memref<2709504x32xf32, #tpu.memory_space<hbm>> -> memref<2709504x32xf32, #tpu.memory_space<hbm>>
            tpu.wait_indirect_dma semaphore(%arg10 : memref<!tpu.dma_semaphore, #tpu.memory_space<semaphore_mem>>) src(%dma_wait3A_254 : memref<2709504x32xf32, #tpu.memory_space<hbm>>) dst(%dma_wait3A_248 : memref<128x32xf32, #tpu.memory_space<vmem>>)
            %dma_wait3A_255 = arith.constant 5 : i32
            %dma_wait3A_256 = arith.constant 128 : i32
            %dma_wait3A_257 = arith.constant 0 : i32
            %dma_wait3A_258 = tpu.memref_slice %arg7[%dma_wait3A_256, %dma_wait3A_257] : memref<512x32xf32, #tpu.memory_space<vmem>> -> memref<128x32xf32, #tpu.memory_space<vmem>>
            %dma_wait3A_259 = arith.constant 0 : i32
            %dma_wait3A_260 = tpu.memref_slice %arg8[%dma_wait3A_255, %dma_wait3A_259] : memref<16x128xi32, #tpu.memory_space<vmem>> -> memref<1x128xi32, #tpu.memory_space<vmem>>
            %dma_wait3A_261 = tpu.memref_squeeze %dma_wait3A_260 : memref<1x128xi32, #tpu.memory_space<vmem>> -> memref<128xi32, #tpu.memory_space<vmem>>
            %dma_wait3A_262 = arith.constant 0 : i32
            %dma_wait3A_263 = arith.constant 0 : i32
            %dma_wait3A_264 = tpu.memref_slice %arg2[%dma_wait3A_262, %dma_wait3A_263] : memref<2709504x32xf32, #tpu.memory_space<hbm>> -> memref<2709504x32xf32, #tpu.memory_space<hbm>>
            tpu.wait_indirect_dma semaphore(%arg10 : memref<!tpu.dma_semaphore, #tpu.memory_space<semaphore_mem>>) src(%dma_wait3A_264 : memref<2709504x32xf32, #tpu.memory_space<hbm>>) dst(%dma_wait3A_258 : memref<128x32xf32, #tpu.memory_space<vmem>>)
            %dma_wait3A_265 = arith.constant 6 : i32
            %dma_wait3A_266 = arith.constant 256 : i32
            %dma_wait3A_267 = arith.constant 0 : i32
            %dma_wait3A_268 = tpu.memref_slice %arg7[%dma_wait3A_266, %dma_wait3A_267] : memref<512x32xf32, #tpu.memory_space<vmem>> -> memref<128x32xf32, #tpu.memory_space<vmem>>
            %dma_wait3A_269 = arith.constant 0 : i32
            %dma_wait3A_270 = tpu.memref_slice %arg8[%dma_wait3A_265, %dma_wait3A_269] : memref<16x128xi32, #tpu.memory_space<vmem>> -> memref<1x128xi32, #tpu.memory_space<vmem>>
            %dma_wait3A_271 = tpu.memref_squeeze %dma_wait3A_270 : memref<1x128xi32, #tpu.memory_space<vmem>> -> memref<128xi32, #tpu.memory_space<vmem>>
            %dma_wait3A_272 = arith.constant 0 : i32
            %dma_wait3A_273 = arith.constant 0 : i32
            %dma_wait3A_274 = tpu.memref_slice %arg2[%dma_wait3A_272, %dma_wait3A_273] : memref<2709504x32xf32, #tpu.memory_space<hbm>> -> memref<2709504x32xf32, #tpu.memory_space<hbm>>
            tpu.wait_indirect_dma semaphore(%arg10 : memref<!tpu.dma_semaphore, #tpu.memory_space<semaphore_mem>>) src(%dma_wait3A_274 : memref<2709504x32xf32, #tpu.memory_space<hbm>>) dst(%dma_wait3A_268 : memref<128x32xf32, #tpu.memory_space<vmem>>)
            %dma_wait3A_275 = arith.constant 7 : i32
            %dma_wait3A_276 = arith.constant 384 : i32
            %dma_wait3A_277 = arith.constant 0 : i32
            %dma_wait3A_278 = tpu.memref_slice %arg7[%dma_wait3A_276, %dma_wait3A_277] : memref<512x32xf32, #tpu.memory_space<vmem>> -> memref<128x32xf32, #tpu.memory_space<vmem>>
            %dma_wait3A_279 = arith.constant 0 : i32
            %dma_wait3A_280 = tpu.memref_slice %arg8[%dma_wait3A_275, %dma_wait3A_279] : memref<16x128xi32, #tpu.memory_space<vmem>> -> memref<1x128xi32, #tpu.memory_space<vmem>>
            %dma_wait3A_281 = tpu.memref_squeeze %dma_wait3A_280 : memref<1x128xi32, #tpu.memory_space<vmem>> -> memref<128xi32, #tpu.memory_space<vmem>>
            %dma_wait3A_282 = arith.constant 0 : i32
            %dma_wait3A_283 = arith.constant 0 : i32
            %dma_wait3A_284 = tpu.memref_slice %arg2[%dma_wait3A_282, %dma_wait3A_283] : memref<2709504x32xf32, #tpu.memory_space<hbm>> -> memref<2709504x32xf32, #tpu.memory_space<hbm>>
            tpu.wait_indirect_dma semaphore(%arg10 : memref<!tpu.dma_semaphore, #tpu.memory_space<semaphore_mem>>) src(%dma_wait3A_284 : memref<2709504x32xf32, #tpu.memory_space<hbm>>) dst(%dma_wait3A_278 : memref<128x32xf32, #tpu.memory_space<vmem>>)
            %dma_start3A_285 = arith.constant 4 : i32
            %dma_start3A_286 = arith.constant 0 : i32
            %dma_start3A_287 = arith.constant 0 : i32
            %dma_start3A_288 = tpu.memref_slice %arg7[%dma_start3A_286, %dma_start3A_287] : memref<512x32xf32, #tpu.memory_space<vmem>> -> memref<128x32xf32, #tpu.memory_space<vmem>>
            %dma_start3A_289 = arith.constant 0 : i32
            %dma_start3A_290 = tpu.memref_slice %arg9[%dma_start3A_285, %dma_start3A_289] : memref<16x128xi32, #tpu.memory_space<vmem>> -> memref<1x128xi32, #tpu.memory_space<vmem>>
            %dma_start3A_291 = tpu.memref_squeeze %dma_start3A_290 : memref<1x128xi32, #tpu.memory_space<vmem>> -> memref<128xi32, #tpu.memory_space<vmem>>
            %dma_start3A_292 = arith.constant 0 : i32
            %dma_start3A_293 = arith.constant 0 : i32
            %dma_start3A_294 = tpu.memref_slice %arg6[%dma_start3A_292, %dma_start3A_293] : memref<50176x32xf32, #tpu.memory_space<vmem_shared>> -> memref<50176x32xf32, #tpu.memory_space<vmem_shared>>
            tpu.enqueue_indirect_dma source(%dma_start3A_288 : memref<128x32xf32, #tpu.memory_space<vmem>>) target(%dma_start3A_294 : memref<50176x32xf32, #tpu.memory_space<vmem_shared>>) offsets(%dma_start3A_291 : memref<128xi32, #tpu.memory_space<vmem>>) semaphore(%arg11 : memref<!tpu.dma_semaphore, #tpu.memory_space<semaphore_mem>>) {add = true}
            %dma_start3A_295 = arith.constant 5 : i32
            %dma_start3A_296 = arith.constant 128 : i32
            %dma_start3A_297 = arith.constant 0 : i32
            %dma_start3A_298 = tpu.memref_slice %arg7[%dma_start3A_296, %dma_start3A_297] : memref<512x32xf32, #tpu.memory_space<vmem>> -> memref<128x32xf32, #tpu.memory_space<vmem>>
            %dma_start3A_299 = arith.constant 0 : i32
            %dma_start3A_300 = tpu.memref_slice %arg9[%dma_start3A_295, %dma_start3A_299] : memref<16x128xi32, #tpu.memory_space<vmem>> -> memref<1x128xi32, #tpu.memory_space<vmem>>
            %dma_start3A_301 = tpu.memref_squeeze %dma_start3A_300 : memref<1x128xi32, #tpu.memory_space<vmem>> -> memref<128xi32, #tpu.memory_space<vmem>>
            %dma_start3A_302 = arith.constant 0 : i32
            %dma_start3A_303 = arith.constant 0 : i32
            %dma_start3A_304 = tpu.memref_slice %arg6[%dma_start3A_302, %dma_start3A_303] : memref<50176x32xf32, #tpu.memory_space<vmem_shared>> -> memref<50176x32xf32, #tpu.memory_space<vmem_shared>>
            tpu.enqueue_indirect_dma source(%dma_start3A_298 : memref<128x32xf32, #tpu.memory_space<vmem>>) target(%dma_start3A_304 : memref<50176x32xf32, #tpu.memory_space<vmem_shared>>) offsets(%dma_start3A_301 : memref<128xi32, #tpu.memory_space<vmem>>) semaphore(%arg11 : memref<!tpu.dma_semaphore, #tpu.memory_space<semaphore_mem>>) {add = true}
            %dma_start3A_305 = arith.constant 6 : i32
            %dma_start3A_306 = arith.constant 256 : i32
            %dma_start3A_307 = arith.constant 0 : i32
            %dma_start3A_308 = tpu.memref_slice %arg7[%dma_start3A_306, %dma_start3A_307] : memref<512x32xf32, #tpu.memory_space<vmem>> -> memref<128x32xf32, #tpu.memory_space<vmem>>
            %dma_start3A_309 = arith.constant 0 : i32
            %dma_start3A_310 = tpu.memref_slice %arg9[%dma_start3A_305, %dma_start3A_309] : memref<16x128xi32, #tpu.memory_space<vmem>> -> memref<1x128xi32, #tpu.memory_space<vmem>>
            %dma_start3A_311 = tpu.memref_squeeze %dma_start3A_310 : memref<1x128xi32, #tpu.memory_space<vmem>> -> memref<128xi32, #tpu.memory_space<vmem>>
            %dma_start3A_312 = arith.constant 0 : i32
            %dma_start3A_313 = arith.constant 0 : i32
            %dma_start3A_314 = tpu.memref_slice %arg6[%dma_start3A_312, %dma_start3A_313] : memref<50176x32xf32, #tpu.memory_space<vmem_shared>> -> memref<50176x32xf32, #tpu.memory_space<vmem_shared>>
            tpu.enqueue_indirect_dma source(%dma_start3A_308 : memref<128x32xf32, #tpu.memory_space<vmem>>) target(%dma_start3A_314 : memref<50176x32xf32, #tpu.memory_space<vmem_shared>>) offsets(%dma_start3A_311 : memref<128xi32, #tpu.memory_space<vmem>>) semaphore(%arg11 : memref<!tpu.dma_semaphore, #tpu.memory_space<semaphore_mem>>) {add = true}
            %dma_start3A_315 = arith.constant 7 : i32
            %dma_start3A_316 = arith.constant 384 : i32
            %dma_start3A_317 = arith.constant 0 : i32
            %dma_start3A_318 = tpu.memref_slice %arg7[%dma_start3A_316, %dma_start3A_317] : memref<512x32xf32, #tpu.memory_space<vmem>> -> memref<128x32xf32, #tpu.memory_space<vmem>>
            %dma_start3A_319 = arith.constant 0 : i32
            %dma_start3A_320 = tpu.memref_slice %arg9[%dma_start3A_315, %dma_start3A_319] : memref<16x128xi32, #tpu.memory_space<vmem>> -> memref<1x128xi32, #tpu.memory_space<vmem>>
            %dma_start3A_321 = tpu.memref_squeeze %dma_start3A_320 : memref<1x128xi32, #tpu.memory_space<vmem>> -> memref<128xi32, #tpu.memory_space<vmem>>
            %dma_start3A_322 = arith.constant 0 : i32
            %dma_start3A_323 = arith.constant 0 : i32
            %dma_start3A_324 = tpu.memref_slice %arg6[%dma_start3A_322, %dma_start3A_323] : memref<50176x32xf32, #tpu.memory_space<vmem_shared>> -> memref<50176x32xf32, #tpu.memory_space<vmem_shared>>
            tpu.enqueue_indirect_dma source(%dma_start3A_318 : memref<128x32xf32, #tpu.memory_space<vmem>>) target(%dma_start3A_324 : memref<50176x32xf32, #tpu.memory_space<vmem_shared>>) offsets(%dma_start3A_321 : memref<128xi32, #tpu.memory_space<vmem>>) semaphore(%arg11 : memref<!tpu.dma_semaphore, #tpu.memory_space<semaphore_mem>>) {add = true}
            %dma_wait3A_325 = arith.constant 4 : i32
            %dma_wait3A_326 = arith.constant 0 : i32
            %dma_wait3A_327 = arith.constant 0 : i32
            %dma_wait3A_328 = tpu.memref_slice %arg7[%dma_wait3A_326, %dma_wait3A_327] : memref<512x32xf32, #tpu.memory_space<vmem>> -> memref<128x32xf32, #tpu.memory_space<vmem>>
            %dma_wait3A_329 = arith.constant 0 : i32
            %dma_wait3A_330 = tpu.memref_slice %arg9[%dma_wait3A_325, %dma_wait3A_329] : memref<16x128xi32, #tpu.memory_space<vmem>> -> memref<1x128xi32, #tpu.memory_space<vmem>>
            %dma_wait3A_331 = tpu.memref_squeeze %dma_wait3A_330 : memref<1x128xi32, #tpu.memory_space<vmem>> -> memref<128xi32, #tpu.memory_space<vmem>>
            %dma_wait3A_332 = arith.constant 0 : i32
            %dma_wait3A_333 = arith.constant 0 : i32
            %dma_wait3A_334 = tpu.memref_slice %arg6[%dma_wait3A_332, %dma_wait3A_333] : memref<50176x32xf32, #tpu.memory_space<vmem_shared>> -> memref<50176x32xf32, #tpu.memory_space<vmem_shared>>
            tpu.wait_indirect_dma semaphore(%arg11 : memref<!tpu.dma_semaphore, #tpu.memory_space<semaphore_mem>>) src(%dma_wait3A_328 : memref<128x32xf32, #tpu.memory_space<vmem>>) dst(%dma_wait3A_334 : memref<50176x32xf32, #tpu.memory_space<vmem_shared>>)
            %dma_wait3A_335 = arith.constant 5 : i32
            %dma_wait3A_336 = arith.constant 128 : i32
            %dma_wait3A_337 = arith.constant 0 : i32
            %dma_wait3A_338 = tpu.memref_slice %arg7[%dma_wait3A_336, %dma_wait3A_337] : memref<512x32xf32, #tpu.memory_space<vmem>> -> memref<128x32xf32, #tpu.memory_space<vmem>>
            %dma_wait3A_339 = arith.constant 0 : i32
            %dma_wait3A_340 = tpu.memref_slice %arg9[%dma_wait3A_335, %dma_wait3A_339] : memref<16x128xi32, #tpu.memory_space<vmem>> -> memref<1x128xi32, #tpu.memory_space<vmem>>
            %dma_wait3A_341 = tpu.memref_squeeze %dma_wait3A_340 : memref<1x128xi32, #tpu.memory_space<vmem>> -> memref<128xi32, #tpu.memory_space<vmem>>
            %dma_wait3A_342 = arith.constant 0 : i32
            %dma_wait3A_343 = arith.constant 0 : i32
            %dma_wait3A_344 = tpu.memref_slice %arg6[%dma_wait3A_342, %dma_wait3A_343] : memref<50176x32xf32, #tpu.memory_space<vmem_shared>> -> memref<50176x32xf32, #tpu.memory_space<vmem_shared>>
            tpu.wait_indirect_dma semaphore(%arg11 : memref<!tpu.dma_semaphore, #tpu.memory_space<semaphore_mem>>) src(%dma_wait3A_338 : memref<128x32xf32, #tpu.memory_space<vmem>>) dst(%dma_wait3A_344 : memref<50176x32xf32, #tpu.memory_space<vmem_shared>>)
            %dma_wait3A_345 = arith.constant 6 : i32
            %dma_wait3A_346 = arith.constant 256 : i32
            %dma_wait3A_347 = arith.constant 0 : i32
            %dma_wait3A_348 = tpu.memref_slice %arg7[%dma_wait3A_346, %dma_wait3A_347] : memref<512x32xf32, #tpu.memory_space<vmem>> -> memref<128x32xf32, #tpu.memory_space<vmem>>
            %dma_wait3A_349 = arith.constant 0 : i32
            %dma_wait3A_350 = tpu.memref_slice %arg9[%dma_wait3A_345, %dma_wait3A_349] : memref<16x128xi32, #tpu.memory_space<vmem>> -> memref<1x128xi32, #tpu.memory_space<vmem>>
            %dma_wait3A_351 = tpu.memref_squeeze %dma_wait3A_350 : memref<1x128xi32, #tpu.memory_space<vmem>> -> memref<128xi32, #tpu.memory_space<vmem>>
            %dma_wait3A_352 = arith.constant 0 : i32
            %dma_wait3A_353 = arith.constant 0 : i32
            %dma_wait3A_354 = tpu.memref_slice %arg6[%dma_wait3A_352, %dma_wait3A_353] : memref<50176x32xf32, #tpu.memory_space<vmem_shared>> -> memref<50176x32xf32, #tpu.memory_space<vmem_shared>>
            tpu.wait_indirect_dma semaphore(%arg11 : memref<!tpu.dma_semaphore, #tpu.memory_space<semaphore_mem>>) src(%dma_wait3A_348 : memref<128x32xf32, #tpu.memory_space<vmem>>) dst(%dma_wait3A_354 : memref<50176x32xf32, #tpu.memory_space<vmem_shared>>)
            %dma_wait3A_355 = arith.constant 7 : i32
            %dma_wait3A_356 = arith.constant 384 : i32
            %dma_wait3A_357 = arith.constant 0 : i32
            %dma_wait3A_358 = tpu.memref_slice %arg7[%dma_wait3A_356, %dma_wait3A_357] : memref<512x32xf32, #tpu.memory_space<vmem>> -> memref<128x32xf32, #tpu.memory_space<vmem>>
            %dma_wait3A_359 = arith.constant 0 : i32
            %dma_wait3A_360 = tpu.memref_slice %arg9[%dma_wait3A_355, %dma_wait3A_359] : memref<16x128xi32, #tpu.memory_space<vmem>> -> memref<1x128xi32, #tpu.memory_space<vmem>>
            %dma_wait3A_361 = tpu.memref_squeeze %dma_wait3A_360 : memref<1x128xi32, #tpu.memory_space<vmem>> -> memref<128xi32, #tpu.memory_space<vmem>>
            %dma_wait3A_362 = arith.constant 0 : i32
            %dma_wait3A_363 = arith.constant 0 : i32
            %dma_wait3A_364 = tpu.memref_slice %arg6[%dma_wait3A_362, %dma_wait3A_363] : memref<50176x32xf32, #tpu.memory_space<vmem_shared>> -> memref<50176x32xf32, #tpu.memory_space<vmem_shared>>
            tpu.wait_indirect_dma semaphore(%arg11 : memref<!tpu.dma_semaphore, #tpu.memory_space<semaphore_mem>>) src(%dma_wait3A_358 : memref<128x32xf32, #tpu.memory_space<vmem>>) dst(%dma_wait3A_364 : memref<50176x32xf32, #tpu.memory_space<vmem_shared>>)
          } else {
          }
          %get3A_138 = arith.constant 8 : i32
          %get3A_139 = arith.index_cast %get3A_138 : i32 to index
          %get3A_140 = arith.constant 0 : index
          %get3A_141 = tpu.vector_load %arg9[%get3A_139, %get3A_140] {strides = array<i32>} : memref<16x128xi32, #tpu.memory_space<vmem>>, vector<1x16xi32>,
          %get3A_142 = vector.shape_cast %get3A_141 : vector<1x16xi32> to vector<16xi32>
          %slice3A_143 = vector.extract_strided_slice %get3A_142 {offsets = [0], sizes = [1], strides = [1]} : vector<16xi32> to vector<1xi32>
          %squeeze3A_144 = vector.extract %slice3A_143[0] : i32 from vector<1xi32>
          %get3A_145 = arith.constant 11 : i32
          %get3A_146 = arith.index_cast %get3A_145 : i32 to index
          %get3A_147 = arith.constant 112 : index
          %get3A_148 = tpu.vector_load %arg9[%get3A_146, %get3A_147] {strides = array<i32>} : memref<16x128xi32, #tpu.memory_space<vmem>>, vector<1x16xi32>,
          %get3A_149 = vector.shape_cast %get3A_148 : vector<1x16xi32> to vector<16xi32>
          %slice3A_150 = vector.extract_strided_slice %get3A_149 {offsets = [15], sizes = [1], strides = [1]} : vector<16xi32> to vector<1xi32>
          %squeeze3A_151 = vector.extract %slice3A_150[0] : i32 from vector<1xi32>
          %eq3A_152 = arith.constant 0 : i32
          %eq3A_153 = arith.cmpi eq, %arg0, %eq3A_152 : i32
          %lt3A_154 = arith.constant 50000 : i32
          %lt3A_155 = arith.cmpi slt, %squeeze3A_144, %lt3A_154 : i32
          %and3A_156 = arith.andi %eq3A_153, %lt3A_155 : i1
          %eq3A_157 = arith.constant 1 : i32
          %eq3A_158 = arith.cmpi eq, %arg0, %eq3A_157 : i32
          %ge3A_159 = arith.constant 50000 : i32
          %ge3A_160 = arith.cmpi sge, %squeeze3A_151, %ge3A_159 : i32
          %lt3A_161 = arith.constant 100000 : i32
          %lt3A_162 = arith.cmpi slt, %squeeze3A_144, %lt3A_161 : i32
          %and3A_163 = arith.andi %ge3A_160, %lt3A_162 : i1
          %and3A_164 = arith.andi %eq3A_158, %and3A_163 : i1
          %or3A_165 = arith.ori %and3A_156, %and3A_164 : i1
          %convert_element_type3A_166 = arith.extui %or3A_165 : i1 to i32
          %cond3A_167 = arith.constant 0 : i32
          %cond3A_168 = arith.cmpi ne, %convert_element_type3A_166, %cond3A_167 : i32
          scf.if %cond3A_168 {
            %scan3A_200 = arith.constant 0 : i32
            %scan3A_201 = arith.constant 0 : i32
            %scan3A_202 = arith.constant 32 : i32
            %scan3A_203 = arith.addi %scan3A_201, %scan3A_202 : i32
            %scan3A_204 = arith.constant 1 : i32
            %scan3A_205 = scf.for %scan3A_365 = %scan3A_201 to %scan3A_203 step %scan3A_204 iter_args(%scan3A_366 = %scan3A_200) -> (i32)  : i32 {
              %jit3A_367 = arith.constant 8 : i32
              %div3A_368 = arith.divsi %scan3A_365, %jit3A_367 : i32
              %sign3A_369 = arith.constant 0 : i32
              %sign3A_370 = arith.cmpi sgt, %scan3A_365, %sign3A_369 : i32
              %sign3A_371 = arith.extui %sign3A_370 : i1 to i32
              %sign3A_372 = arith.constant 0 : i32
              %sign3A_373 = arith.cmpi slt, %scan3A_365, %sign3A_372 : i32
              %sign3A_374 = arith.extui %sign3A_373 : i1 to i32
              %sign3A_375 = arith.subi %sign3A_371, %sign3A_374 : i32
              %sign3A_376 = arith.constant 0 : i32
              %sign3A_377 = arith.cmpi sgt, %jit3A_367, %sign3A_376 : i32
              %sign3A_378 = arith.extui %sign3A_377 : i1 to i32
              %sign3A_379 = arith.constant 0 : i32
              %sign3A_380 = arith.cmpi slt, %jit3A_367, %sign3A_379 : i32
              %sign3A_381 = arith.extui %sign3A_380 : i1 to i32
              %sign3A_382 = arith.subi %sign3A_378, %sign3A_381 : i32
              %ne3A_383 = arith.cmpi ne, %sign3A_375, %sign3A_382 : i32
              %rem3A_384 = arith.remsi %scan3A_365, %jit3A_367 : i32
              %ne3A_385 = arith.constant 0 : i32
              %ne3A_386 = arith.cmpi ne, %rem3A_384, %ne3A_385 : i32
              %and3A_387 = arith.andi %ne3A_383, %ne3A_386 : i1
              %sub3A_388 = arith.constant 1 : i32
              %sub3A_389 = arith.subi %div3A_368, %sub3A_388 : i32
              %select_n3A_390 = arith.select %and3A_387, %sub3A_389, %div3A_368 : i32
              %add3A_391 = arith.constant 8 : i32
              %add3A_392 = arith.addi %add3A_391, %select_n3A_390 : i32
              %jit3A_393 = arith.constant 8 : i32
              %eq3A_394 = arith.constant 0 : i32
              %eq3A_395 = arith.cmpi eq, %jit3A_393, %eq3A_394 : i32
              %jit3A_396 = arith.constant 1 : i32
              %select_n3A_397 = arith.select %eq3A_395, %jit3A_396, %jit3A_393 : i32
              %rem3A_398 = arith.remsi %scan3A_365, %select_n3A_397 : i32
              %ne3A_399 = arith.constant 0 : i32
              %ne3A_400 = arith.cmpi ne, %rem3A_398, %ne3A_399 : i32
              %lt3A_401 = arith.constant 0 : i32
              %lt3A_402 = arith.cmpi slt, %rem3A_398, %lt3A_401 : i32
              %lt3A_403 = arith.constant 0 : i32
              %lt3A_404 = arith.cmpi slt, %select_n3A_397, %lt3A_403 : i32
              %ne3A_405 = arith.xori %lt3A_402, %lt3A_404 : i1
              %and3A_406 = arith.andi %ne3A_405, %ne3A_400 : i1
              %add3A_407 = arith.addi %rem3A_398, %select_n3A_397 : i32
              %select_n3A_408 = arith.select %and3A_406, %add3A_407, %rem3A_398 : i32
              %mul3A_409 = arith.constant 16 : i32
              %mul3A_410 = arith.muli %select_n3A_408, %mul3A_409 : i32
              %get3A_411 = arith.index_cast %add3A_392 : i32 to index
              %get3A_412 = arith.index_cast %mul3A_410 : i32 to index
              %get3A_413 = tpu.vector_load %arg9[%get3A_411, %get3A_412] {strides = array<i32>} : memref<16x128xi32, #tpu.memory_space<vmem>>, vector<1x16xi32>,
              %get3A_414 = vector.shape_cast %get3A_413 : vector<1x16xi32> to vector<16xi32>
              %ge3A_415 = arith.cmpi sge, %get3A_414, %broadcast_in_dim3A_15 : vector<16xi32>
              %lt3A_416 = arith.cmpi slt, %get3A_414, %broadcast_in_dim3A_17 : vector<16xi32>
              %and3A_417 = arith.andi %ge3A_415, %lt3A_416 : vector<16xi1>
              %sub3A_418 = arith.subi %get3A_414, %broadcast_in_dim3A_15 : vector<16xi32>
              %select_n3A_419 = arith.select %and3A_417, %sub3A_418, %broadcast_in_dim3A_19 : vector<16xi1>, vector<16xi32>
              %swap3A = arith.index_cast %add3A_392 : i32 to index
              %swap3A_420 = arith.index_cast %mul3A_410 : i32 to index
              %swap3A_421 = tpu.vector_load %arg9[%swap3A, %swap3A_420] {strides = array<i32>} : memref<16x128xi32, #tpu.memory_space<vmem>>, vector<1x16xi32>,
              %swap3A_422 = vector.shape_cast %swap3A_421 : vector<1x16xi32> to vector<16xi32>
              %swap3A_423 = vector.shape_cast %select_n3A_419 : vector<16xi32> to vector<1x16xi32>
              tpu.vector_store %arg9[%swap3A, %swap3A_420], %swap3A_423 {strides = array<i32>} : memref<16x128xi32, #tpu.memory_space<vmem>>, vector<1x16xi32>,
              %get3A_424 = arith.index_cast %add3A_392 : i32 to index
              %get3A_425 = arith.index_cast %mul3A_410 : i32 to index
              %get3A_426 = tpu.vector_load %arg8[%get3A_424, %get3A_425] {strides = array<i32>} : memref<16x128xi32, #tpu.memory_space<vmem>>, vector<1x16xi32>,
              %get3A_427 = vector.shape_cast %get3A_426 : vector<1x16xi32> to vector<16xi32>
              %add3A_428 = arith.addi %get3A_427, %broadcast_in_dim3A_39 : vector<16xi32>
              %swap3A_429 = arith.index_cast %add3A_392 : i32 to index
              %swap3A_430 = arith.index_cast %mul3A_410 : i32 to index
              %swap3A_431 = tpu.vector_load %arg8[%swap3A_429, %swap3A_430] {strides = array<i32>} : memref<16x128xi32, #tpu.memory_space<vmem>>, vector<1x16xi32>,
              %swap3A_432 = vector.shape_cast %swap3A_431 : vector<1x16xi32> to vector<16xi32>
              %swap3A_433 = vector.shape_cast %add3A_428 : vector<16xi32> to vector<1x16xi32>
              tpu.vector_store %arg8[%swap3A_429, %swap3A_430], %swap3A_433 {strides = array<i32>} : memref<16x128xi32, #tpu.memory_space<vmem>>, vector<1x16xi32>,
              %scan3A_434 = arith.constant 0 : i32
              scf.yield %scan3A_434 : i32
            }
            %scan3A_206 = arith.constant 32 : i32
            %dma_start3A = arith.constant 8 : i32
            %dma_start3A_207 = arith.constant 0 : i32
            %dma_start3A_208 = arith.constant 0 : i32
            %dma_start3A_209 = tpu.memref_slice %arg7[%dma_start3A_207, %dma_start3A_208] : memref<512x32xf32, #tpu.memory_space<vmem>> -> memref<128x32xf32, #tpu.memory_space<vmem>>
            %dma_start3A_210 = arith.constant 0 : i32
            %dma_start3A_211 = tpu.memref_slice %arg8[%dma_start3A, %dma_start3A_210] : memref<16x128xi32, #tpu.memory_space<vmem>> -> memref<1x128xi32, #tpu.memory_space<vmem>>
            %dma_start3A_212 = tpu.memref_squeeze %dma_start3A_211 : memref<1x128xi32, #tpu.memory_space<vmem>> -> memref<128xi32, #tpu.memory_space<vmem>>
            %dma_start3A_213 = arith.constant 0 : i32
            %dma_start3A_214 = arith.constant 0 : i32
            %dma_start3A_215 = tpu.memref_slice %arg2[%dma_start3A_213, %dma_start3A_214] : memref<2709504x32xf32, #tpu.memory_space<hbm>> -> memref<2709504x32xf32, #tpu.memory_space<hbm>>
            tpu.enqueue_indirect_dma source(%dma_start3A_215 : memref<2709504x32xf32, #tpu.memory_space<hbm>>) target(%dma_start3A_209 : memref<128x32xf32, #tpu.memory_space<vmem>>) offsets(%dma_start3A_212 : memref<128xi32, #tpu.memory_space<vmem>>) semaphore(%arg10 : memref<!tpu.dma_semaphore, #tpu.memory_space<semaphore_mem>>)
            %dma_start3A_216 = arith.constant 9 : i32
            %dma_start3A_217 = arith.constant 128 : i32
            %dma_start3A_218 = arith.constant 0 : i32
            %dma_start3A_219 = tpu.memref_slice %arg7[%dma_start3A_217, %dma_start3A_218] : memref<512x32xf32, #tpu.memory_space<vmem>> -> memref<128x32xf32, #tpu.memory_space<vmem>>
            %dma_start3A_220 = arith.constant 0 : i32
            %dma_start3A_221 = tpu.memref_slice %arg8[%dma_start3A_216, %dma_start3A_220] : memref<16x128xi32, #tpu.memory_space<vmem>> -> memref<1x128xi32, #tpu.memory_space<vmem>>
            %dma_start3A_222 = tpu.memref_squeeze %dma_start3A_221 : memref<1x128xi32, #tpu.memory_space<vmem>> -> memref<128xi32, #tpu.memory_space<vmem>>
            %dma_start3A_223 = arith.constant 0 : i32
            %dma_start3A_224 = arith.constant 0 : i32
            %dma_start3A_225 = tpu.memref_slice %arg2[%dma_start3A_223, %dma_start3A_224] : memref<2709504x32xf32, #tpu.memory_space<hbm>> -> memref<2709504x32xf32, #tpu.memory_space<hbm>>
            tpu.enqueue_indirect_dma source(%dma_start3A_225 : memref<2709504x32xf32, #tpu.memory_space<hbm>>) target(%dma_start3A_219 : memref<128x32xf32, #tpu.memory_space<vmem>>) offsets(%dma_start3A_222 : memref<128xi32, #tpu.memory_space<vmem>>) semaphore(%arg10 : memref<!tpu.dma_semaphore, #tpu.memory_space<semaphore_mem>>)
            %dma_start3A_226 = arith.constant 10 : i32
            %dma_start3A_227 = arith.constant 256 : i32
            %dma_start3A_228 = arith.constant 0 : i32
            %dma_start3A_229 = tpu.memref_slice %arg7[%dma_start3A_227, %dma_start3A_228] : memref<512x32xf32, #tpu.memory_space<vmem>> -> memref<128x32xf32, #tpu.memory_space<vmem>>
            %dma_start3A_230 = arith.constant 0 : i32
            %dma_start3A_231 = tpu.memref_slice %arg8[%dma_start3A_226, %dma_start3A_230] : memref<16x128xi32, #tpu.memory_space<vmem>> -> memref<1x128xi32, #tpu.memory_space<vmem>>
            %dma_start3A_232 = tpu.memref_squeeze %dma_start3A_231 : memref<1x128xi32, #tpu.memory_space<vmem>> -> memref<128xi32, #tpu.memory_space<vmem>>
            %dma_start3A_233 = arith.constant 0 : i32
            %dma_start3A_234 = arith.constant 0 : i32
            %dma_start3A_235 = tpu.memref_slice %arg2[%dma_start3A_233, %dma_start3A_234] : memref<2709504x32xf32, #tpu.memory_space<hbm>> -> memref<2709504x32xf32, #tpu.memory_space<hbm>>
            tpu.enqueue_indirect_dma source(%dma_start3A_235 : memref<2709504x32xf32, #tpu.memory_space<hbm>>) target(%dma_start3A_229 : memref<128x32xf32, #tpu.memory_space<vmem>>) offsets(%dma_start3A_232 : memref<128xi32, #tpu.memory_space<vmem>>) semaphore(%arg10 : memref<!tpu.dma_semaphore, #tpu.memory_space<semaphore_mem>>)
            %dma_start3A_236 = arith.constant 11 : i32
            %dma_start3A_237 = arith.constant 384 : i32
            %dma_start3A_238 = arith.constant 0 : i32
            %dma_start3A_239 = tpu.memref_slice %arg7[%dma_start3A_237, %dma_start3A_238] : memref<512x32xf32, #tpu.memory_space<vmem>> -> memref<128x32xf32, #tpu.memory_space<vmem>>
            %dma_start3A_240 = arith.constant 0 : i32
            %dma_start3A_241 = tpu.memref_slice %arg8[%dma_start3A_236, %dma_start3A_240] : memref<16x128xi32, #tpu.memory_space<vmem>> -> memref<1x128xi32, #tpu.memory_space<vmem>>
            %dma_start3A_242 = tpu.memref_squeeze %dma_start3A_241 : memref<1x128xi32, #tpu.memory_space<vmem>> -> memref<128xi32, #tpu.memory_space<vmem>>
            %dma_start3A_243 = arith.constant 0 : i32
            %dma_start3A_244 = arith.constant 0 : i32
            %dma_start3A_245 = tpu.memref_slice %arg2[%dma_start3A_243, %dma_start3A_244] : memref<2709504x32xf32, #tpu.memory_space<hbm>> -> memref<2709504x32xf32, #tpu.memory_space<hbm>>
            tpu.enqueue_indirect_dma source(%dma_start3A_245 : memref<2709504x32xf32, #tpu.memory_space<hbm>>) target(%dma_start3A_239 : memref<128x32xf32, #tpu.memory_space<vmem>>) offsets(%dma_start3A_242 : memref<128xi32, #tpu.memory_space<vmem>>) semaphore(%arg10 : memref<!tpu.dma_semaphore, #tpu.memory_space<semaphore_mem>>)
            %dma_wait3A = arith.constant 8 : i32
            %dma_wait3A_246 = arith.constant 0 : i32
            %dma_wait3A_247 = arith.constant 0 : i32
            %dma_wait3A_248 = tpu.memref_slice %arg7[%dma_wait3A_246, %dma_wait3A_247] : memref<512x32xf32, #tpu.memory_space<vmem>> -> memref<128x32xf32, #tpu.memory_space<vmem>>
            %dma_wait3A_249 = arith.constant 0 : i32
            %dma_wait3A_250 = tpu.memref_slice %arg8[%dma_wait3A, %dma_wait3A_249] : memref<16x128xi32, #tpu.memory_space<vmem>> -> memref<1x128xi32, #tpu.memory_space<vmem>>
            %dma_wait3A_251 = tpu.memref_squeeze %dma_wait3A_250 : memref<1x128xi32, #tpu.memory_space<vmem>> -> memref<128xi32, #tpu.memory_space<vmem>>
            %dma_wait3A_252 = arith.constant 0 : i32
            %dma_wait3A_253 = arith.constant 0 : i32
            %dma_wait3A_254 = tpu.memref_slice %arg2[%dma_wait3A_252, %dma_wait3A_253] : memref<2709504x32xf32, #tpu.memory_space<hbm>> -> memref<2709504x32xf32, #tpu.memory_space<hbm>>
            tpu.wait_indirect_dma semaphore(%arg10 : memref<!tpu.dma_semaphore, #tpu.memory_space<semaphore_mem>>) src(%dma_wait3A_254 : memref<2709504x32xf32, #tpu.memory_space<hbm>>) dst(%dma_wait3A_248 : memref<128x32xf32, #tpu.memory_space<vmem>>)
            %dma_wait3A_255 = arith.constant 9 : i32
            %dma_wait3A_256 = arith.constant 128 : i32
            %dma_wait3A_257 = arith.constant 0 : i32
            %dma_wait3A_258 = tpu.memref_slice %arg7[%dma_wait3A_256, %dma_wait3A_257] : memref<512x32xf32, #tpu.memory_space<vmem>> -> memref<128x32xf32, #tpu.memory_space<vmem>>
            %dma_wait3A_259 = arith.constant 0 : i32
            %dma_wait3A_260 = tpu.memref_slice %arg8[%dma_wait3A_255, %dma_wait3A_259] : memref<16x128xi32, #tpu.memory_space<vmem>> -> memref<1x128xi32, #tpu.memory_space<vmem>>
            %dma_wait3A_261 = tpu.memref_squeeze %dma_wait3A_260 : memref<1x128xi32, #tpu.memory_space<vmem>> -> memref<128xi32, #tpu.memory_space<vmem>>
            %dma_wait3A_262 = arith.constant 0 : i32
            %dma_wait3A_263 = arith.constant 0 : i32
            %dma_wait3A_264 = tpu.memref_slice %arg2[%dma_wait3A_262, %dma_wait3A_263] : memref<2709504x32xf32, #tpu.memory_space<hbm>> -> memref<2709504x32xf32, #tpu.memory_space<hbm>>
            tpu.wait_indirect_dma semaphore(%arg10 : memref<!tpu.dma_semaphore, #tpu.memory_space<semaphore_mem>>) src(%dma_wait3A_264 : memref<2709504x32xf32, #tpu.memory_space<hbm>>) dst(%dma_wait3A_258 : memref<128x32xf32, #tpu.memory_space<vmem>>)
            %dma_wait3A_265 = arith.constant 10 : i32
            %dma_wait3A_266 = arith.constant 256 : i32
            %dma_wait3A_267 = arith.constant 0 : i32
            %dma_wait3A_268 = tpu.memref_slice %arg7[%dma_wait3A_266, %dma_wait3A_267] : memref<512x32xf32, #tpu.memory_space<vmem>> -> memref<128x32xf32, #tpu.memory_space<vmem>>
            %dma_wait3A_269 = arith.constant 0 : i32
            %dma_wait3A_270 = tpu.memref_slice %arg8[%dma_wait3A_265, %dma_wait3A_269] : memref<16x128xi32, #tpu.memory_space<vmem>> -> memref<1x128xi32, #tpu.memory_space<vmem>>
            %dma_wait3A_271 = tpu.memref_squeeze %dma_wait3A_270 : memref<1x128xi32, #tpu.memory_space<vmem>> -> memref<128xi32, #tpu.memory_space<vmem>>
            %dma_wait3A_272 = arith.constant 0 : i32
            %dma_wait3A_273 = arith.constant 0 : i32
            %dma_wait3A_274 = tpu.memref_slice %arg2[%dma_wait3A_272, %dma_wait3A_273] : memref<2709504x32xf32, #tpu.memory_space<hbm>> -> memref<2709504x32xf32, #tpu.memory_space<hbm>>
            tpu.wait_indirect_dma semaphore(%arg10 : memref<!tpu.dma_semaphore, #tpu.memory_space<semaphore_mem>>) src(%dma_wait3A_274 : memref<2709504x32xf32, #tpu.memory_space<hbm>>) dst(%dma_wait3A_268 : memref<128x32xf32, #tpu.memory_space<vmem>>)
            %dma_wait3A_275 = arith.constant 11 : i32
            %dma_wait3A_276 = arith.constant 384 : i32
            %dma_wait3A_277 = arith.constant 0 : i32
            %dma_wait3A_278 = tpu.memref_slice %arg7[%dma_wait3A_276, %dma_wait3A_277] : memref<512x32xf32, #tpu.memory_space<vmem>> -> memref<128x32xf32, #tpu.memory_space<vmem>>
            %dma_wait3A_279 = arith.constant 0 : i32
            %dma_wait3A_280 = tpu.memref_slice %arg8[%dma_wait3A_275, %dma_wait3A_279] : memref<16x128xi32, #tpu.memory_space<vmem>> -> memref<1x128xi32, #tpu.memory_space<vmem>>
            %dma_wait3A_281 = tpu.memref_squeeze %dma_wait3A_280 : memref<1x128xi32, #tpu.memory_space<vmem>> -> memref<128xi32, #tpu.memory_space<vmem>>
            %dma_wait3A_282 = arith.constant 0 : i32
            %dma_wait3A_283 = arith.constant 0 : i32
            %dma_wait3A_284 = tpu.memref_slice %arg2[%dma_wait3A_282, %dma_wait3A_283] : memref<2709504x32xf32, #tpu.memory_space<hbm>> -> memref<2709504x32xf32, #tpu.memory_space<hbm>>
            tpu.wait_indirect_dma semaphore(%arg10 : memref<!tpu.dma_semaphore, #tpu.memory_space<semaphore_mem>>) src(%dma_wait3A_284 : memref<2709504x32xf32, #tpu.memory_space<hbm>>) dst(%dma_wait3A_278 : memref<128x32xf32, #tpu.memory_space<vmem>>)
            %dma_start3A_285 = arith.constant 8 : i32
            %dma_start3A_286 = arith.constant 0 : i32
            %dma_start3A_287 = arith.constant 0 : i32
            %dma_start3A_288 = tpu.memref_slice %arg7[%dma_start3A_286, %dma_start3A_287] : memref<512x32xf32, #tpu.memory_space<vmem>> -> memref<128x32xf32, #tpu.memory_space<vmem>>
            %dma_start3A_289 = arith.constant 0 : i32
            %dma_start3A_290 = tpu.memref_slice %arg9[%dma_start3A_285, %dma_start3A_289] : memref<16x128xi32, #tpu.memory_space<vmem>> -> memref<1x128xi32, #tpu.memory_space<vmem>>
            %dma_start3A_291 = tpu.memref_squeeze %dma_start3A_290 : memref<1x128xi32, #tpu.memory_space<vmem>> -> memref<128xi32, #tpu.memory_space<vmem>>
            %dma_start3A_292 = arith.constant 0 : i32
            %dma_start3A_293 = arith.constant 0 : i32
            %dma_start3A_294 = tpu.memref_slice %arg6[%dma_start3A_292, %dma_start3A_293] : memref<50176x32xf32, #tpu.memory_space<vmem_shared>> -> memref<50176x32xf32, #tpu.memory_space<vmem_shared>>
            tpu.enqueue_indirect_dma source(%dma_start3A_288 : memref<128x32xf32, #tpu.memory_space<vmem>>) target(%dma_start3A_294 : memref<50176x32xf32, #tpu.memory_space<vmem_shared>>) offsets(%dma_start3A_291 : memref<128xi32, #tpu.memory_space<vmem>>) semaphore(%arg11 : memref<!tpu.dma_semaphore, #tpu.memory_space<semaphore_mem>>) {add = true}
            %dma_start3A_295 = arith.constant 9 : i32
            %dma_start3A_296 = arith.constant 128 : i32
            %dma_start3A_297 = arith.constant 0 : i32
            %dma_start3A_298 = tpu.memref_slice %arg7[%dma_start3A_296, %dma_start3A_297] : memref<512x32xf32, #tpu.memory_space<vmem>> -> memref<128x32xf32, #tpu.memory_space<vmem>>
            %dma_start3A_299 = arith.constant 0 : i32
            %dma_start3A_300 = tpu.memref_slice %arg9[%dma_start3A_295, %dma_start3A_299] : memref<16x128xi32, #tpu.memory_space<vmem>> -> memref<1x128xi32, #tpu.memory_space<vmem>>
            %dma_start3A_301 = tpu.memref_squeeze %dma_start3A_300 : memref<1x128xi32, #tpu.memory_space<vmem>> -> memref<128xi32, #tpu.memory_space<vmem>>
            %dma_start3A_302 = arith.constant 0 : i32
            %dma_start3A_303 = arith.constant 0 : i32
            %dma_start3A_304 = tpu.memref_slice %arg6[%dma_start3A_302, %dma_start3A_303] : memref<50176x32xf32, #tpu.memory_space<vmem_shared>> -> memref<50176x32xf32, #tpu.memory_space<vmem_shared>>
            tpu.enqueue_indirect_dma source(%dma_start3A_298 : memref<128x32xf32, #tpu.memory_space<vmem>>) target(%dma_start3A_304 : memref<50176x32xf32, #tpu.memory_space<vmem_shared>>) offsets(%dma_start3A_301 : memref<128xi32, #tpu.memory_space<vmem>>) semaphore(%arg11 : memref<!tpu.dma_semaphore, #tpu.memory_space<semaphore_mem>>) {add = true}
            %dma_start3A_305 = arith.constant 10 : i32
            %dma_start3A_306 = arith.constant 256 : i32
            %dma_start3A_307 = arith.constant 0 : i32
            %dma_start3A_308 = tpu.memref_slice %arg7[%dma_start3A_306, %dma_start3A_307] : memref<512x32xf32, #tpu.memory_space<vmem>> -> memref<128x32xf32, #tpu.memory_space<vmem>>
            %dma_start3A_309 = arith.constant 0 : i32
            %dma_start3A_310 = tpu.memref_slice %arg9[%dma_start3A_305, %dma_start3A_309] : memref<16x128xi32, #tpu.memory_space<vmem>> -> memref<1x128xi32, #tpu.memory_space<vmem>>
            %dma_start3A_311 = tpu.memref_squeeze %dma_start3A_310 : memref<1x128xi32, #tpu.memory_space<vmem>> -> memref<128xi32, #tpu.memory_space<vmem>>
            %dma_start3A_312 = arith.constant 0 : i32
            %dma_start3A_313 = arith.constant 0 : i32
            %dma_start3A_314 = tpu.memref_slice %arg6[%dma_start3A_312, %dma_start3A_313] : memref<50176x32xf32, #tpu.memory_space<vmem_shared>> -> memref<50176x32xf32, #tpu.memory_space<vmem_shared>>
            tpu.enqueue_indirect_dma source(%dma_start3A_308 : memref<128x32xf32, #tpu.memory_space<vmem>>) target(%dma_start3A_314 : memref<50176x32xf32, #tpu.memory_space<vmem_shared>>) offsets(%dma_start3A_311 : memref<128xi32, #tpu.memory_space<vmem>>) semaphore(%arg11 : memref<!tpu.dma_semaphore, #tpu.memory_space<semaphore_mem>>) {add = true}
            %dma_start3A_315 = arith.constant 11 : i32
            %dma_start3A_316 = arith.constant 384 : i32
            %dma_start3A_317 = arith.constant 0 : i32
            %dma_start3A_318 = tpu.memref_slice %arg7[%dma_start3A_316, %dma_start3A_317] : memref<512x32xf32, #tpu.memory_space<vmem>> -> memref<128x32xf32, #tpu.memory_space<vmem>>
            %dma_start3A_319 = arith.constant 0 : i32
            %dma_start3A_320 = tpu.memref_slice %arg9[%dma_start3A_315, %dma_start3A_319] : memref<16x128xi32, #tpu.memory_space<vmem>> -> memref<1x128xi32, #tpu.memory_space<vmem>>
            %dma_start3A_321 = tpu.memref_squeeze %dma_start3A_320 : memref<1x128xi32, #tpu.memory_space<vmem>> -> memref<128xi32, #tpu.memory_space<vmem>>
            %dma_start3A_322 = arith.constant 0 : i32
            %dma_start3A_323 = arith.constant 0 : i32
            %dma_start3A_324 = tpu.memref_slice %arg6[%dma_start3A_322, %dma_start3A_323] : memref<50176x32xf32, #tpu.memory_space<vmem_shared>> -> memref<50176x32xf32, #tpu.memory_space<vmem_shared>>
            tpu.enqueue_indirect_dma source(%dma_start3A_318 : memref<128x32xf32, #tpu.memory_space<vmem>>) target(%dma_start3A_324 : memref<50176x32xf32, #tpu.memory_space<vmem_shared>>) offsets(%dma_start3A_321 : memref<128xi32, #tpu.memory_space<vmem>>) semaphore(%arg11 : memref<!tpu.dma_semaphore, #tpu.memory_space<semaphore_mem>>) {add = true}
            %dma_wait3A_325 = arith.constant 8 : i32
            %dma_wait3A_326 = arith.constant 0 : i32
            %dma_wait3A_327 = arith.constant 0 : i32
            %dma_wait3A_328 = tpu.memref_slice %arg7[%dma_wait3A_326, %dma_wait3A_327] : memref<512x32xf32, #tpu.memory_space<vmem>> -> memref<128x32xf32, #tpu.memory_space<vmem>>
            %dma_wait3A_329 = arith.constant 0 : i32
            %dma_wait3A_330 = tpu.memref_slice %arg9[%dma_wait3A_325, %dma_wait3A_329] : memref<16x128xi32, #tpu.memory_space<vmem>> -> memref<1x128xi32, #tpu.memory_space<vmem>>
            %dma_wait3A_331 = tpu.memref_squeeze %dma_wait3A_330 : memref<1x128xi32, #tpu.memory_space<vmem>> -> memref<128xi32, #tpu.memory_space<vmem>>
            %dma_wait3A_332 = arith.constant 0 : i32
            %dma_wait3A_333 = arith.constant 0 : i32
            %dma_wait3A_334 = tpu.memref_slice %arg6[%dma_wait3A_332, %dma_wait3A_333] : memref<50176x32xf32, #tpu.memory_space<vmem_shared>> -> memref<50176x32xf32, #tpu.memory_space<vmem_shared>>
            tpu.wait_indirect_dma semaphore(%arg11 : memref<!tpu.dma_semaphore, #tpu.memory_space<semaphore_mem>>) src(%dma_wait3A_328 : memref<128x32xf32, #tpu.memory_space<vmem>>) dst(%dma_wait3A_334 : memref<50176x32xf32, #tpu.memory_space<vmem_shared>>)
            %dma_wait3A_335 = arith.constant 9 : i32
            %dma_wait3A_336 = arith.constant 128 : i32
            %dma_wait3A_337 = arith.constant 0 : i32
            %dma_wait3A_338 = tpu.memref_slice %arg7[%dma_wait3A_336, %dma_wait3A_337] : memref<512x32xf32, #tpu.memory_space<vmem>> -> memref<128x32xf32, #tpu.memory_space<vmem>>
            %dma_wait3A_339 = arith.constant 0 : i32
            %dma_wait3A_340 = tpu.memref_slice %arg9[%dma_wait3A_335, %dma_wait3A_339] : memref<16x128xi32, #tpu.memory_space<vmem>> -> memref<1x128xi32, #tpu.memory_space<vmem>>
            %dma_wait3A_341 = tpu.memref_squeeze %dma_wait3A_340 : memref<1x128xi32, #tpu.memory_space<vmem>> -> memref<128xi32, #tpu.memory_space<vmem>>
            %dma_wait3A_342 = arith.constant 0 : i32
            %dma_wait3A_343 = arith.constant 0 : i32
            %dma_wait3A_344 = tpu.memref_slice %arg6[%dma_wait3A_342, %dma_wait3A_343] : memref<50176x32xf32, #tpu.memory_space<vmem_shared>> -> memref<50176x32xf32, #tpu.memory_space<vmem_shared>>
            tpu.wait_indirect_dma semaphore(%arg11 : memref<!tpu.dma_semaphore, #tpu.memory_space<semaphore_mem>>) src(%dma_wait3A_338 : memref<128x32xf32, #tpu.memory_space<vmem>>) dst(%dma_wait3A_344 : memref<50176x32xf32, #tpu.memory_space<vmem_shared>>)
            %dma_wait3A_345 = arith.constant 10 : i32
            %dma_wait3A_346 = arith.constant 256 : i32
            %dma_wait3A_347 = arith.constant 0 : i32
            %dma_wait3A_348 = tpu.memref_slice %arg7[%dma_wait3A_346, %dma_wait3A_347] : memref<512x32xf32, #tpu.memory_space<vmem>> -> memref<128x32xf32, #tpu.memory_space<vmem>>
            %dma_wait3A_349 = arith.constant 0 : i32
            %dma_wait3A_350 = tpu.memref_slice %arg9[%dma_wait3A_345, %dma_wait3A_349] : memref<16x128xi32, #tpu.memory_space<vmem>> -> memref<1x128xi32, #tpu.memory_space<vmem>>
            %dma_wait3A_351 = tpu.memref_squeeze %dma_wait3A_350 : memref<1x128xi32, #tpu.memory_space<vmem>> -> memref<128xi32, #tpu.memory_space<vmem>>
            %dma_wait3A_352 = arith.constant 0 : i32
            %dma_wait3A_353 = arith.constant 0 : i32
            %dma_wait3A_354 = tpu.memref_slice %arg6[%dma_wait3A_352, %dma_wait3A_353] : memref<50176x32xf32, #tpu.memory_space<vmem_shared>> -> memref<50176x32xf32, #tpu.memory_space<vmem_shared>>
            tpu.wait_indirect_dma semaphore(%arg11 : memref<!tpu.dma_semaphore, #tpu.memory_space<semaphore_mem>>) src(%dma_wait3A_348 : memref<128x32xf32, #tpu.memory_space<vmem>>) dst(%dma_wait3A_354 : memref<50176x32xf32, #tpu.memory_space<vmem_shared>>)
            %dma_wait3A_355 = arith.constant 11 : i32
            %dma_wait3A_356 = arith.constant 384 : i32
            %dma_wait3A_357 = arith.constant 0 : i32
            %dma_wait3A_358 = tpu.memref_slice %arg7[%dma_wait3A_356, %dma_wait3A_357] : memref<512x32xf32, #tpu.memory_space<vmem>> -> memref<128x32xf32, #tpu.memory_space<vmem>>
            %dma_wait3A_359 = arith.constant 0 : i32
            %dma_wait3A_360 = tpu.memref_slice %arg9[%dma_wait3A_355, %dma_wait3A_359] : memref<16x128xi32, #tpu.memory_space<vmem>> -> memref<1x128xi32, #tpu.memory_space<vmem>>
            %dma_wait3A_361 = tpu.memref_squeeze %dma_wait3A_360 : memref<1x128xi32, #tpu.memory_space<vmem>> -> memref<128xi32, #tpu.memory_space<vmem>>
            %dma_wait3A_362 = arith.constant 0 : i32
            %dma_wait3A_363 = arith.constant 0 : i32
            %dma_wait3A_364 = tpu.memref_slice %arg6[%dma_wait3A_362, %dma_wait3A_363] : memref<50176x32xf32, #tpu.memory_space<vmem_shared>> -> memref<50176x32xf32, #tpu.memory_space<vmem_shared>>
            tpu.wait_indirect_dma semaphore(%arg11 : memref<!tpu.dma_semaphore, #tpu.memory_space<semaphore_mem>>) src(%dma_wait3A_358 : memref<128x32xf32, #tpu.memory_space<vmem>>) dst(%dma_wait3A_364 : memref<50176x32xf32, #tpu.memory_space<vmem_shared>>)
          } else {
          }
          %get3A_169 = arith.constant 12 : i32
          %get3A_170 = arith.index_cast %get3A_169 : i32 to index
          %get3A_171 = arith.constant 0 : index
          %get3A_172 = tpu.vector_load %arg9[%get3A_170, %get3A_171] {strides = array<i32>} : memref<16x128xi32, #tpu.memory_space<vmem>>, vector<1x16xi32>,
          %get3A_173 = vector.shape_cast %get3A_172 : vector<1x16xi32> to vector<16xi32>
          %slice3A_174 = vector.extract_strided_slice %get3A_173 {offsets = [0], sizes = [1], strides = [1]} : vector<16xi32> to vector<1xi32>
          %squeeze3A_175 = vector.extract %slice3A_174[0] : i32 from vector<1xi32>
          %get3A_176 = arith.constant 15 : i32
          %get3A_177 = arith.index_cast %get3A_176 : i32 to index
          %get3A_178 = arith.constant 112 : index
          %get3A_179 = tpu.vector_load %arg9[%get3A_177, %get3A_178] {strides = array<i32>} : memref<16x128xi32, #tpu.memory_space<vmem>>, vector<1x16xi32>,
          %get3A_180 = vector.shape_cast %get3A_179 : vector<1x16xi32> to vector<16xi32>
          %slice3A_181 = vector.extract_strided_slice %get3A_180 {offsets = [15], sizes = [1], strides = [1]} : vector<16xi32> to vector<1xi32>
          %squeeze3A_182 = vector.extract %slice3A_181[0] : i32 from vector<1xi32>
          %eq3A_183 = arith.constant 0 : i32
          %eq3A_184 = arith.cmpi eq, %arg0, %eq3A_183 : i32
          %lt3A_185 = arith.constant 50000 : i32
          %lt3A_186 = arith.cmpi slt, %squeeze3A_175, %lt3A_185 : i32
          %and3A_187 = arith.andi %eq3A_184, %lt3A_186 : i1
          %eq3A_188 = arith.constant 1 : i32
          %eq3A_189 = arith.cmpi eq, %arg0, %eq3A_188 : i32
          %ge3A_190 = arith.constant 50000 : i32
          %ge3A_191 = arith.cmpi sge, %squeeze3A_182, %ge3A_190 : i32
          %lt3A_192 = arith.constant 100000 : i32
          %lt3A_193 = arith.cmpi slt, %squeeze3A_175, %lt3A_192 : i32
          %and3A_194 = arith.andi %ge3A_191, %lt3A_193 : i1
          %and3A_195 = arith.andi %eq3A_189, %and3A_194 : i1
          %or3A_196 = arith.ori %and3A_187, %and3A_195 : i1
          %convert_element_type3A_197 = arith.extui %or3A_196 : i1 to i32
          %cond3A_198 = arith.constant 0 : i32
          %cond3A_199 = arith.cmpi ne, %convert_element_type3A_197, %cond3A_198 : i32
          scf.if %cond3A_199 {
            %scan3A_200 = arith.constant 0 : i32
            %scan3A_201 = arith.constant 0 : i32
            %scan3A_202 = arith.constant 32 : i32
            %scan3A_203 = arith.addi %scan3A_201, %scan3A_202 : i32
            %scan3A_204 = arith.constant 1 : i32
            %scan3A_205 = scf.for %scan3A_365 = %scan3A_201 to %scan3A_203 step %scan3A_204 iter_args(%scan3A_366 = %scan3A_200) -> (i32)  : i32 {
              %jit3A_367 = arith.constant 8 : i32
              %div3A_368 = arith.divsi %scan3A_365, %jit3A_367 : i32
              %sign3A_369 = arith.constant 0 : i32
              %sign3A_370 = arith.cmpi sgt, %scan3A_365, %sign3A_369 : i32
              %sign3A_371 = arith.extui %sign3A_370 : i1 to i32
              %sign3A_372 = arith.constant 0 : i32
              %sign3A_373 = arith.cmpi slt, %scan3A_365, %sign3A_372 : i32
              %sign3A_374 = arith.extui %sign3A_373 : i1 to i32
              %sign3A_375 = arith.subi %sign3A_371, %sign3A_374 : i32
              %sign3A_376 = arith.constant 0 : i32
              %sign3A_377 = arith.cmpi sgt, %jit3A_367, %sign3A_376 : i32
              %sign3A_378 = arith.extui %sign3A_377 : i1 to i32
              %sign3A_379 = arith.constant 0 : i32
              %sign3A_380 = arith.cmpi slt, %jit3A_367, %sign3A_379 : i32
              %sign3A_381 = arith.extui %sign3A_380 : i1 to i32
              %sign3A_382 = arith.subi %sign3A_378, %sign3A_381 : i32
              %ne3A_383 = arith.cmpi ne, %sign3A_375, %sign3A_382 : i32
              %rem3A_384 = arith.remsi %scan3A_365, %jit3A_367 : i32
              %ne3A_385 = arith.constant 0 : i32
              %ne3A_386 = arith.cmpi ne, %rem3A_384, %ne3A_385 : i32
              %and3A_387 = arith.andi %ne3A_383, %ne3A_386 : i1
              %sub3A_388 = arith.constant 1 : i32
              %sub3A_389 = arith.subi %div3A_368, %sub3A_388 : i32
              %select_n3A_390 = arith.select %and3A_387, %sub3A_389, %div3A_368 : i32
              %add3A_391 = arith.constant 12 : i32
              %add3A_392 = arith.addi %add3A_391, %select_n3A_390 : i32
              %jit3A_393 = arith.constant 8 : i32
              %eq3A_394 = arith.constant 0 : i32
              %eq3A_395 = arith.cmpi eq, %jit3A_393, %eq3A_394 : i32
              %jit3A_396 = arith.constant 1 : i32
              %select_n3A_397 = arith.select %eq3A_395, %jit3A_396, %jit3A_393 : i32
              %rem3A_398 = arith.remsi %scan3A_365, %select_n3A_397 : i32
              %ne3A_399 = arith.constant 0 : i32
              %ne3A_400 = arith.cmpi ne, %rem3A_398, %ne3A_399 : i32
              %lt3A_401 = arith.constant 0 : i32
              %lt3A_402 = arith.cmpi slt, %rem3A_398, %lt3A_401 : i32
              %lt3A_403 = arith.constant 0 : i32
              %lt3A_404 = arith.cmpi slt, %select_n3A_397, %lt3A_403 : i32
              %ne3A_405 = arith.xori %lt3A_402, %lt3A_404 : i1
              %and3A_406 = arith.andi %ne3A_405, %ne3A_400 : i1
              %add3A_407 = arith.addi %rem3A_398, %select_n3A_397 : i32
              %select_n3A_408 = arith.select %and3A_406, %add3A_407, %rem3A_398 : i32
              %mul3A_409 = arith.constant 16 : i32
              %mul3A_410 = arith.muli %select_n3A_408, %mul3A_409 : i32
              %get3A_411 = arith.index_cast %add3A_392 : i32 to index
              %get3A_412 = arith.index_cast %mul3A_410 : i32 to index
              %get3A_413 = tpu.vector_load %arg9[%get3A_411, %get3A_412] {strides = array<i32>} : memref<16x128xi32, #tpu.memory_space<vmem>>, vector<1x16xi32>,
              %get3A_414 = vector.shape_cast %get3A_413 : vector<1x16xi32> to vector<16xi32>
              %ge3A_415 = arith.cmpi sge, %get3A_414, %broadcast_in_dim3A_15 : vector<16xi32>
              %lt3A_416 = arith.cmpi slt, %get3A_414, %broadcast_in_dim3A_17 : vector<16xi32>
              %and3A_417 = arith.andi %ge3A_415, %lt3A_416 : vector<16xi1>
              %sub3A_418 = arith.subi %get3A_414, %broadcast_in_dim3A_15 : vector<16xi32>
              %select_n3A_419 = arith.select %and3A_417, %sub3A_418, %broadcast_in_dim3A_19 : vector<16xi1>, vector<16xi32>
              %swap3A = arith.index_cast %add3A_392 : i32 to index
              %swap3A_420 = arith.index_cast %mul3A_410 : i32 to index
              %swap3A_421 = tpu.vector_load %arg9[%swap3A, %swap3A_420] {strides = array<i32>} : memref<16x128xi32, #tpu.memory_space<vmem>>, vector<1x16xi32>,
              %swap3A_422 = vector.shape_cast %swap3A_421 : vector<1x16xi32> to vector<16xi32>
              %swap3A_423 = vector.shape_cast %select_n3A_419 : vector<16xi32> to vector<1x16xi32>
              tpu.vector_store %arg9[%swap3A, %swap3A_420], %swap3A_423 {strides = array<i32>} : memref<16x128xi32, #tpu.memory_space<vmem>>, vector<1x16xi32>,
              %get3A_424 = arith.index_cast %add3A_392 : i32 to index
              %get3A_425 = arith.index_cast %mul3A_410 : i32 to index
              %get3A_426 = tpu.vector_load %arg8[%get3A_424, %get3A_425] {strides = array<i32>} : memref<16x128xi32, #tpu.memory_space<vmem>>, vector<1x16xi32>,
              %get3A_427 = vector.shape_cast %get3A_426 : vector<1x16xi32> to vector<16xi32>
              %add3A_428 = arith.addi %get3A_427, %broadcast_in_dim3A_39 : vector<16xi32>
              %swap3A_429 = arith.index_cast %add3A_392 : i32 to index
              %swap3A_430 = arith.index_cast %mul3A_410 : i32 to index
              %swap3A_431 = tpu.vector_load %arg8[%swap3A_429, %swap3A_430] {strides = array<i32>} : memref<16x128xi32, #tpu.memory_space<vmem>>, vector<1x16xi32>,
              %swap3A_432 = vector.shape_cast %swap3A_431 : vector<1x16xi32> to vector<16xi32>
              %swap3A_433 = vector.shape_cast %add3A_428 : vector<16xi32> to vector<1x16xi32>
              tpu.vector_store %arg8[%swap3A_429, %swap3A_430], %swap3A_433 {strides = array<i32>} : memref<16x128xi32, #tpu.memory_space<vmem>>, vector<1x16xi32>,
              %scan3A_434 = arith.constant 0 : i32
              scf.yield %scan3A_434 : i32
            }
            %scan3A_206 = arith.constant 32 : i32
            %dma_start3A = arith.constant 12 : i32
            %dma_start3A_207 = arith.constant 0 : i32
            %dma_start3A_208 = arith.constant 0 : i32
            %dma_start3A_209 = tpu.memref_slice %arg7[%dma_start3A_207, %dma_start3A_208] : memref<512x32xf32, #tpu.memory_space<vmem>> -> memref<128x32xf32, #tpu.memory_space<vmem>>
            %dma_start3A_210 = arith.constant 0 : i32
            %dma_start3A_211 = tpu.memref_slice %arg8[%dma_start3A, %dma_start3A_210] : memref<16x128xi32, #tpu.memory_space<vmem>> -> memref<1x128xi32, #tpu.memory_space<vmem>>
            %dma_start3A_212 = tpu.memref_squeeze %dma_start3A_211 : memref<1x128xi32, #tpu.memory_space<vmem>> -> memref<128xi32, #tpu.memory_space<vmem>>
            %dma_start3A_213 = arith.constant 0 : i32
            %dma_start3A_214 = arith.constant 0 : i32
            %dma_start3A_215 = tpu.memref_slice %arg2[%dma_start3A_213, %dma_start3A_214] : memref<2709504x32xf32, #tpu.memory_space<hbm>> -> memref<2709504x32xf32, #tpu.memory_space<hbm>>
            tpu.enqueue_indirect_dma source(%dma_start3A_215 : memref<2709504x32xf32, #tpu.memory_space<hbm>>) target(%dma_start3A_209 : memref<128x32xf32, #tpu.memory_space<vmem>>) offsets(%dma_start3A_212 : memref<128xi32, #tpu.memory_space<vmem>>) semaphore(%arg10 : memref<!tpu.dma_semaphore, #tpu.memory_space<semaphore_mem>>)
            %dma_start3A_216 = arith.constant 13 : i32
            %dma_start3A_217 = arith.constant 128 : i32
            %dma_start3A_218 = arith.constant 0 : i32
            %dma_start3A_219 = tpu.memref_slice %arg7[%dma_start3A_217, %dma_start3A_218] : memref<512x32xf32, #tpu.memory_space<vmem>> -> memref<128x32xf32, #tpu.memory_space<vmem>>
            %dma_start3A_220 = arith.constant 0 : i32
            %dma_start3A_221 = tpu.memref_slice %arg8[%dma_start3A_216, %dma_start3A_220] : memref<16x128xi32, #tpu.memory_space<vmem>> -> memref<1x128xi32, #tpu.memory_space<vmem>>
            %dma_start3A_222 = tpu.memref_squeeze %dma_start3A_221 : memref<1x128xi32, #tpu.memory_space<vmem>> -> memref<128xi32, #tpu.memory_space<vmem>>
            %dma_start3A_223 = arith.constant 0 : i32
            %dma_start3A_224 = arith.constant 0 : i32
            %dma_start3A_225 = tpu.memref_slice %arg2[%dma_start3A_223, %dma_start3A_224] : memref<2709504x32xf32, #tpu.memory_space<hbm>> -> memref<2709504x32xf32, #tpu.memory_space<hbm>>
            tpu.enqueue_indirect_dma source(%dma_start3A_225 : memref<2709504x32xf32, #tpu.memory_space<hbm>>) target(%dma_start3A_219 : memref<128x32xf32, #tpu.memory_space<vmem>>) offsets(%dma_start3A_222 : memref<128xi32, #tpu.memory_space<vmem>>) semaphore(%arg10 : memref<!tpu.dma_semaphore, #tpu.memory_space<semaphore_mem>>)
            %dma_start3A_226 = arith.constant 14 : i32
            %dma_start3A_227 = arith.constant 256 : i32
            %dma_start3A_228 = arith.constant 0 : i32
            %dma_start3A_229 = tpu.memref_slice %arg7[%dma_start3A_227, %dma_start3A_228] : memref<512x32xf32, #tpu.memory_space<vmem>> -> memref<128x32xf32, #tpu.memory_space<vmem>>
            %dma_start3A_230 = arith.constant 0 : i32
            %dma_start3A_231 = tpu.memref_slice %arg8[%dma_start3A_226, %dma_start3A_230] : memref<16x128xi32, #tpu.memory_space<vmem>> -> memref<1x128xi32, #tpu.memory_space<vmem>>
            %dma_start3A_232 = tpu.memref_squeeze %dma_start3A_231 : memref<1x128xi32, #tpu.memory_space<vmem>> -> memref<128xi32, #tpu.memory_space<vmem>>
            %dma_start3A_233 = arith.constant 0 : i32
            %dma_start3A_234 = arith.constant 0 : i32
            %dma_start3A_235 = tpu.memref_slice %arg2[%dma_start3A_233, %dma_start3A_234] : memref<2709504x32xf32, #tpu.memory_space<hbm>> -> memref<2709504x32xf32, #tpu.memory_space<hbm>>
            tpu.enqueue_indirect_dma source(%dma_start3A_235 : memref<2709504x32xf32, #tpu.memory_space<hbm>>) target(%dma_start3A_229 : memref<128x32xf32, #tpu.memory_space<vmem>>) offsets(%dma_start3A_232 : memref<128xi32, #tpu.memory_space<vmem>>) semaphore(%arg10 : memref<!tpu.dma_semaphore, #tpu.memory_space<semaphore_mem>>)
            %dma_start3A_236 = arith.constant 15 : i32
            %dma_start3A_237 = arith.constant 384 : i32
            %dma_start3A_238 = arith.constant 0 : i32
            %dma_start3A_239 = tpu.memref_slice %arg7[%dma_start3A_237, %dma_start3A_238] : memref<512x32xf32, #tpu.memory_space<vmem>> -> memref<128x32xf32, #tpu.memory_space<vmem>>
            %dma_start3A_240 = arith.constant 0 : i32
            %dma_start3A_241 = tpu.memref_slice %arg8[%dma_start3A_236, %dma_start3A_240] : memref<16x128xi32, #tpu.memory_space<vmem>> -> memref<1x128xi32, #tpu.memory_space<vmem>>
            %dma_start3A_242 = tpu.memref_squeeze %dma_start3A_241 : memref<1x128xi32, #tpu.memory_space<vmem>> -> memref<128xi32, #tpu.memory_space<vmem>>
            %dma_start3A_243 = arith.constant 0 : i32
            %dma_start3A_244 = arith.constant 0 : i32
            %dma_start3A_245 = tpu.memref_slice %arg2[%dma_start3A_243, %dma_start3A_244] : memref<2709504x32xf32, #tpu.memory_space<hbm>> -> memref<2709504x32xf32, #tpu.memory_space<hbm>>
            tpu.enqueue_indirect_dma source(%dma_start3A_245 : memref<2709504x32xf32, #tpu.memory_space<hbm>>) target(%dma_start3A_239 : memref<128x32xf32, #tpu.memory_space<vmem>>) offsets(%dma_start3A_242 : memref<128xi32, #tpu.memory_space<vmem>>) semaphore(%arg10 : memref<!tpu.dma_semaphore, #tpu.memory_space<semaphore_mem>>)
            %dma_wait3A = arith.constant 12 : i32
            %dma_wait3A_246 = arith.constant 0 : i32
            %dma_wait3A_247 = arith.constant 0 : i32
            %dma_wait3A_248 = tpu.memref_slice %arg7[%dma_wait3A_246, %dma_wait3A_247] : memref<512x32xf32, #tpu.memory_space<vmem>> -> memref<128x32xf32, #tpu.memory_space<vmem>>
            %dma_wait3A_249 = arith.constant 0 : i32
            %dma_wait3A_250 = tpu.memref_slice %arg8[%dma_wait3A, %dma_wait3A_249] : memref<16x128xi32, #tpu.memory_space<vmem>> -> memref<1x128xi32, #tpu.memory_space<vmem>>
            %dma_wait3A_251 = tpu.memref_squeeze %dma_wait3A_250 : memref<1x128xi32, #tpu.memory_space<vmem>> -> memref<128xi32, #tpu.memory_space<vmem>>
            %dma_wait3A_252 = arith.constant 0 : i32
            %dma_wait3A_253 = arith.constant 0 : i32
            %dma_wait3A_254 = tpu.memref_slice %arg2[%dma_wait3A_252, %dma_wait3A_253] : memref<2709504x32xf32, #tpu.memory_space<hbm>> -> memref<2709504x32xf32, #tpu.memory_space<hbm>>
            tpu.wait_indirect_dma semaphore(%arg10 : memref<!tpu.dma_semaphore, #tpu.memory_space<semaphore_mem>>) src(%dma_wait3A_254 : memref<2709504x32xf32, #tpu.memory_space<hbm>>) dst(%dma_wait3A_248 : memref<128x32xf32, #tpu.memory_space<vmem>>)
            %dma_wait3A_255 = arith.constant 13 : i32
            %dma_wait3A_256 = arith.constant 128 : i32
            %dma_wait3A_257 = arith.constant 0 : i32
            %dma_wait3A_258 = tpu.memref_slice %arg7[%dma_wait3A_256, %dma_wait3A_257] : memref<512x32xf32, #tpu.memory_space<vmem>> -> memref<128x32xf32, #tpu.memory_space<vmem>>
            %dma_wait3A_259 = arith.constant 0 : i32
            %dma_wait3A_260 = tpu.memref_slice %arg8[%dma_wait3A_255, %dma_wait3A_259] : memref<16x128xi32, #tpu.memory_space<vmem>> -> memref<1x128xi32, #tpu.memory_space<vmem>>
            %dma_wait3A_261 = tpu.memref_squeeze %dma_wait3A_260 : memref<1x128xi32, #tpu.memory_space<vmem>> -> memref<128xi32, #tpu.memory_space<vmem>>
            %dma_wait3A_262 = arith.constant 0 : i32
            %dma_wait3A_263 = arith.constant 0 : i32
            %dma_wait3A_264 = tpu.memref_slice %arg2[%dma_wait3A_262, %dma_wait3A_263] : memref<2709504x32xf32, #tpu.memory_space<hbm>> -> memref<2709504x32xf32, #tpu.memory_space<hbm>>
            tpu.wait_indirect_dma semaphore(%arg10 : memref<!tpu.dma_semaphore, #tpu.memory_space<semaphore_mem>>) src(%dma_wait3A_264 : memref<2709504x32xf32, #tpu.memory_space<hbm>>) dst(%dma_wait3A_258 : memref<128x32xf32, #tpu.memory_space<vmem>>)
            %dma_wait3A_265 = arith.constant 14 : i32
            %dma_wait3A_266 = arith.constant 256 : i32
            %dma_wait3A_267 = arith.constant 0 : i32
            %dma_wait3A_268 = tpu.memref_slice %arg7[%dma_wait3A_266, %dma_wait3A_267] : memref<512x32xf32, #tpu.memory_space<vmem>> -> memref<128x32xf32, #tpu.memory_space<vmem>>
            %dma_wait3A_269 = arith.constant 0 : i32
            %dma_wait3A_270 = tpu.memref_slice %arg8[%dma_wait3A_265, %dma_wait3A_269] : memref<16x128xi32, #tpu.memory_space<vmem>> -> memref<1x128xi32, #tpu.memory_space<vmem>>
            %dma_wait3A_271 = tpu.memref_squeeze %dma_wait3A_270 : memref<1x128xi32, #tpu.memory_space<vmem>> -> memref<128xi32, #tpu.memory_space<vmem>>
            %dma_wait3A_272 = arith.constant 0 : i32
            %dma_wait3A_273 = arith.constant 0 : i32
            %dma_wait3A_274 = tpu.memref_slice %arg2[%dma_wait3A_272, %dma_wait3A_273] : memref<2709504x32xf32, #tpu.memory_space<hbm>> -> memref<2709504x32xf32, #tpu.memory_space<hbm>>
            tpu.wait_indirect_dma semaphore(%arg10 : memref<!tpu.dma_semaphore, #tpu.memory_space<semaphore_mem>>) src(%dma_wait3A_274 : memref<2709504x32xf32, #tpu.memory_space<hbm>>) dst(%dma_wait3A_268 : memref<128x32xf32, #tpu.memory_space<vmem>>)
            %dma_wait3A_275 = arith.constant 15 : i32
            %dma_wait3A_276 = arith.constant 384 : i32
            %dma_wait3A_277 = arith.constant 0 : i32
            %dma_wait3A_278 = tpu.memref_slice %arg7[%dma_wait3A_276, %dma_wait3A_277] : memref<512x32xf32, #tpu.memory_space<vmem>> -> memref<128x32xf32, #tpu.memory_space<vmem>>
            %dma_wait3A_279 = arith.constant 0 : i32
            %dma_wait3A_280 = tpu.memref_slice %arg8[%dma_wait3A_275, %dma_wait3A_279] : memref<16x128xi32, #tpu.memory_space<vmem>> -> memref<1x128xi32, #tpu.memory_space<vmem>>
            %dma_wait3A_281 = tpu.memref_squeeze %dma_wait3A_280 : memref<1x128xi32, #tpu.memory_space<vmem>> -> memref<128xi32, #tpu.memory_space<vmem>>
            %dma_wait3A_282 = arith.constant 0 : i32
            %dma_wait3A_283 = arith.constant 0 : i32
            %dma_wait3A_284 = tpu.memref_slice %arg2[%dma_wait3A_282, %dma_wait3A_283] : memref<2709504x32xf32, #tpu.memory_space<hbm>> -> memref<2709504x32xf32, #tpu.memory_space<hbm>>
            tpu.wait_indirect_dma semaphore(%arg10 : memref<!tpu.dma_semaphore, #tpu.memory_space<semaphore_mem>>) src(%dma_wait3A_284 : memref<2709504x32xf32, #tpu.memory_space<hbm>>) dst(%dma_wait3A_278 : memref<128x32xf32, #tpu.memory_space<vmem>>)
            %dma_start3A_285 = arith.constant 12 : i32
            %dma_start3A_286 = arith.constant 0 : i32
            %dma_start3A_287 = arith.constant 0 : i32
            %dma_start3A_288 = tpu.memref_slice %arg7[%dma_start3A_286, %dma_start3A_287] : memref<512x32xf32, #tpu.memory_space<vmem>> -> memref<128x32xf32, #tpu.memory_space<vmem>>
            %dma_start3A_289 = arith.constant 0 : i32
            %dma_start3A_290 = tpu.memref_slice %arg9[%dma_start3A_285, %dma_start3A_289] : memref<16x128xi32, #tpu.memory_space<vmem>> -> memref<1x128xi32, #tpu.memory_space<vmem>>
            %dma_start3A_291 = tpu.memref_squeeze %dma_start3A_290 : memref<1x128xi32, #tpu.memory_space<vmem>> -> memref<128xi32, #tpu.memory_space<vmem>>
            %dma_start3A_292 = arith.constant 0 : i32
            %dma_start3A_293 = arith.constant 0 : i32
            %dma_start3A_294 = tpu.memref_slice %arg6[%dma_start3A_292, %dma_start3A_293] : memref<50176x32xf32, #tpu.memory_space<vmem_shared>> -> memref<50176x32xf32, #tpu.memory_space<vmem_shared>>
            tpu.enqueue_indirect_dma source(%dma_start3A_288 : memref<128x32xf32, #tpu.memory_space<vmem>>) target(%dma_start3A_294 : memref<50176x32xf32, #tpu.memory_space<vmem_shared>>) offsets(%dma_start3A_291 : memref<128xi32, #tpu.memory_space<vmem>>) semaphore(%arg11 : memref<!tpu.dma_semaphore, #tpu.memory_space<semaphore_mem>>) {add = true}
            %dma_start3A_295 = arith.constant 13 : i32
            %dma_start3A_296 = arith.constant 128 : i32
            %dma_start3A_297 = arith.constant 0 : i32
            %dma_start3A_298 = tpu.memref_slice %arg7[%dma_start3A_296, %dma_start3A_297] : memref<512x32xf32, #tpu.memory_space<vmem>> -> memref<128x32xf32, #tpu.memory_space<vmem>>
            %dma_start3A_299 = arith.constant 0 : i32
            %dma_start3A_300 = tpu.memref_slice %arg9[%dma_start3A_295, %dma_start3A_299] : memref<16x128xi32, #tpu.memory_space<vmem>> -> memref<1x128xi32, #tpu.memory_space<vmem>>
            %dma_start3A_301 = tpu.memref_squeeze %dma_start3A_300 : memref<1x128xi32, #tpu.memory_space<vmem>> -> memref<128xi32, #tpu.memory_space<vmem>>
            %dma_start3A_302 = arith.constant 0 : i32
            %dma_start3A_303 = arith.constant 0 : i32
            %dma_start3A_304 = tpu.memref_slice %arg6[%dma_start3A_302, %dma_start3A_303] : memref<50176x32xf32, #tpu.memory_space<vmem_shared>> -> memref<50176x32xf32, #tpu.memory_space<vmem_shared>>
            tpu.enqueue_indirect_dma source(%dma_start3A_298 : memref<128x32xf32, #tpu.memory_space<vmem>>) target(%dma_start3A_304 : memref<50176x32xf32, #tpu.memory_space<vmem_shared>>) offsets(%dma_start3A_301 : memref<128xi32, #tpu.memory_space<vmem>>) semaphore(%arg11 : memref<!tpu.dma_semaphore, #tpu.memory_space<semaphore_mem>>) {add = true}
            %dma_start3A_305 = arith.constant 14 : i32
            %dma_start3A_306 = arith.constant 256 : i32
            %dma_start3A_307 = arith.constant 0 : i32
            %dma_start3A_308 = tpu.memref_slice %arg7[%dma_start3A_306, %dma_start3A_307] : memref<512x32xf32, #tpu.memory_space<vmem>> -> memref<128x32xf32, #tpu.memory_space<vmem>>
            %dma_start3A_309 = arith.constant 0 : i32
            %dma_start3A_310 = tpu.memref_slice %arg9[%dma_start3A_305, %dma_start3A_309] : memref<16x128xi32, #tpu.memory_space<vmem>> -> memref<1x128xi32, #tpu.memory_space<vmem>>
            %dma_start3A_311 = tpu.memref_squeeze %dma_start3A_310 : memref<1x128xi32, #tpu.memory_space<vmem>> -> memref<128xi32, #tpu.memory_space<vmem>>
            %dma_start3A_312 = arith.constant 0 : i32
            %dma_start3A_313 = arith.constant 0 : i32
            %dma_start3A_314 = tpu.memref_slice %arg6[%dma_start3A_312, %dma_start3A_313] : memref<50176x32xf32, #tpu.memory_space<vmem_shared>> -> memref<50176x32xf32, #tpu.memory_space<vmem_shared>>
            tpu.enqueue_indirect_dma source(%dma_start3A_308 : memref<128x32xf32, #tpu.memory_space<vmem>>) target(%dma_start3A_314 : memref<50176x32xf32, #tpu.memory_space<vmem_shared>>) offsets(%dma_start3A_311 : memref<128xi32, #tpu.memory_space<vmem>>) semaphore(%arg11 : memref<!tpu.dma_semaphore, #tpu.memory_space<semaphore_mem>>) {add = true}
            %dma_start3A_315 = arith.constant 15 : i32
            %dma_start3A_316 = arith.constant 384 : i32
            %dma_start3A_317 = arith.constant 0 : i32
            %dma_start3A_318 = tpu.memref_slice %arg7[%dma_start3A_316, %dma_start3A_317] : memref<512x32xf32, #tpu.memory_space<vmem>> -> memref<128x32xf32, #tpu.memory_space<vmem>>
            %dma_start3A_319 = arith.constant 0 : i32
            %dma_start3A_320 = tpu.memref_slice %arg9[%dma_start3A_315, %dma_start3A_319] : memref<16x128xi32, #tpu.memory_space<vmem>> -> memref<1x128xi32, #tpu.memory_space<vmem>>
            %dma_start3A_321 = tpu.memref_squeeze %dma_start3A_320 : memref<1x128xi32, #tpu.memory_space<vmem>> -> memref<128xi32, #tpu.memory_space<vmem>>
            %dma_start3A_322 = arith.constant 0 : i32
            %dma_start3A_323 = arith.constant 0 : i32
            %dma_start3A_324 = tpu.memref_slice %arg6[%dma_start3A_322, %dma_start3A_323] : memref<50176x32xf32, #tpu.memory_space<vmem_shared>> -> memref<50176x32xf32, #tpu.memory_space<vmem_shared>>
            tpu.enqueue_indirect_dma source(%dma_start3A_318 : memref<128x32xf32, #tpu.memory_space<vmem>>) target(%dma_start3A_324 : memref<50176x32xf32, #tpu.memory_space<vmem_shared>>) offsets(%dma_start3A_321 : memref<128xi32, #tpu.memory_space<vmem>>) semaphore(%arg11 : memref<!tpu.dma_semaphore, #tpu.memory_space<semaphore_mem>>) {add = true}
            %dma_wait3A_325 = arith.constant 12 : i32
            %dma_wait3A_326 = arith.constant 0 : i32
            %dma_wait3A_327 = arith.constant 0 : i32
            %dma_wait3A_328 = tpu.memref_slice %arg7[%dma_wait3A_326, %dma_wait3A_327] : memref<512x32xf32, #tpu.memory_space<vmem>> -> memref<128x32xf32, #tpu.memory_space<vmem>>
            %dma_wait3A_329 = arith.constant 0 : i32
            %dma_wait3A_330 = tpu.memref_slice %arg9[%dma_wait3A_325, %dma_wait3A_329] : memref<16x128xi32, #tpu.memory_space<vmem>> -> memref<1x128xi32, #tpu.memory_space<vmem>>
            %dma_wait3A_331 = tpu.memref_squeeze %dma_wait3A_330 : memref<1x128xi32, #tpu.memory_space<vmem>> -> memref<128xi32, #tpu.memory_space<vmem>>
            %dma_wait3A_332 = arith.constant 0 : i32
            %dma_wait3A_333 = arith.constant 0 : i32
            %dma_wait3A_334 = tpu.memref_slice %arg6[%dma_wait3A_332, %dma_wait3A_333] : memref<50176x32xf32, #tpu.memory_space<vmem_shared>> -> memref<50176x32xf32, #tpu.memory_space<vmem_shared>>
            tpu.wait_indirect_dma semaphore(%arg11 : memref<!tpu.dma_semaphore, #tpu.memory_space<semaphore_mem>>) src(%dma_wait3A_328 : memref<128x32xf32, #tpu.memory_space<vmem>>) dst(%dma_wait3A_334 : memref<50176x32xf32, #tpu.memory_space<vmem_shared>>)
            %dma_wait3A_335 = arith.constant 13 : i32
            %dma_wait3A_336 = arith.constant 128 : i32
            %dma_wait3A_337 = arith.constant 0 : i32
            %dma_wait3A_338 = tpu.memref_slice %arg7[%dma_wait3A_336, %dma_wait3A_337] : memref<512x32xf32, #tpu.memory_space<vmem>> -> memref<128x32xf32, #tpu.memory_space<vmem>>
            %dma_wait3A_339 = arith.constant 0 : i32
            %dma_wait3A_340 = tpu.memref_slice %arg9[%dma_wait3A_335, %dma_wait3A_339] : memref<16x128xi32, #tpu.memory_space<vmem>> -> memref<1x128xi32, #tpu.memory_space<vmem>>
            %dma_wait3A_341 = tpu.memref_squeeze %dma_wait3A_340 : memref<1x128xi32, #tpu.memory_space<vmem>> -> memref<128xi32, #tpu.memory_space<vmem>>
            %dma_wait3A_342 = arith.constant 0 : i32
            %dma_wait3A_343 = arith.constant 0 : i32
            %dma_wait3A_344 = tpu.memref_slice %arg6[%dma_wait3A_342, %dma_wait3A_343] : memref<50176x32xf32, #tpu.memory_space<vmem_shared>> -> memref<50176x32xf32, #tpu.memory_space<vmem_shared>>
            tpu.wait_indirect_dma semaphore(%arg11 : memref<!tpu.dma_semaphore, #tpu.memory_space<semaphore_mem>>) src(%dma_wait3A_338 : memref<128x32xf32, #tpu.memory_space<vmem>>) dst(%dma_wait3A_344 : memref<50176x32xf32, #tpu.memory_space<vmem_shared>>)
            %dma_wait3A_345 = arith.constant 14 : i32
            %dma_wait3A_346 = arith.constant 256 : i32
            %dma_wait3A_347 = arith.constant 0 : i32
            %dma_wait3A_348 = tpu.memref_slice %arg7[%dma_wait3A_346, %dma_wait3A_347] : memref<512x32xf32, #tpu.memory_space<vmem>> -> memref<128x32xf32, #tpu.memory_space<vmem>>
            %dma_wait3A_349 = arith.constant 0 : i32
            %dma_wait3A_350 = tpu.memref_slice %arg9[%dma_wait3A_345, %dma_wait3A_349] : memref<16x128xi32, #tpu.memory_space<vmem>> -> memref<1x128xi32, #tpu.memory_space<vmem>>
            %dma_wait3A_351 = tpu.memref_squeeze %dma_wait3A_350 : memref<1x128xi32, #tpu.memory_space<vmem>> -> memref<128xi32, #tpu.memory_space<vmem>>
            %dma_wait3A_352 = arith.constant 0 : i32
            %dma_wait3A_353 = arith.constant 0 : i32
            %dma_wait3A_354 = tpu.memref_slice %arg6[%dma_wait3A_352, %dma_wait3A_353] : memref<50176x32xf32, #tpu.memory_space<vmem_shared>> -> memref<50176x32xf32, #tpu.memory_space<vmem_shared>>
            tpu.wait_indirect_dma semaphore(%arg11 : memref<!tpu.dma_semaphore, #tpu.memory_space<semaphore_mem>>) src(%dma_wait3A_348 : memref<128x32xf32, #tpu.memory_space<vmem>>) dst(%dma_wait3A_354 : memref<50176x32xf32, #tpu.memory_space<vmem_shared>>)
            %dma_wait3A_355 = arith.constant 15 : i32
            %dma_wait3A_356 = arith.constant 384 : i32
            %dma_wait3A_357 = arith.constant 0 : i32
            %dma_wait3A_358 = tpu.memref_slice %arg7[%dma_wait3A_356, %dma_wait3A_357] : memref<512x32xf32, #tpu.memory_space<vmem>> -> memref<128x32xf32, #tpu.memory_space<vmem>>
            %dma_wait3A_359 = arith.constant 0 : i32
            %dma_wait3A_360 = tpu.memref_slice %arg9[%dma_wait3A_355, %dma_wait3A_359] : memref<16x128xi32, #tpu.memory_space<vmem>> -> memref<1x128xi32, #tpu.memory_space<vmem>>
            %dma_wait3A_361 = tpu.memref_squeeze %dma_wait3A_360 : memref<1x128xi32, #tpu.memory_space<vmem>> -> memref<128xi32, #tpu.memory_space<vmem>>
            %dma_wait3A_362 = arith.constant 0 : i32
            %dma_wait3A_363 = arith.constant 0 : i32
            %dma_wait3A_364 = tpu.memref_slice %arg6[%dma_wait3A_362, %dma_wait3A_363] : memref<50176x32xf32, #tpu.memory_space<vmem_shared>> -> memref<50176x32xf32, #tpu.memory_space<vmem_shared>>
            tpu.wait_indirect_dma semaphore(%arg11 : memref<!tpu.dma_semaphore, #tpu.memory_space<semaphore_mem>>) src(%dma_wait3A_358 : memref<128x32xf32, #tpu.memory_space<vmem>>) dst(%dma_wait3A_364 : memref<50176x32xf32, #tpu.memory_space<vmem_shared>>)
          } else {
          }
        } else {
        }
        %scan3A_58 = arith.constant 0 : i32
        scf.yield %scan3A_58 : i32
      }
      %scan3A_49 = arith.constant 4 : i32
      %scan3A_50 = arith.constant 0 : i32
      scf.yield %scan3A_50 : i32
    }
    %scan3A_26 = arith.constant 27 : i32
    %barrier3A_27 = arith.constant 0 : index
    tpu.barrier barrier_id(%barrier3A_27)
    %scan3A_28 = arith.constant 0 : i32
    %scan3A_29 = arith.constant 0 : i32
    %scan3A_30 = arith.constant 4 : i32
    %scan3A_31 = arith.addi %scan3A_29, %scan3A_30 : i32
    %scan3A_32 = arith.constant 1 : i32
    %scan3A_33 = scf.for %scan3A_35 = %scan3A_29 to %scan3A_31 step %scan3A_32 iter_args(%scan3A_36 = %scan3A_28) -> (i32)  : i32 {
      %mul3A_37 = arith.constant 16 : i32
      %mul3A_38 = arith.muli %mul3A_37, %scan3A_35 : i32
      %add3A_39 = arith.addi %arg1, %mul3A_38 : i32
      %lt3A = arith.constant 50 : i32
      %lt3A_40 = arith.cmpi slt, %add3A_39, %lt3A : i32
      %convert_element_type3A = arith.extui %lt3A_40 : i1 to i32
      %cond3A = arith.constant 0 : i32
      %cond3A_41 = arith.cmpi ne, %convert_element_type3A, %cond3A : i32
      scf.if %cond3A_41 {
        %mul3A_43 = arith.constant 1000 : i32
        %mul3A_44 = arith.muli %add3A_39, %mul3A_43 : i32
        %mul3A_45 = arith.constant 1000 : i32
        %mul3A_46 = arith.muli %add3A_39, %mul3A_45 : i32
        %add3A_47 = arith.addi %mul3A_0, %mul3A_46 : i32
        "tpu.region"() ({
          %run_scoped3A = tpu.sem_alloc : memref<!tpu.dma_semaphore, #tpu.memory_space<semaphore_mem>>
          %dma_start3A = arith.constant 0 : i32
          %dma_start3A_48 = tpu.memref_slice %arg5[%add3A_47, %dma_start3A] : memref<100000x32xf32, #tpu.memory_space<hbm>> -> memref<1000x32xf32, #tpu.memory_space<hbm>>
          %dma_start3A_49 = arith.constant 0 : i32
          %dma_start3A_50 = tpu.memref_slice %arg6[%mul3A_44, %dma_start3A_49] : memref<50176x32xf32, #tpu.memory_space<vmem_shared>> -> memref<1000x32xf32, #tpu.memory_space<vmem_shared>>
          tpu.enqueue_dma source(%dma_start3A_50 : memref<1000x32xf32, #tpu.memory_space<vmem_shared>>) target(%dma_start3A_48 : memref<1000x32xf32, #tpu.memory_space<hbm>>) target_semaphore(%run_scoped3A : memref<!tpu.dma_semaphore, #tpu.memory_space<semaphore_mem>>)
          %dma_wait3A = arith.constant 0 : i32
          %dma_wait3A_51 = tpu.memref_slice %arg5[%add3A_47, %dma_wait3A] : memref<100000x32xf32, #tpu.memory_space<hbm>> -> memref<1000x32xf32, #tpu.memory_space<hbm>>
          %dma_wait3A_52 = arith.constant 0 : i32
          %dma_wait3A_53 = tpu.memref_slice %arg6[%mul3A_44, %dma_wait3A_52] : memref<50176x32xf32, #tpu.memory_space<vmem_shared>> -> memref<1000x32xf32, #tpu.memory_space<vmem_shared>>
          tpu.wait_dma2 semaphore(%run_scoped3A : memref<!tpu.dma_semaphore, #tpu.memory_space<semaphore_mem>>) src(%dma_wait3A_53 : memref<1000x32xf32, #tpu.memory_space<vmem_shared>>) dst(%dma_wait3A_51 : memref<1000x32xf32, #tpu.memory_space<hbm>>)
          tpu.yield
        }) : () -> ()
      } else {
      }
      %scan3A_42 = arith.constant 0 : i32
      scf.yield %scan3A_42 : i32
    }
    %scan3A_34 = arith.constant 4 : i32
    return
  }
}

module attributes {stable_mosaic.version = 14 : i64} {
  func.func @body(%arg0: i32, %arg1: memref<1000x32xf32, #tpu.memory_space<vmem>>, %arg2: memref<32x864xf32, #tpu.memory_space<vmem>>, %arg3: memref<27x1000x32xf32, #tpu.memory_space<vmem>>) attributes {dimension_semantics = [#tpu.dimension_semantics<arbitrary>], iteration_bounds = array<i64: 100>, scalar_prefetch = 0 : i64, scratch_operands = 0 : i64, tpu.core_type = #tpu.core_type<tc>, window_params = [{transform_indices = @transform_0, window_bounds = array<i64: 1000, 32>}, {pipeline_mode = #tpu.pipeline_mode<synchronous>, transform_indices = @transform_1, window_bounds = array<i64: 32, 864>}, {transform_indices = @transform_2, window_bounds = array<i64: 27, 1000, 32>}]} {
    %get3A = arith.constant 0 : index
    %get3A_0 = arith.constant 0 : index
    %get3A_1 = vector.load %arg1[%get3A, %get3A_0] : memref<1000x32xf32, #tpu.memory_space<vmem>>, vector<1000x32xf32>
    %get3A_2 = arith.constant 0 : index
    %get3A_3 = arith.constant 0 : index
    %get3A_4 = vector.load %arg2[%get3A_2, %get3A_3] : memref<32x864xf32, #tpu.memory_space<vmem>>, vector<32x864xf32>
    %dot_general3A = arith.constant dense<0.000000e+00> : vector<1000x864xf32>
    %dot_general3A_5 = tpu.matmul %get3A_1, %get3A_4, %dot_general3A {dimension_numbers = #tpu.dot_dimension_numbers<[1], [0], [0], [1], [0, 0, 1, 1], [], []>, transpose_lhs_hint = false} : vector<1000x32xf32>, vector<32x864xf32>, vector<1000x864xf32> -> vector<1000x864xf32>
    %slice3A = vector.extract_strided_slice %dot_general3A_5 {offsets = [0, 0], sizes = [1000, 32], strides = [1, 1]} : vector<1000x864xf32> to vector<1000x32xf32>
    %swap3A = arith.constant 0 : index
    %swap3A_6 = arith.constant 0 : index
    %swap3A_7 = arith.constant 0 : index
    %swap3A_8 = vector.load %arg3[%swap3A, %swap3A_6, %swap3A_7] : memref<27x1000x32xf32, #tpu.memory_space<vmem>>, vector<1x1000x32xf32>
    %swap3A_9 = vector.shape_cast %swap3A_8 : vector<1x1000x32xf32> to vector<1000x32xf32>
    %swap3A_10 = vector.shape_cast %slice3A : vector<1000x32xf32> to vector<1x1000x32xf32>
    tpu.vector_store %arg3[%swap3A, %swap3A_6, %swap3A_7], %swap3A_10 {strides = array<i32>} : memref<27x1000x32xf32, #tpu.memory_space<vmem>>, vector<1x1000x32xf32>,
    %slice3A_11 = vector.extract_strided_slice %dot_general3A_5 {offsets = [0, 32], sizes = [1000, 32], strides = [1, 1]} : vector<1000x864xf32> to vector<1000x32xf32>
    %swap3A_12 = arith.constant 1 : index
    %swap3A_13 = arith.constant 0 : index
    %swap3A_14 = arith.constant 0 : index
    %swap3A_15 = vector.load %arg3[%swap3A_12, %swap3A_13, %swap3A_14] : memref<27x1000x32xf32, #tpu.memory_space<vmem>>, vector<1x1000x32xf32>
    %swap3A_16 = vector.shape_cast %swap3A_15 : vector<1x1000x32xf32> to vector<1000x32xf32>
    %swap3A_17 = vector.shape_cast %slice3A_11 : vector<1000x32xf32> to vector<1x1000x32xf32>
    tpu.vector_store %arg3[%swap3A_12, %swap3A_13, %swap3A_14], %swap3A_17 {strides = array<i32>} : memref<27x1000x32xf32, #tpu.memory_space<vmem>>, vector<1x1000x32xf32>,
    %slice3A_18 = vector.extract_strided_slice %dot_general3A_5 {offsets = [0, 64], sizes = [1000, 32], strides = [1, 1]} : vector<1000x864xf32> to vector<1000x32xf32>
    %swap3A_19 = arith.constant 2 : index
    %swap3A_20 = arith.constant 0 : index
    %swap3A_21 = arith.constant 0 : index
    %swap3A_22 = vector.load %arg3[%swap3A_19, %swap3A_20, %swap3A_21] : memref<27x1000x32xf32, #tpu.memory_space<vmem>>, vector<1x1000x32xf32>
    %swap3A_23 = vector.shape_cast %swap3A_22 : vector<1x1000x32xf32> to vector<1000x32xf32>
    %swap3A_24 = vector.shape_cast %slice3A_18 : vector<1000x32xf32> to vector<1x1000x32xf32>
    tpu.vector_store %arg3[%swap3A_19, %swap3A_20, %swap3A_21], %swap3A_24 {strides = array<i32>} : memref<27x1000x32xf32, #tpu.memory_space<vmem>>, vector<1x1000x32xf32>,
    %slice3A_25 = vector.extract_strided_slice %dot_general3A_5 {offsets = [0, 96], sizes = [1000, 32], strides = [1, 1]} : vector<1000x864xf32> to vector<1000x32xf32>
    %swap3A_26 = arith.constant 3 : index
    %swap3A_27 = arith.constant 0 : index
    %swap3A_28 = arith.constant 0 : index
    %swap3A_29 = vector.load %arg3[%swap3A_26, %swap3A_27, %swap3A_28] : memref<27x1000x32xf32, #tpu.memory_space<vmem>>, vector<1x1000x32xf32>
    %swap3A_30 = vector.shape_cast %swap3A_29 : vector<1x1000x32xf32> to vector<1000x32xf32>
    %swap3A_31 = vector.shape_cast %slice3A_25 : vector<1000x32xf32> to vector<1x1000x32xf32>
    tpu.vector_store %arg3[%swap3A_26, %swap3A_27, %swap3A_28], %swap3A_31 {strides = array<i32>} : memref<27x1000x32xf32, #tpu.memory_space<vmem>>, vector<1x1000x32xf32>,
    %slice3A_32 = vector.extract_strided_slice %dot_general3A_5 {offsets = [0, 128], sizes = [1000, 32], strides = [1, 1]} : vector<1000x864xf32> to vector<1000x32xf32>
    %swap3A_33 = arith.constant 4 : index
    %swap3A_34 = arith.constant 0 : index
    %swap3A_35 = arith.constant 0 : index
    %swap3A_36 = vector.load %arg3[%swap3A_33, %swap3A_34, %swap3A_35] : memref<27x1000x32xf32, #tpu.memory_space<vmem>>, vector<1x1000x32xf32>
    %swap3A_37 = vector.shape_cast %swap3A_36 : vector<1x1000x32xf32> to vector<1000x32xf32>
    %swap3A_38 = vector.shape_cast %slice3A_32 : vector<1000x32xf32> to vector<1x1000x32xf32>
    tpu.vector_store %arg3[%swap3A_33, %swap3A_34, %swap3A_35], %swap3A_38 {strides = array<i32>} : memref<27x1000x32xf32, #tpu.memory_space<vmem>>, vector<1x1000x32xf32>,
    %slice3A_39 = vector.extract_strided_slice %dot_general3A_5 {offsets = [0, 160], sizes = [1000, 32], strides = [1, 1]} : vector<1000x864xf32> to vector<1000x32xf32>
    %swap3A_40 = arith.constant 5 : index
    %swap3A_41 = arith.constant 0 : index
    %swap3A_42 = arith.constant 0 : index
    %swap3A_43 = vector.load %arg3[%swap3A_40, %swap3A_41, %swap3A_42] : memref<27x1000x32xf32, #tpu.memory_space<vmem>>, vector<1x1000x32xf32>
    %swap3A_44 = vector.shape_cast %swap3A_43 : vector<1x1000x32xf32> to vector<1000x32xf32>
    %swap3A_45 = vector.shape_cast %slice3A_39 : vector<1000x32xf32> to vector<1x1000x32xf32>
    tpu.vector_store %arg3[%swap3A_40, %swap3A_41, %swap3A_42], %swap3A_45 {strides = array<i32>} : memref<27x1000x32xf32, #tpu.memory_space<vmem>>, vector<1x1000x32xf32>,
    %slice3A_46 = vector.extract_strided_slice %dot_general3A_5 {offsets = [0, 192], sizes = [1000, 32], strides = [1, 1]} : vector<1000x864xf32> to vector<1000x32xf32>
    %swap3A_47 = arith.constant 6 : index
    %swap3A_48 = arith.constant 0 : index
    %swap3A_49 = arith.constant 0 : index
    %swap3A_50 = vector.load %arg3[%swap3A_47, %swap3A_48, %swap3A_49] : memref<27x1000x32xf32, #tpu.memory_space<vmem>>, vector<1x1000x32xf32>
    %swap3A_51 = vector.shape_cast %swap3A_50 : vector<1x1000x32xf32> to vector<1000x32xf32>
    %swap3A_52 = vector.shape_cast %slice3A_46 : vector<1000x32xf32> to vector<1x1000x32xf32>
    tpu.vector_store %arg3[%swap3A_47, %swap3A_48, %swap3A_49], %swap3A_52 {strides = array<i32>} : memref<27x1000x32xf32, #tpu.memory_space<vmem>>, vector<1x1000x32xf32>,
    %slice3A_53 = vector.extract_strided_slice %dot_general3A_5 {offsets = [0, 224], sizes = [1000, 32], strides = [1, 1]} : vector<1000x864xf32> to vector<1000x32xf32>
    %swap3A_54 = arith.constant 7 : index
    %swap3A_55 = arith.constant 0 : index
    %swap3A_56 = arith.constant 0 : index
    %swap3A_57 = vector.load %arg3[%swap3A_54, %swap3A_55, %swap3A_56] : memref<27x1000x32xf32, #tpu.memory_space<vmem>>, vector<1x1000x32xf32>
    %swap3A_58 = vector.shape_cast %swap3A_57 : vector<1x1000x32xf32> to vector<1000x32xf32>
    %swap3A_59 = vector.shape_cast %slice3A_53 : vector<1000x32xf32> to vector<1x1000x32xf32>
    tpu.vector_store %arg3[%swap3A_54, %swap3A_55, %swap3A_56], %swap3A_59 {strides = array<i32>} : memref<27x1000x32xf32, #tpu.memory_space<vmem>>, vector<1x1000x32xf32>,
    %slice3A_60 = vector.extract_strided_slice %dot_general3A_5 {offsets = [0, 256], sizes = [1000, 32], strides = [1, 1]} : vector<1000x864xf32> to vector<1000x32xf32>
    %swap3A_61 = arith.constant 8 : index
    %swap3A_62 = arith.constant 0 : index
    %swap3A_63 = arith.constant 0 : index
    %swap3A_64 = vector.load %arg3[%swap3A_61, %swap3A_62, %swap3A_63] : memref<27x1000x32xf32, #tpu.memory_space<vmem>>, vector<1x1000x32xf32>
    %swap3A_65 = vector.shape_cast %swap3A_64 : vector<1x1000x32xf32> to vector<1000x32xf32>
    %swap3A_66 = vector.shape_cast %slice3A_60 : vector<1000x32xf32> to vector<1x1000x32xf32>
    tpu.vector_store %arg3[%swap3A_61, %swap3A_62, %swap3A_63], %swap3A_66 {strides = array<i32>} : memref<27x1000x32xf32, #tpu.memory_space<vmem>>, vector<1x1000x32xf32>,
    %slice3A_67 = vector.extract_strided_slice %dot_general3A_5 {offsets = [0, 288], sizes = [1000, 32], strides = [1, 1]} : vector<1000x864xf32> to vector<1000x32xf32>
    %swap3A_68 = arith.constant 9 : index
    %swap3A_69 = arith.constant 0 : index
    %swap3A_70 = arith.constant 0 : index
    %swap3A_71 = vector.load %arg3[%swap3A_68, %swap3A_69, %swap3A_70] : memref<27x1000x32xf32, #tpu.memory_space<vmem>>, vector<1x1000x32xf32>
    %swap3A_72 = vector.shape_cast %swap3A_71 : vector<1x1000x32xf32> to vector<1000x32xf32>
    %swap3A_73 = vector.shape_cast %slice3A_67 : vector<1000x32xf32> to vector<1x1000x32xf32>
    tpu.vector_store %arg3[%swap3A_68, %swap3A_69, %swap3A_70], %swap3A_73 {strides = array<i32>} : memref<27x1000x32xf32, #tpu.memory_space<vmem>>, vector<1x1000x32xf32>,
    %slice3A_74 = vector.extract_strided_slice %dot_general3A_5 {offsets = [0, 320], sizes = [1000, 32], strides = [1, 1]} : vector<1000x864xf32> to vector<1000x32xf32>
    %swap3A_75 = arith.constant 10 : index
    %swap3A_76 = arith.constant 0 : index
    %swap3A_77 = arith.constant 0 : index
    %swap3A_78 = vector.load %arg3[%swap3A_75, %swap3A_76, %swap3A_77] : memref<27x1000x32xf32, #tpu.memory_space<vmem>>, vector<1x1000x32xf32>
    %swap3A_79 = vector.shape_cast %swap3A_78 : vector<1x1000x32xf32> to vector<1000x32xf32>
    %swap3A_80 = vector.shape_cast %slice3A_74 : vector<1000x32xf32> to vector<1x1000x32xf32>
    tpu.vector_store %arg3[%swap3A_75, %swap3A_76, %swap3A_77], %swap3A_80 {strides = array<i32>} : memref<27x1000x32xf32, #tpu.memory_space<vmem>>, vector<1x1000x32xf32>,
    %slice3A_81 = vector.extract_strided_slice %dot_general3A_5 {offsets = [0, 352], sizes = [1000, 32], strides = [1, 1]} : vector<1000x864xf32> to vector<1000x32xf32>
    %swap3A_82 = arith.constant 11 : index
    %swap3A_83 = arith.constant 0 : index
    %swap3A_84 = arith.constant 0 : index
    %swap3A_85 = vector.load %arg3[%swap3A_82, %swap3A_83, %swap3A_84] : memref<27x1000x32xf32, #tpu.memory_space<vmem>>, vector<1x1000x32xf32>
    %swap3A_86 = vector.shape_cast %swap3A_85 : vector<1x1000x32xf32> to vector<1000x32xf32>
    %swap3A_87 = vector.shape_cast %slice3A_81 : vector<1000x32xf32> to vector<1x1000x32xf32>
    tpu.vector_store %arg3[%swap3A_82, %swap3A_83, %swap3A_84], %swap3A_87 {strides = array<i32>} : memref<27x1000x32xf32, #tpu.memory_space<vmem>>, vector<1x1000x32xf32>,
    %slice3A_88 = vector.extract_strided_slice %dot_general3A_5 {offsets = [0, 384], sizes = [1000, 32], strides = [1, 1]} : vector<1000x864xf32> to vector<1000x32xf32>
    %swap3A_89 = arith.constant 12 : index
    %swap3A_90 = arith.constant 0 : index
    %swap3A_91 = arith.constant 0 : index
    %swap3A_92 = vector.load %arg3[%swap3A_89, %swap3A_90, %swap3A_91] : memref<27x1000x32xf32, #tpu.memory_space<vmem>>, vector<1x1000x32xf32>
    %swap3A_93 = vector.shape_cast %swap3A_92 : vector<1x1000x32xf32> to vector<1000x32xf32>
    %swap3A_94 = vector.shape_cast %slice3A_88 : vector<1000x32xf32> to vector<1x1000x32xf32>
    tpu.vector_store %arg3[%swap3A_89, %swap3A_90, %swap3A_91], %swap3A_94 {strides = array<i32>} : memref<27x1000x32xf32, #tpu.memory_space<vmem>>, vector<1x1000x32xf32>,
    %slice3A_95 = vector.extract_strided_slice %dot_general3A_5 {offsets = [0, 416], sizes = [1000, 32], strides = [1, 1]} : vector<1000x864xf32> to vector<1000x32xf32>
    %swap3A_96 = arith.constant 13 : index
    %swap3A_97 = arith.constant 0 : index
    %swap3A_98 = arith.constant 0 : index
    %swap3A_99 = vector.load %arg3[%swap3A_96, %swap3A_97, %swap3A_98] : memref<27x1000x32xf32, #tpu.memory_space<vmem>>, vector<1x1000x32xf32>
    %swap3A_100 = vector.shape_cast %swap3A_99 : vector<1x1000x32xf32> to vector<1000x32xf32>
    %swap3A_101 = vector.shape_cast %slice3A_95 : vector<1000x32xf32> to vector<1x1000x32xf32>
    tpu.vector_store %arg3[%swap3A_96, %swap3A_97, %swap3A_98], %swap3A_101 {strides = array<i32>} : memref<27x1000x32xf32, #tpu.memory_space<vmem>>, vector<1x1000x32xf32>,
    %slice3A_102 = vector.extract_strided_slice %dot_general3A_5 {offsets = [0, 448], sizes = [1000, 32], strides = [1, 1]} : vector<1000x864xf32> to vector<1000x32xf32>
    %swap3A_103 = arith.constant 14 : index
    %swap3A_104 = arith.constant 0 : index
    %swap3A_105 = arith.constant 0 : index
    %swap3A_106 = vector.load %arg3[%swap3A_103, %swap3A_104, %swap3A_105] : memref<27x1000x32xf32, #tpu.memory_space<vmem>>, vector<1x1000x32xf32>
    %swap3A_107 = vector.shape_cast %swap3A_106 : vector<1x1000x32xf32> to vector<1000x32xf32>
    %swap3A_108 = vector.shape_cast %slice3A_102 : vector<1000x32xf32> to vector<1x1000x32xf32>
    tpu.vector_store %arg3[%swap3A_103, %swap3A_104, %swap3A_105], %swap3A_108 {strides = array<i32>} : memref<27x1000x32xf32, #tpu.memory_space<vmem>>, vector<1x1000x32xf32>,
    %slice3A_109 = vector.extract_strided_slice %dot_general3A_5 {offsets = [0, 480], sizes = [1000, 32], strides = [1, 1]} : vector<1000x864xf32> to vector<1000x32xf32>
    %swap3A_110 = arith.constant 15 : index
    %swap3A_111 = arith.constant 0 : index
    %swap3A_112 = arith.constant 0 : index
    %swap3A_113 = vector.load %arg3[%swap3A_110, %swap3A_111, %swap3A_112] : memref<27x1000x32xf32, #tpu.memory_space<vmem>>, vector<1x1000x32xf32>
    %swap3A_114 = vector.shape_cast %swap3A_113 : vector<1x1000x32xf32> to vector<1000x32xf32>
    %swap3A_115 = vector.shape_cast %slice3A_109 : vector<1000x32xf32> to vector<1x1000x32xf32>
    tpu.vector_store %arg3[%swap3A_110, %swap3A_111, %swap3A_112], %swap3A_115 {strides = array<i32>} : memref<27x1000x32xf32, #tpu.memory_space<vmem>>, vector<1x1000x32xf32>,
    %slice3A_116 = vector.extract_strided_slice %dot_general3A_5 {offsets = [0, 512], sizes = [1000, 32], strides = [1, 1]} : vector<1000x864xf32> to vector<1000x32xf32>
    %swap3A_117 = arith.constant 16 : index
    %swap3A_118 = arith.constant 0 : index
    %swap3A_119 = arith.constant 0 : index
    %swap3A_120 = vector.load %arg3[%swap3A_117, %swap3A_118, %swap3A_119] : memref<27x1000x32xf32, #tpu.memory_space<vmem>>, vector<1x1000x32xf32>
    %swap3A_121 = vector.shape_cast %swap3A_120 : vector<1x1000x32xf32> to vector<1000x32xf32>
    %swap3A_122 = vector.shape_cast %slice3A_116 : vector<1000x32xf32> to vector<1x1000x32xf32>
    tpu.vector_store %arg3[%swap3A_117, %swap3A_118, %swap3A_119], %swap3A_122 {strides = array<i32>} : memref<27x1000x32xf32, #tpu.memory_space<vmem>>, vector<1x1000x32xf32>,
    %slice3A_123 = vector.extract_strided_slice %dot_general3A_5 {offsets = [0, 544], sizes = [1000, 32], strides = [1, 1]} : vector<1000x864xf32> to vector<1000x32xf32>
    %swap3A_124 = arith.constant 17 : index
    %swap3A_125 = arith.constant 0 : index
    %swap3A_126 = arith.constant 0 : index
    %swap3A_127 = vector.load %arg3[%swap3A_124, %swap3A_125, %swap3A_126] : memref<27x1000x32xf32, #tpu.memory_space<vmem>>, vector<1x1000x32xf32>
    %swap3A_128 = vector.shape_cast %swap3A_127 : vector<1x1000x32xf32> to vector<1000x32xf32>
    %swap3A_129 = vector.shape_cast %slice3A_123 : vector<1000x32xf32> to vector<1x1000x32xf32>
    tpu.vector_store %arg3[%swap3A_124, %swap3A_125, %swap3A_126], %swap3A_129 {strides = array<i32>} : memref<27x1000x32xf32, #tpu.memory_space<vmem>>, vector<1x1000x32xf32>,
    %slice3A_130 = vector.extract_strided_slice %dot_general3A_5 {offsets = [0, 576], sizes = [1000, 32], strides = [1, 1]} : vector<1000x864xf32> to vector<1000x32xf32>
    %swap3A_131 = arith.constant 18 : index
    %swap3A_132 = arith.constant 0 : index
    %swap3A_133 = arith.constant 0 : index
    %swap3A_134 = vector.load %arg3[%swap3A_131, %swap3A_132, %swap3A_133] : memref<27x1000x32xf32, #tpu.memory_space<vmem>>, vector<1x1000x32xf32>
    %swap3A_135 = vector.shape_cast %swap3A_134 : vector<1x1000x32xf32> to vector<1000x32xf32>
    %swap3A_136 = vector.shape_cast %slice3A_130 : vector<1000x32xf32> to vector<1x1000x32xf32>
    tpu.vector_store %arg3[%swap3A_131, %swap3A_132, %swap3A_133], %swap3A_136 {strides = array<i32>} : memref<27x1000x32xf32, #tpu.memory_space<vmem>>, vector<1x1000x32xf32>,
    %slice3A_137 = vector.extract_strided_slice %dot_general3A_5 {offsets = [0, 608], sizes = [1000, 32], strides = [1, 1]} : vector<1000x864xf32> to vector<1000x32xf32>
    %swap3A_138 = arith.constant 19 : index
    %swap3A_139 = arith.constant 0 : index
    %swap3A_140 = arith.constant 0 : index
    %swap3A_141 = vector.load %arg3[%swap3A_138, %swap3A_139, %swap3A_140] : memref<27x1000x32xf32, #tpu.memory_space<vmem>>, vector<1x1000x32xf32>
    %swap3A_142 = vector.shape_cast %swap3A_141 : vector<1x1000x32xf32> to vector<1000x32xf32>
    %swap3A_143 = vector.shape_cast %slice3A_137 : vector<1000x32xf32> to vector<1x1000x32xf32>
    tpu.vector_store %arg3[%swap3A_138, %swap3A_139, %swap3A_140], %swap3A_143 {strides = array<i32>} : memref<27x1000x32xf32, #tpu.memory_space<vmem>>, vector<1x1000x32xf32>,
    %slice3A_144 = vector.extract_strided_slice %dot_general3A_5 {offsets = [0, 640], sizes = [1000, 32], strides = [1, 1]} : vector<1000x864xf32> to vector<1000x32xf32>
    %swap3A_145 = arith.constant 20 : index
    %swap3A_146 = arith.constant 0 : index
    %swap3A_147 = arith.constant 0 : index
    %swap3A_148 = vector.load %arg3[%swap3A_145, %swap3A_146, %swap3A_147] : memref<27x1000x32xf32, #tpu.memory_space<vmem>>, vector<1x1000x32xf32>
    %swap3A_149 = vector.shape_cast %swap3A_148 : vector<1x1000x32xf32> to vector<1000x32xf32>
    %swap3A_150 = vector.shape_cast %slice3A_144 : vector<1000x32xf32> to vector<1x1000x32xf32>
    tpu.vector_store %arg3[%swap3A_145, %swap3A_146, %swap3A_147], %swap3A_150 {strides = array<i32>} : memref<27x1000x32xf32, #tpu.memory_space<vmem>>, vector<1x1000x32xf32>,
    %slice3A_151 = vector.extract_strided_slice %dot_general3A_5 {offsets = [0, 672], sizes = [1000, 32], strides = [1, 1]} : vector<1000x864xf32> to vector<1000x32xf32>
    %swap3A_152 = arith.constant 21 : index
    %swap3A_153 = arith.constant 0 : index
    %swap3A_154 = arith.constant 0 : index
    %swap3A_155 = vector.load %arg3[%swap3A_152, %swap3A_153, %swap3A_154] : memref<27x1000x32xf32, #tpu.memory_space<vmem>>, vector<1x1000x32xf32>
    %swap3A_156 = vector.shape_cast %swap3A_155 : vector<1x1000x32xf32> to vector<1000x32xf32>
    %swap3A_157 = vector.shape_cast %slice3A_151 : vector<1000x32xf32> to vector<1x1000x32xf32>
    tpu.vector_store %arg3[%swap3A_152, %swap3A_153, %swap3A_154], %swap3A_157 {strides = array<i32>} : memref<27x1000x32xf32, #tpu.memory_space<vmem>>, vector<1x1000x32xf32>,
    %slice3A_158 = vector.extract_strided_slice %dot_general3A_5 {offsets = [0, 704], sizes = [1000, 32], strides = [1, 1]} : vector<1000x864xf32> to vector<1000x32xf32>
    %swap3A_159 = arith.constant 22 : index
    %swap3A_160 = arith.constant 0 : index
    %swap3A_161 = arith.constant 0 : index
    %swap3A_162 = vector.load %arg3[%swap3A_159, %swap3A_160, %swap3A_161] : memref<27x1000x32xf32, #tpu.memory_space<vmem>>, vector<1x1000x32xf32>
    %swap3A_163 = vector.shape_cast %swap3A_162 : vector<1x1000x32xf32> to vector<1000x32xf32>
    %swap3A_164 = vector.shape_cast %slice3A_158 : vector<1000x32xf32> to vector<1x1000x32xf32>
    tpu.vector_store %arg3[%swap3A_159, %swap3A_160, %swap3A_161], %swap3A_164 {strides = array<i32>} : memref<27x1000x32xf32, #tpu.memory_space<vmem>>, vector<1x1000x32xf32>,
    %slice3A_165 = vector.extract_strided_slice %dot_general3A_5 {offsets = [0, 736], sizes = [1000, 32], strides = [1, 1]} : vector<1000x864xf32> to vector<1000x32xf32>
    %swap3A_166 = arith.constant 23 : index
    %swap3A_167 = arith.constant 0 : index
    %swap3A_168 = arith.constant 0 : index
    %swap3A_169 = vector.load %arg3[%swap3A_166, %swap3A_167, %swap3A_168] : memref<27x1000x32xf32, #tpu.memory_space<vmem>>, vector<1x1000x32xf32>
    %swap3A_170 = vector.shape_cast %swap3A_169 : vector<1x1000x32xf32> to vector<1000x32xf32>
    %swap3A_171 = vector.shape_cast %slice3A_165 : vector<1000x32xf32> to vector<1x1000x32xf32>
    tpu.vector_store %arg3[%swap3A_166, %swap3A_167, %swap3A_168], %swap3A_171 {strides = array<i32>} : memref<27x1000x32xf32, #tpu.memory_space<vmem>>, vector<1x1000x32xf32>,
    %slice3A_172 = vector.extract_strided_slice %dot_general3A_5 {offsets = [0, 768], sizes = [1000, 32], strides = [1, 1]} : vector<1000x864xf32> to vector<1000x32xf32>
    %swap3A_173 = arith.constant 24 : index
    %swap3A_174 = arith.constant 0 : index
    %swap3A_175 = arith.constant 0 : index
    %swap3A_176 = vector.load %arg3[%swap3A_173, %swap3A_174, %swap3A_175] : memref<27x1000x32xf32, #tpu.memory_space<vmem>>, vector<1x1000x32xf32>
    %swap3A_177 = vector.shape_cast %swap3A_176 : vector<1x1000x32xf32> to vector<1000x32xf32>
    %swap3A_178 = vector.shape_cast %slice3A_172 : vector<1000x32xf32> to vector<1x1000x32xf32>
    tpu.vector_store %arg3[%swap3A_173, %swap3A_174, %swap3A_175], %swap3A_178 {strides = array<i32>} : memref<27x1000x32xf32, #tpu.memory_space<vmem>>, vector<1x1000x32xf32>,
    %slice3A_179 = vector.extract_strided_slice %dot_general3A_5 {offsets = [0, 800], sizes = [1000, 32], strides = [1, 1]} : vector<1000x864xf32> to vector<1000x32xf32>
    %swap3A_180 = arith.constant 25 : index
    %swap3A_181 = arith.constant 0 : index
    %swap3A_182 = arith.constant 0 : index
    %swap3A_183 = vector.load %arg3[%swap3A_180, %swap3A_181, %swap3A_182] : memref<27x1000x32xf32, #tpu.memory_space<vmem>>, vector<1x1000x32xf32>
    %swap3A_184 = vector.shape_cast %swap3A_183 : vector<1x1000x32xf32> to vector<1000x32xf32>
    %swap3A_185 = vector.shape_cast %slice3A_179 : vector<1000x32xf32> to vector<1x1000x32xf32>
    tpu.vector_store %arg3[%swap3A_180, %swap3A_181, %swap3A_182], %swap3A_185 {strides = array<i32>} : memref<27x1000x32xf32, #tpu.memory_space<vmem>>, vector<1x1000x32xf32>,
    %slice3A_186 = vector.extract_strided_slice %dot_general3A_5 {offsets = [0, 832], sizes = [1000, 32], strides = [1, 1]} : vector<1000x864xf32> to vector<1000x32xf32>
    %swap3A_187 = arith.constant 26 : index
    %swap3A_188 = arith.constant 0 : index
    %swap3A_189 = arith.constant 0 : index
    %swap3A_190 = vector.load %arg3[%swap3A_187, %swap3A_188, %swap3A_189] : memref<27x1000x32xf32, #tpu.memory_space<vmem>>, vector<1x1000x32xf32>
    %swap3A_191 = vector.shape_cast %swap3A_190 : vector<1x1000x32xf32> to vector<1000x32xf32>
    %swap3A_192 = vector.shape_cast %slice3A_186 : vector<1000x32xf32> to vector<1x1000x32xf32>
    tpu.vector_store %arg3[%swap3A_187, %swap3A_188, %swap3A_189], %swap3A_192 {strides = array<i32>} : memref<27x1000x32xf32, #tpu.memory_space<vmem>>, vector<1x1000x32xf32>,
    return
  }
  func.func @transform_0(%arg0: i32) -> (i32, i32) {
    %c0_i32 = arith.constant 0 : i32
    %c0_i32_0 = arith.constant 0 : i32
    return %arg0, %c0_i32 : i32, i32
  }
  func.func @transform_1(%arg0: i32) -> (i32, i32) {
    %c0_i32 = arith.constant 0 : i32
    %c0_i32_0 = arith.constant 0 : i32
    %c0_i32_1 = arith.constant 0 : i32
    return %c0_i32, %c0_i32_0 : i32, i32
  }
  func.func @transform_2(%arg0: i32) -> (i32, i32, i32) {
    %c0_i32 = arith.constant 0 : i32
    %c0_i32_0 = arith.constant 0 : i32
    %c0_i32_1 = arith.constant 0 : i32
    return %c0_i32, %arg0, %c0_i32_0 : i32, i32, i32
  }
}

module attributes {stable_mosaic.version = 14 : i64} {
  func.func @body(%arg0: i32, %arg1: memref<2000x32xf32, #tpu.memory_space<vmem>>, %arg2: memref<8x32xf32, #tpu.memory_space<vmem>>) attributes {dimension_semantics = [#tpu.dimension_semantics<arbitrary>], iteration_bounds = array<i64: 50>, scalar_prefetch = 0 : i64, scratch_operands = 0 : i64, tpu.core_type = #tpu.core_type<tc>, window_params = [{transform_indices = @transform_0, window_bounds = array<i64: 2000, 32>}, {pipeline_mode = #tpu.pipeline_mode<synchronous>, transform_indices = @transform_1, window_bounds = array<i64: 8, 32>}]} {
    %eq3A = arith.constant 0 : i32
    %eq3A_0 = arith.cmpi eq, %arg0, %eq3A : i32
    %convert_element_type3A = arith.extui %eq3A_0 : i1 to i32
    %cond3A = arith.constant 0 : i32
    %cond3A_1 = arith.cmpi ne, %convert_element_type3A, %cond3A : i32
    scf.if %cond3A_1 {
      %broadcast_in_dim3A_15 = arith.constant 0.000000e+00 : f32
      %broadcast_in_dim3A_16 = vector.broadcast %broadcast_in_dim3A_15 : f32 to vector<8x32xf32>
      %swap3A_17 = arith.constant 0 : index
      %swap3A_18 = arith.constant 0 : index
      %swap3A_19 = vector.load %arg2[%swap3A_17, %swap3A_18] : memref<8x32xf32, #tpu.memory_space<vmem>>, vector<8x32xf32>
      tpu.vector_store %arg2[%swap3A_17, %swap3A_18], %broadcast_in_dim3A_16 {strides = array<i32>} : memref<8x32xf32, #tpu.memory_space<vmem>>, vector<8x32xf32>,
    } else {
    }
    %get3A = arith.constant 0 : index
    %get3A_2 = arith.constant 0 : index
    %get3A_3 = vector.load %arg1[%get3A, %get3A_2] : memref<2000x32xf32, #tpu.memory_space<vmem>>, vector<2000x32xf32>
    %reduce_sum3A = arith.constant dense<0.000000e+00> : vector<32xf32>
    %reduce_sum3A_4 = vector.multi_reduction <add>, %get3A_3, %reduce_sum3A [0] : vector<2000x32xf32> to vector<32xf32>
    %broadcast_in_dim3A = vector.shape_cast %reduce_sum3A_4 : vector<32xf32> to vector<1x32xf32>
    %mul3A = arith.mulf %get3A_3, %get3A_3 : vector<2000x32xf32>
    %reduce_sum3A_5 = arith.constant dense<0.000000e+00> : vector<32xf32>
    %reduce_sum3A_6 = vector.multi_reduction <add>, %mul3A, %reduce_sum3A_5 [0] : vector<2000x32xf32> to vector<32xf32>
    %broadcast_in_dim3A_7 = vector.shape_cast %reduce_sum3A_6 : vector<32xf32> to vector<1x32xf32>
    %get3A_8 = arith.constant 0 : index
    %get3A_9 = arith.constant 0 : index
    %get3A_10 = vector.load %arg2[%get3A_8, %get3A_9] : memref<8x32xf32, #tpu.memory_space<vmem>>, vector<8x32xf32>
    %broadcast_in_dim3A_11 = arith.constant 0.000000e+00 : f32
    %broadcast_in_dim3A_12 = vector.broadcast %broadcast_in_dim3A_11 : f32 to vector<6x32xf32>
    %concatenate3A = tpu.concatenate %broadcast_in_dim3A, %broadcast_in_dim3A_7, %broadcast_in_dim3A_12 in 0 : vector<1x32xf32>, vector<1x32xf32>, vector<6x32xf32> -> vector<8x32xf32>
    %add3A = arith.addf %get3A_10, %concatenate3A : vector<8x32xf32>
    %swap3A = arith.constant 0 : index
    %swap3A_13 = arith.constant 0 : index
    %swap3A_14 = vector.load %arg2[%swap3A, %swap3A_13] : memref<8x32xf32, #tpu.memory_space<vmem>>, vector<8x32xf32>
    tpu.vector_store %arg2[%swap3A, %swap3A_13], %add3A {strides = array<i32>} : memref<8x32xf32, #tpu.memory_space<vmem>>, vector<8x32xf32>,
    return
  }
  func.func @transform_0(%arg0: i32) -> (i32, i32) {
    %c0_i32 = arith.constant 0 : i32
    %c0_i32_0 = arith.constant 0 : i32
    return %arg0, %c0_i32 : i32, i32
  }
  func.func @transform_1(%arg0: i32) -> (i32, i32) {
    %c0_i32 = arith.constant 0 : i32
    %c0_i32_0 = arith.constant 0 : i32
    %c0_i32_1 = arith.constant 0 : i32
    return %c0_i32, %c0_i32_0 : i32, i32
  }
}

module attributes {stable_mosaic.version = 14 : i64} {
  func.func @body(%arg0: i32, %arg1: memref<2000x32xf32, #tpu.memory_space<vmem>>, %arg2: memref<8x32xf32, #tpu.memory_space<vmem>>, %arg3: memref<1x32xf32, #tpu.memory_space<vmem>>, %arg4: memref<1x32xf32, #tpu.memory_space<vmem>>, %arg5: memref<2000x32xf32, #tpu.memory_space<vmem>>) attributes {dimension_semantics = [#tpu.dimension_semantics<arbitrary>], iteration_bounds = array<i64: 50>, scalar_prefetch = 0 : i64, scratch_operands = 0 : i64, tpu.core_type = #tpu.core_type<tc>, window_params = [{transform_indices = @transform_0, window_bounds = array<i64: 2000, 32>}, {pipeline_mode = #tpu.pipeline_mode<synchronous>, transform_indices = @transform_1, window_bounds = array<i64: 8, 32>}, {pipeline_mode = #tpu.pipeline_mode<synchronous>, transform_indices = @transform_2, window_bounds = array<i64: 1, 32>}, {pipeline_mode = #tpu.pipeline_mode<synchronous>, transform_indices = @transform_3, window_bounds = array<i64: 1, 32>}, {transform_indices = @transform_4, window_bounds = array<i64: 2000, 32>}]} {
    %get3A = arith.constant 0 : index
    %get3A_0 = arith.constant 0 : index
    %get3A_1 = vector.load %arg2[%get3A, %get3A_0] : memref<8x32xf32, #tpu.memory_space<vmem>>, vector<8x32xf32>
    %slice3A = vector.extract_strided_slice %get3A_1 {offsets = [0, 0], sizes = [1, 32], strides = [1, 1]} : vector<8x32xf32> to vector<1x32xf32>
    %mul3A = arith.constant 9.99999974E-6 : f32
    %mul3A_2 = vector.broadcast %mul3A : f32 to vector<1x32xf32>
    %mul3A_3 = arith.mulf %slice3A, %mul3A_2 : vector<1x32xf32>
    %slice3A_4 = vector.extract_strided_slice %get3A_1 {offsets = [1, 0], sizes = [1, 32], strides = [1, 1]} : vector<8x32xf32> to vector<1x32xf32>
    %mul3A_5 = arith.constant 9.99999974E-6 : f32
    %mul3A_6 = vector.broadcast %mul3A_5 : f32 to vector<1x32xf32>
    %mul3A_7 = arith.mulf %slice3A_4, %mul3A_6 : vector<1x32xf32>
    %mul3A_8 = arith.mulf %mul3A_3, %mul3A_3 : vector<1x32xf32>
    %sub3A = arith.subf %mul3A_7, %mul3A_8 : vector<1x32xf32>
    %get3A_9 = arith.constant 0 : index
    %get3A_10 = arith.constant 0 : index
    %get3A_11 = vector.load %arg3[%get3A_9, %get3A_10] : memref<1x32xf32, #tpu.memory_space<vmem>>, vector<1x32xf32>
    %add3A = arith.constant 9.99999974E-6 : f32
    %add3A_12 = vector.broadcast %add3A : f32 to vector<1x32xf32>
    %add3A_13 = arith.addf %sub3A, %add3A_12 : vector<1x32xf32>
    %rsqrt3A = math.rsqrt %add3A_13 : vector<1x32xf32>
    %mul3A_14 = arith.mulf %get3A_11, %rsqrt3A : vector<1x32xf32>
    %get3A_15 = arith.constant 0 : index
    %get3A_16 = arith.constant 0 : index
    %get3A_17 = vector.load %arg4[%get3A_15, %get3A_16] : memref<1x32xf32, #tpu.memory_space<vmem>>, vector<1x32xf32>
    %mul3A_18 = arith.mulf %mul3A_3, %mul3A_14 : vector<1x32xf32>
    %sub3A_19 = arith.subf %get3A_17, %mul3A_18 : vector<1x32xf32>
    %get3A_20 = arith.constant 0 : index
    %get3A_21 = arith.constant 0 : index
    %get3A_22 = vector.load %arg1[%get3A_20, %get3A_21] : memref<2000x32xf32, #tpu.memory_space<vmem>>, vector<2000x32xf32>
    %mul3A_23 = vector.broadcast %mul3A_14 : vector<1x32xf32> to vector<2000x32xf32>
    %mul3A_24 = arith.mulf %get3A_22, %mul3A_23 : vector<2000x32xf32>
    %add3A_25 = vector.broadcast %sub3A_19 : vector<1x32xf32> to vector<2000x32xf32>
    %add3A_26 = arith.addf %mul3A_24, %add3A_25 : vector<2000x32xf32>
    %ge3A = arith.constant 0.000000e+00 : f32
    %ge3A_27 = vector.broadcast %ge3A : f32 to vector<2000x32xf32>
    %ge3A_28 = arith.cmpf oge, %add3A_26, %ge3A_27 : vector<2000x32xf32>
    %mul3A_29 = arith.constant 0.00999999977 : f32
    %mul3A_30 = vector.broadcast %mul3A_29 : f32 to vector<2000x32xf32>
    %mul3A_31 = arith.mulf %mul3A_30, %add3A_26 : vector<2000x32xf32>
    %select_n3A = arith.select %ge3A_28, %add3A_26, %mul3A_31 : vector<2000x32xi1>, vector<2000x32xf32>
    %swap3A = arith.constant 0 : index
    %swap3A_32 = arith.constant 0 : index
    %swap3A_33 = vector.load %arg5[%swap3A, %swap3A_32] : memref<2000x32xf32, #tpu.memory_space<vmem>>, vector<2000x32xf32>
    tpu.vector_store %arg5[%swap3A, %swap3A_32], %select_n3A {strides = array<i32>} : memref<2000x32xf32, #tpu.memory_space<vmem>>, vector<2000x32xf32>,
    return
  }
  func.func @transform_0(%arg0: i32) -> (i32, i32) {
    %c0_i32 = arith.constant 0 : i32
    %c0_i32_0 = arith.constant 0 : i32
    return %arg0, %c0_i32 : i32, i32
  }
  func.func @transform_1(%arg0: i32) -> (i32, i32) {
    %c0_i32 = arith.constant 0 : i32
    %c0_i32_0 = arith.constant 0 : i32
    %c0_i32_1 = arith.constant 0 : i32
    return %c0_i32, %c0_i32_0 : i32, i32
  }
  func.func @transform_2(%arg0: i32) -> (i32, i32) {
    %c0_i32 = arith.constant 0 : i32
    %c0_i32_0 = arith.constant 0 : i32
    %c0_i32_1 = arith.constant 0 : i32
    return %c0_i32, %c0_i32_0 : i32, i32
  }
  func.func @transform_3(%arg0: i32) -> (i32, i32) {
    %c0_i32 = arith.constant 0 : i32
    %c0_i32_0 = arith.constant 0 : i32
    %c0_i32_1 = arith.constant 0 : i32
    return %c0_i32, %c0_i32_0 : i32, i32
  }
  func.func @transform_4(%arg0: i32) -> (i32, i32) {
    %c0_i32 = arith.constant 0 : i32
    %c0_i32_0 = arith.constant 0 : i32
    return %arg0, %c0_i32 : i32, i32
  }
}

</mosaic_0001>

<sc_bundles>
// kernel: kernel.6.cloned.1.call-start
scs
__scs_entry_jumppad:
0x0: {  	(pc) =	sbr.rel $0x88, $3  }
0x1: {  	(tag) =	ssettag $0x0;
	lr =	simm.s32 $0x1  }
0x2: {  	[smem:$0x3F9B] =	sst lr;
	_ =	strace $0xD0000000  }
0x3: {  	_ = 	snop  }
0x4: {  	_ = 	snop  }
0x5: {  	_ = 	snop  }
0x6: {  	_ = 	snop  }
0x7: {  	_ = 	snop  }
__scs_overlays_trampoline_lowered:
0x8: {  	[smem:$0x3FAA] =	sst s0  }
0x9: {  	[smem:$0x3FAB] =	sst s1  }
0xa: {  	[smem:$0x3FAC] =	sst s2  }
0xb: {  	[smem:$0x3FAD] =	sst s3  }
0xc: {  	[smem:$0x3FAE] =	sst s4  }
0xd: {  	[smem:$0x3FAF] =	sst s5  }
0xe: {  	[smem:$0x3FB0] =	sst s6  }
0xf: {  	[smem:$0x3FB1] =	sst s7  }
0x10: {  	[smem:$0x3FB2] =	sst s8  }
0x11: {  	[smem:$0x3FB3] =	sst s9;
	s0 =	simm.s32 @!p0 $0x0  }
0x12: {  	s1 =	sld [smem:$0x3F99];
	s0 =	simm.s32 @p0 $0x1  }
0x13: {  	[smem:$0x3FB4] =	sst s0;
	s0 =	simm.s32 @!p1 $0x0  }
0x14: {  	s2 =	sld [smem:$0x3F98];
	s0 =	simm.s32 @p1 $0x1  }
0x15: {  	[smem:$0x3FB5] =	sst s0;
	s0 =	simm.s32 @!p2 $0x0  }
0x16: {  	s3 =	sld [smem:$0x3FDB];
	s0 =	simm.s32 @p2 $0x1  }
0x17: {  	s4 =	simm.s32 $0x1BF5;
	[smem:$0x3FB7] =	sst s0  }
0x18: {  	s0 =	sld [smem:$0x3F9A];
	_ =	swait.ge [sflag:s4], $0x0  }
0x19: {  	s7 =	sld [smem:$0x3F9B]  }
0x1a: {  	s8 =	sadd.s32 $0xFFFFE003, lr  }
0x1b: {  	s9 =	sadd.s32 $0xFFFFFEF7, lr;
	s5 =	simm.s32 $0xFFFFFFFF;
	p2 =	slt.u32 s8, $0xFFFFF086  }
0x1c: {  	p1 =	slt.u32 s9, $0xF7A;
	s5 =	simm.s32 @!p2 $0x0  }
0x1d: {  	s5 =	simm.s32 @p1 $0x1;
	p0 =	seq.s32 s7, s2  }
0x1e: {  	s7 =	smul.u32 @!p0 $0xF7A, s2;
	p2 =	seq.s32 @!p0 s5, $0x0  }
0x1f: {  	s9 =	smul.u32 $0xF7A, s1;
	s8 =	simm.s32 @!p0 $0x1BF5;
	p2 =	por !p2, p0  }
0x20: {  	[sflag:s8] =	ssyncset.s32 @!p0 $0xFFFFF086;
	s6 =	sadd.s32 @!p0 s3, s7;
	s7 =	simm.s32 @!p0 $0x108  }
0x21: {  	s3 =	sadd.s32 s3, s9;
	s6 =	sadd.s32 @!p0 $0x88, s6;
	s7 =	simm.s32 @p2 $0x1082  }
0x22: {  	[simem:s7], [sflag:s8] =	dma.local @!p0 [hbm:s6], $0xF7A  }
0x23: {  	s9 =	sor.u32 $0xD0000000, s2;
	s6 =	simm.s32 $0x108;
	_ =	swait.ge @!p0 [sflag:s8], $0x0  }
0x24: {  	s3 =	sadd.s32 $0x88, s3;
	s6 =	simm.s32 @!p1 $0x1082;
	[sflag:s4] =	ssyncset.s32 $0xFFFFF086  }
0x25: {  	[simem:s6], [sflag:s4] =	dma.local [hbm:s3], $0xF7A  }
0x26: {  	[smem:$0x3F9B] =	sst s1;
	(tag) =	ssettag s2;
	_ =	strace s9  }
0x27: {  	s1 =	sld [smem:$0x3FAB]  }
0x28: {  	s2 =	sld [smem:$0x3FAC]  }
0x29: {  	s4 =	sld [smem:$0x3FAE]  }
0x2a: {  	p0 =	seq.s32 s5, $0x0;
	s5 =	sld [smem:$0x3FAF]  }
0x2b: {  	s6 =	sld [smem:$0x3FB0]  }
0x2c: {  	s7 =	sld [smem:$0x3FB1]  }
0x2d: {  	s3 =	simm.s32 $0x108;
	s8 =	sld [smem:$0x3FB2]  }
0x2e: {  	s3 =	simm.s32 @!p0 $0x1082;
	s9 =	sld [smem:$0x3FB3]  }
0x2f: {  	lr =	sadd.s32 s0, s3;
	s0 =	sld [smem:$0x3FAA]  }
0x30: {  	s3 =	sld [smem:$0x3FAD]  }
0x31: {  	[smem:$0x3FB6] =	sst s10  }
0x32: {  	s10 =	sld [smem:$0x3FB4];
	_ =	sdelay $0x3  }
0x33: {  	p0 =	seq.s32 s10, $0x1;
	s10 =	sld [smem:$0x3FB6];
	_ =	sdelay $0x3  }
0x34: {  	[smem:$0x3FB6] =	sst s10  }
0x35: {  	s10 =	sld [smem:$0x3FB5];
	_ =	sdelay $0x3  }
0x36: {  	p1 =	seq.s32 s10, $0x1;
	s10 =	sld [smem:$0x3FB6];
	_ =	sdelay $0x3  }
0x37: {  	[smem:$0x3FB6] =	sst s10  }
0x38: {  	s10 =	sld [smem:$0x3FB7]  }
0x39: {  	_ = 	snop;
	(pc) =	sbr.ind lr, $3  }
0x3a: {  	_ = 	snop  }
0x3b: {  	_ = 	snop  }
0x3c: {  	p2 =	seq.s32 s10, $0x1;
	s10 =	sld [smem:$0x3FB6]  }
0x3d: {  	_ =	shalt  }
0x3e: {  	_ =	shalt  }
0x3f: {  	_ =	shalt  }
0x40: {  	_ =	shalt  }
0x41: {  	_ =	shalt  }
0x42: {  	_ =	shalt  }
0x43: {  	_ =	shalt  }
0x44: {  	_ =	shalt  }
0x45: {  	_ =	shalt  }
0x46: {  	_ =	shalt  }
0x47: {  	_ =	shalt  }
0x48: {  	_ =	shalt  }
0x49: {  	_ =	shalt  }
0x4a: {  	_ =	shalt  }
0x4b: {  	_ =	shalt  }
0x4c: {  	_ =	shalt  }
0x4d: {  	_ =	shalt  }
0x4e: {  	_ =	shalt  }
0x4f: {  	_ =	shalt  }
0x50: {  	_ =	shalt  }
0x51: {  	_ =	shalt  }
0x52: {  	_ =	shalt  }
0x53: {  	_ =	shalt  }
0x54: {  	_ =	shalt  }
0x55: {  	_ =	shalt  }
0x56: {  	_ =	shalt  }
0x57: {  	_ =	shalt  }
0x58: {  	_ =	shalt  }
0x59: {  	_ =	shalt  }
0x5a: {  	_ =	shalt  }
0x5b: {  	_ =	shalt  }
0x5c: {  	_ =	shalt  }
0x5d: {  	_ =	shalt  }
0x5e: {  	_ =	shalt  }
0x5f: {  	_ =	shalt  }
0x60: {  	_ =	shalt  }
0x61: {  	_ =	shalt  }
0x62: {  	_ =	shalt  }
0x63: {  	_ =	shalt  }
0x64: {  	_ =	shalt  }
0x65: {  	_ =	shalt  }
0x66: {  	_ =	shalt  }
0x67: {  	_ =	shalt  }
0x68: {  	_ =	shalt  }
0x69: {  	_ =	shalt  }
0x6a: {  	_ =	shalt  }
0x6b: {  	_ =	shalt  }
0x6c: {  	_ =	shalt  }
0x6d: {  	_ =	shalt  }
0x6e: {  	_ =	shalt  }
0x6f: {  	_ =	shalt  }
0x70: {  	_ =	shalt  }
0x71: {  	_ =	shalt  }
0x72: {  	_ =	shalt  }
0x73: {  	_ =	shalt  }
0x74: {  	_ =	shalt  }
0x75: {  	_ =	shalt  }
0x76: {  	_ =	shalt  }
0x77: {  	_ =	shalt  }
0x78: {  	_ =	shalt  }
0x79: {  	_ =	shalt  }
0x7a: {  	_ =	shalt  }
0x7b: {  	_ =	shalt  }
0x7c: {  	_ =	shalt  }
0x7d: {  	_ =	shalt  }
0x7e: {  	_ =	shalt  }
0x7f: {  	_ =	shalt  }
0x80: {  	_ =	shalt  }
0x81: {  	_ =	shalt  }
0x82: {  	_ =	shalt  }
0x83: {  	_ =	shalt  }
0x84: {  	_ =	shalt  }
0x85: {  	_ =	shalt  }
0x86: {  	_ =	shalt  }
0x87: {  	_ =	shalt  }
.Lfunc_end0:
.L_simem_size_0:
called_computation_lowered:
.L_overlay_start_0:
0x88: {  	s2 =	sld [smem:$0x3FD9]  }
0x89: {  	s3 =	sld [smem:$0x3FFE];
	_ =	sdelay $0x1  }
0x8a: {  	s1 =	srdreg.scid  }
0x8b: {  	s0 =	sand.u32 $0x1, s1  }
0x8c: {  	s17 =	sshll.u32 s0, $0xA;
	s2 =	sadd.s32 s3, s2  }
0x8d: {  	s2 =	sadd.s32 s2, s17  }
0x8e: {  	[smem:$0x3FC2] =	sst s2  }
0x8f: {  	_ = 	snop  }
0x90: {  	s2 =	sld [smem:$0x3FD0];
	(tm) =	ssettm $0x1  }
0x91: {  	s18 =	sld [smem:$0x3FFB];
	_ =	sdelay $0x3  }
0x92: {  	_ =	strace s18  }
0x93: {  	s3 =	sld [smem:$0x3FFC];
	_ =	sdelay $0x3  }
0x94: {  	_ =	strace s3  }
0x95: {  	s3 =	sld [smem:$0x3FFD];
	_ =	sdelay $0x3  }
0x96: {  	_ =	strace s3  }
0x97: {  	_ =	strace $0x8FFFFFFF  }
0x98: {  	s19 =	sld [smem:$0x3FDB];
	_ =	sdelay $0x1  }
0x99: {  	s4 =	simm.s32 $_scs_section_size  }
0x9a: {  	s5 =	simm.s32 $_size__tile_overlayer_lowered;
	s6 =	simm.s32 $_tile_overlayer_lowered  }
0x9b: {  	s22 =	simm.s32 $0x1BFF;
	s21 =	sshll.u32 s6, $0x1;
	s3 =	sadd.s32 s4, s19  }
0x9c: {  	s7 =	simm.s32 $0x0;
	s20 =	sshll.u32 s5, $0x1;
	s5 =	sadd.s32 s21, s3  }
0x9d: {  	[timem:s7], [sflag:s22] =	dma.local [hbm:s5], s20  }
0x9e: {  	_ =	swait.ge [sflag:s22], s20  }
0x9f: {  	s4 =	ssub.s32 $0x0, s20;
	[sflag:s22] =	ssyncset.done $0x0  }
0xa0: {  	[sflag:s22] =	ssyncadd.s32 s4;
	_ =	sdelay $0x1  }
0xa1: {  	s23 =	simm.s32 $0x1B8B  }
0xa2: {  	_ =	swait.ge [sflag:s23], $0x1  }
0xa3: {  	[sflag:s23] =	ssyncset.done $0x0  }
0xa4: {  	s25 =	simm.s32 $0x1B8E;
	s24 =	sld [smem:$0x3FFE];
	[sflag:s23] =	ssyncadd.s32 $0xFFFFFFFF  }
0xa5: {  	s26 =	simm.s32 $execute0_lowered;
	[smem:$0x3FD2] =	sst s25  }
0xa6: {  	s5 =	sshll.u32 s26, $0x1;
	_ =	strace $0x80000046;
	[dreg:$0x1] =	wrdreg $0xFFFFFFFF  }
0xa7: {  	s28 =	simm.s32 $_size_execute0_lowered;
	s3 =	sadd.s32 s3, s5;
	[dreg:$0x0] =	wrdreg $0x0  }
0xa8: {  	s5 =	sshll.u32 s28, $0x1;
	[dreg:$0x2] =	wrdreg s3  }
0xa9: {  	[dreg:$0x3] =	wrdreg s5  }
0xaa: {  	[dreg:$0x4] =	wrdreg $0xC0  }
0xab: {  	_ =	task [dreg:s7], $0x5FFFF  }
0xac: {  	[dreg:$0x1] =	wrdreg $0xFFFFFFFF  }
0xad: {  	[dreg:$0x0] =	wrdreg $0x60  }
0xae: {  	[dreg:$0x2] =	wrdreg s24  }
0xaf: {  	[dreg:$0x3] =	wrdreg s2  }
0xb0: {  	[dreg:$0x4] =	wrdreg $0x0  }
0xb1: {  	[dreg:$0x5] =	wrdreg $0x9  }
0xb2: {  	_ =	task.clear_ibuf [dreg:s7], $0x6FFFF;
	_ =	strace $0x90000046  }
0xb3: {  	s29 =	simm.s32 $0x9;
	_ =	strace $0x80000048  }
0xb4: {  	_ =	swait.ge [sflag:s29], $0x1  }
0xb5: {  	[sflag:s29] =	ssyncadd.s32 $0xFFFFFFFF  }
0xb6: {  	_ =	strace $0x90000048  }
0xb7: {  	_ =	sfence  }
0xb8: {  	s30 =	sld [smem:$0x0];
	_ =	sdelay $0x2  }
0xb9: {  	s31 =	sshll.u32 s1, $0xD;
	s1 =	sshrl.u32 s1, $0x2  }
0xba: {  	s3 =	sand.u32 $0x4000, s31;
	s1 =	sadd.s32 s1, s30  }
0xbb: {  	s0 =	sor.u32 s3, s0;
	s1 =	sshll.u32 s1, $0x11  }
0xbc: {  	s0 =	sor.u32 s1, s0  }
0xbd: {  	s0 =	sadd.s32 $0x8F2B, s0  }
0xbe: {  	[sflag:s0] =	ssyncadd.remote.s32 $0x1  }
0xbf: {  	_ =	sfence.sel $0xFFFF  }
0xc0: {  	[dreg:$0x0] =	wrdreg $0xFFFFFFFF;
	(pc) =	sbr.abs _section_cstart, $3  }
0xc1: {  	[dreg:$0x1] =	wrdreg $0xFFFFFFFF  }
0xc2: {  	_ =	task.clear_ibuf [dreg:s7], $0x2FFFF;
	_ =	strace $0x9FFFFFFF  }
0xc3: {  	(tm) =	ssettm $0x7FFFFFFF  }
tec
execute0_lowered:
.L_overlay_start_1:
0x0: {  	(tag) =	ssettag $0x1  }
0x1: {  	s0 =	rddreg [dreg:$0x0]  }
0x2: {  	s7 =	rddreg [dreg:$0x1]  }
0x3: {  	s1 =	rddreg [dreg:$0x2]  }
0x4: {  	s2 =	simm.s32 $0x0;
	s4 =	srdreg.scid;
	s15 =	stileid.u32  }
0x5: {  	s28 =	simm.s32 $0x80;
	s30 =	simm.s32 $0x19800;
	[smem:$0x7FF] =	sst s2  }
0x6: {  	s3 =	sadd.s32 $0x2ADF600, s0;
	s8 =	sand.u32 $0x1, s4;
	s5 =	sadd.s32 $0xA00, s0  }
0x7: {  	s6 =	sadd.s32 $0x53600, s0;
	s20 =	sshll.u32 s15, $0xE;
	s13 =	smul.u32 $0x3E8, s15  }
0x8: {  	s22 =	sor.u32 $0x10, s15;
	s10 =	sor.u32 $0x20, s15;
	s18 =	smul.u32 $0x1F400, s15  }
0x9: {  	s12 =	sor.u32 $0x30, s15;
	_ =	strace $0x80000047;
	s4 =	smul.u32 $0xC350, s8  }
0xa: {  	s9 =	ssub.s32 $0x2, s8;
	p0 =	seq.s32 s8, $0x1;
	s29 =	smul.u32 $0x3E8, s22  }
0xb: {  	s14 =	sadd.s32 s20, s1;
	s23 =	sshll.u32 s22, $0xE;
	s16 =	smul.u32 $0x3E8, s10  }
0xc: {  	s11 =	sshll.u32 s10, $0xE;
	s25 =	sshll.u32 s12, $0xE;
	s17 =	smul.u32 $0x3E8, s12  }
0xd: {  	s20 =	sor.u32 $0x60, s15;
	s22 =	smul.u32 $0x1F400, s22;
	p2 =	seq.s32 s8, $0x0  }
0xe: {  	p3 =	sgt.u32 s12, $0x31;
	s15 =	simm.s32 $0x1CE00;
	s19 =	sshrl.u32 s9, $0x1  }
0xf: {  	s24 =	sadd.s32 s11, s1;
	s31 =	sadd.s32 $0x100000, s14;
	[dreg:$0x5] =	wrdreg s14  }
0x10: {  	s14 =	sadd.s32 $0x140000, s14;
	p1 =	sgt.u32 s20, $0x61;
	[dreg:$0x7] =	wrdreg s24  }
0x11: {  	s0 =	ssub.s32 s9, s19;
	s21 =	sadd.s32 $0xC350, s4;
	[dreg:$0x9] =	wrdreg s31  }
0x12: {  	s26 =	sadd.s32 s4, s13;
	[dreg:$0xa] =	wrdreg s14;
	s11 =	sadd.s32 s4, s29  }
0x13: {  	s13 =	sadd.s32 s4, s16;
	s24 =	sshrl.u32 s18, $0x2;
	s14 =	simm.s32 $0x2  }
0x14: {  	s16 =	simm.s32 $0x1CE80;
	s18 =	simm.s32 $0x1D600;
	s0 =	smax.u32 s0, $0x1  }
0x15: {  	s11 =	sshll.u32 s11, $0x2;
	s13 =	sshll.u32 s13, $0x2;
	v1 =	vmov s21;
	s21 =	simm.s32 $0x1D700  }
0x16: {  	[dreg:$0x4] =	wrdreg s0;
	s0 =	sadd.s32 s23, s1;
	s11 =	sadd.s32 s7, s11  }
0x17: {  	s19 =	sadd.s32 s7, s13;
	s23 =	smul.u32 $0x1F400, s10;
	[dreg:$0x6] =	wrdreg s0  }
0x18: {  	s10 =	simm.s32 $0x1;
	s13 =	simm.s32 $0x1D580;
	[dreg:$0xc] =	wrdreg s11  }
0x19: {  	s0 =	sadd.s32 s25, s1;
	[dreg:$0xd] =	wrdreg s19;
	s25 =	smul.u32 $0x1F400, s12  }
0x1a: {  	s19 =	simm.s32 $0x18800;
	s12 =	simm.s32 $0x1D500;
	s11 =	simm.s32 $0x0  }
0x1b: {  	[dreg:$0x8] =	wrdreg s0;
	s0 =	sshll.u32 s26, $0x2;
	s26 =	sadd.s32 s24, s1  }
0x1c: {  	s9 =	sshrl.u32 s23, $0x2;
	s24 =	simm.s32 $0x3;
	s0 =	sadd.s32 s7, s0  }
0x1d: {  	s8 =	sshrl.u32 s25, $0x2;
	s9 =	sadd.s32 s9, s1;
	s25 =	simm.s32 $0x1C800  }
0x1e: {  	[dreg:$0xb] =	wrdreg s0;
	s0 =	sadd.s32 s4, s17;
	s8 =	sadd.s32 s8, s1  }
0x1f: {  	s31 =	sshrl.u32 s9, $0x3;
	s9 =	simm.s32 $0x1B800;
	s0 =	sshll.u32 s0, $0x2  }
0x20: {  	s17 =	simm.s32 $0x1CF00;
	[dreg:$0x12] =	wrdreg s31;
	s0 =	sadd.s32 s7, s0  }
0x21: {  	s7 =	sshrl.u32 s22, $0x2;
	[dreg:$0xe] =	wrdreg s0;
	s0 =	sshll.u32 s20, $0xE  }
.Ltmp0:
0x22: {  	s7 =	sadd.s32 s7, s1;
	s0 =	sadd.s32 s0, s1;
	(pc) =	sbr.rel .LBB2_1-.Ltmp0, $4  }
0x23: {  	s22 =	simm.s32 $0x1D780;
	s29 =	sshrl.u32 s7, $0x3;
	[dreg:$0xf] =	wrdreg s0  }
0x24: {  	s20 =	simm.s32 $0x1D680;
	s0 =	sshrl.u32 s26, $0x3;
	[dreg:$0x11] =	wrdreg s29  }
0x25: {  	s26 =	simm.s32 $0x1D000;
	[dreg:$0x10] =	wrdreg s0;
	s0 =	sshrl.u32 @!p3 s8, $0x3  }
0x26: {  	v2 =	vimm.f32 $0.0e+00;
	v0 =	vmov s4;
	s8 =	simm.s32 $0x1CF80;
	[dreg:$0x13] =	wrdreg s0;
	s0 =	simm.s32 $0x1A800  }
.LBB2_24:
0x27: {  	s4 =	stileid.u32;
	[bflag:$0x0] =	sbarrier.arrive $0xFFFF  }
0x28: {  	s4 =	sshll.u32 s4, $0x6;
	s7 =	rddreg [dreg:$0xb]  }
0x29: {  	s11 =	rddreg [dreg:$0x10];
	s4 =	sor.u32 $0x1C03, s4  }
0x2a: {  	[hbm:s7], [sflag:s4] =	dma.local [spmem:s11], $0xFA0  }
0x2b: {  	_ =	swait.ge [sflag:s24], $0xFA0  }
0x2c: {  	[sflag:s24] =	ssyncset.done $0x0;
	s29 =	rddreg [dreg:$0xc]  }
0x2d: {  	s31 =	rddreg [dreg:$0x11];
	[sflag:s24] =	ssyncadd.s32 $0xFFFFF060  }
0x2e: {  	[hbm:s29], [sflag:s4] =	dma.local [spmem:s31], $0xFA0  }
0x2f: {  	_ =	swait.ge [sflag:s24], $0xFA0  }
0x30: {  	[sflag:s24] =	ssyncset.done $0x0;
	s11 =	rddreg [dreg:$0xd]  }
0x31: {  	s23 =	rddreg [dreg:$0x12];
	[sflag:s24] =	ssyncadd.s32 $0xFFFFF060  }
0x32: {  	[hbm:s11], [sflag:s4] =	dma.local [spmem:s23], $0xFA0  }
0x33: {  	_ =	swait.ge [sflag:s24], $0xFA0  }
0x34: {  	[sflag:s24] =	ssyncset.done $0x0;
	s7 =	rddreg [dreg:$0xe]  }
0x35: {  	s11 =	rddreg [dreg:$0x13];
	[sflag:s24] =	ssyncadd.s32 $0xFFFFF060  }
0x36: {  	[hbm:s7], [sflag:s4] =	dma.local @!p3 [spmem:s11], $0xFA0  }
0x37: {  	s4 =	simm.s32 @!p3 $0x3  }
0x38: {  	_ =	swait.ge @!p3 [sflag:s4], $0xFA0  }
0x39: {  	s29 =	rddreg [dreg:$0x14]  }
0x3a: {  	s31 =	rddreg [dreg:$0x4];
	s11 =	sadd.s32 $0x1, s29  }
0x3b: {  	p4 =	sne.s32 s11, s31  }
.Ltmp1:
0x3c: {  	_ = 	snop;
	(pc) =	sbr.rel @!p4 .LBB2_25-.Ltmp1, $3  }
0x3d: {  	_ =	sdelay $0x1  }
0x3e: {  	[sflag:s4] =	ssyncset.done @!p3 $0x0  }
0x3f: {  	[sflag:s4] =	ssyncadd.s32 @!p3 $0xFFFFF060  }
.LBB2_1:
0x40: {  	s4 =	sand.u32 $0xFF80, s2  }
0x41: {  	[dreg:$0x14] =	wrdreg s11;
	s7 =	sand.u32 $0x10, s2;
	s31 =	sshrl.u32 s4, $0x2  }
0x42: {  	s4 =	simm.s32 $0x40;
	s11 =	sor.u32 s7, s31;
	s7 =	simm.s32 $0x0  }
.LBB2_2:
0x43: {  	p4 =	sne.s32 s4, $0xFFC0  }
0x44: {  	[tilespmem:s11+$0x18800] =	vst v2;
	s7 =	sadd.s32 $0x10, s7;
	s11 =	smov.u32 s4;
	s4 =	sadd.s32 $0x40, s4  }
.Ltmp2:
0x45: {  	(pc) =	sbr.rel @p4 .LBB2_2-.Ltmp2, $4  }
0x46: {  	_ = 	snop  }
0x47: {  	s11 =	sand.u32 $0xFF80, s11  }
0x48: {  	s23 =	sand.u32 $0x10, s7;
	s11 =	sshrl.u32 s11, $0x2  }
0x49: {  	s11 =	sor.u32 s23, s11  }
0x4a: {  	[tilespmem:s11+$0x18800] =	vst v2;
	s4 =	rddreg [dreg:$0x5]  }
0x4b: {  	[spmem:s4] =	stream.linear.scatter [tilespmem:s19], [sflag:$0x3], $0x4000, $0x38;
	[tilespmem:$0x1D800] =	vst v63  }
0x4c: {  	_ =	swait.ge [sflag:s24], $0x4000  }
0x4d: {  	[sflag:s24] =	ssyncset.done $0x0  }
0x4e: {  	s7 =	rddreg [dreg:$0x6];
	[sflag:s24] =	ssyncadd.s32 $0xFFFFC000  }
0x4f: {  	[spmem:s7] =	stream.linear.scatter [tilespmem:s19], [sflag:$0x3], $0x4000, $0x38;
	[tilespmem:$0x1D800] =	vst v63  }
0x50: {  	_ =	swait.ge [sflag:s24], $0x4000  }
0x51: {  	[sflag:s24] =	ssyncset.done $0x0  }
0x52: {  	s11 =	rddreg [dreg:$0x7];
	[sflag:s24] =	ssyncadd.s32 $0xFFFFC000  }
0x53: {  	[spmem:s11] =	stream.linear.scatter [tilespmem:s19], [sflag:$0x3], $0x4000, $0x38;
	[tilespmem:$0x1D800] =	vst v63  }
0x54: {  	_ =	swait.ge [sflag:s24], $0x4000  }
0x55: {  	[sflag:s24] =	ssyncset.done $0x0  }
0x56: {  	s23 =	rddreg [dreg:$0x8];
	[sflag:s24] =	ssyncadd.s32 $0xFFFFC000  }
0x57: {  	[spmem:s23] =	stream.linear.scatter [tilespmem:s19], [sflag:$0x3], $0x4000, $0x38;
	[tilespmem:$0x1D800] =	vst v63  }
0x58: {  	_ =	swait.ge [sflag:s24], $0x4000  }
0x59: {  	[sflag:s24] =	ssyncset.done $0x0  }
0x5a: {  	s29 =	rddreg [dreg:$0x9];
	[sflag:s24] =	ssyncadd.s32 $0xFFFFC000  }
0x5b: {  	[spmem:s29] =	stream.linear.scatter [tilespmem:s19], [sflag:$0x3], $0x4000, $0x38;
	[tilespmem:$0x1D800] =	vst v63  }
0x5c: {  	_ =	swait.ge [sflag:s24], $0x4000  }
0x5d: {  	[sflag:s24] =	ssyncset.done $0x0  }
0x5e: {  	s31 =	rddreg [dreg:$0xa];
	[sflag:s24] =	ssyncadd.s32 $0xFFFFC000  }
0x5f: {  	[spmem:s31] =	stream.linear.scatter [tilespmem:s19], [sflag:$0x3], $0x4000, $0x38;
	[tilespmem:$0x1D800] =	vst v63  }
0x60: {  	_ =	swait.ge [sflag:s24], $0x4000  }
0x61: {  	[sflag:s24] =	ssyncset.done $0x0  }
0x62: {  	s4 =	simm.s32 @!p1 $0x18800;
	s7 =	rddreg [dreg:$0xf];
	[sflag:s24] =	ssyncadd.s32 $0xFFFFC000  }
0x63: {  	[spmem:s7] =	stream.linear.scatter @!p1 [tilespmem:s4], [sflag:$0x3], $0x4000, $0x38;
	[tilespmem:$0x1D800] =	vst v63  }
0x64: {  	s4 =	simm.s32 @!p1 $0x3  }
.Ltmp3:
0x65: {  	_ =	swait.ge @!p1 [sflag:s4], $0x4000;
	(pc) =	sbr.rel .LBB2_4-.Ltmp3, $4  }
0x66: {  	[sflag:s4] =	ssyncset.done @!p1 $0x0  }
0x67: {  	[sflag:s4] =	ssyncadd.s32 @!p1 $0xFFFFC000  }
0x68: {  	[bflag:$0x0] =	sbarrier.arrive $0xFFFF  }
0x69: {  	s23 =	simm.s32 $0x0  }
.LBB2_23:
0x6a: {  	s23 =	sadd.s32 $0x1, s23  }
0x6b: {  	p4 =	sne.s32 s23, $0x1B  }
.Ltmp4:
0x6c: {  	_ = 	snop;
	(pc) =	sbr.rel @!p4 .LBB2_24-.Ltmp4, $1  }
0x6d: {  	_ =	sdelay $0x3  }
.LBB2_4:
.Ltmp5:
0x6e: {  	(pc) =	sbr.rel .LBB2_5-.Ltmp5, $4  }
0x6f: {  	_ = 	snop  }
0x70: {  	s4 =	smul.u32 $0x18800, s23;
	s7 =	stileid.u32  }
0x71: {  	s7 =	ssub.s32 s7, s23  }
0x72: {  	s31 =	simm.s32 $0x0;
	v3 =	vmov s4;
	s29 =	sand.u32 $0xF, s7  }
.LBB2_21:
0x73: {  	v4 =	vld [tilespmem:s7+$0x1D600]  }
0x74: {  	v5 =	vld [tilespmem:s7+$0x1CE00];
	_ =	sdelay $0x3  }
0x75: {  	vm0 =	vge.s32 v4, v0;
	vm1 =	vlt.s32 v4, v1  }
0x76: {  	v4 =	vsub.s32 v4, v0;
	v5 =	vadd.s32 v3, v5;
	vm0 =	vmand vm0, vm1  }
0x77: {  	[tilespmem:s7+$0x1CE00] =	vst v5;
	v4 =	vnsel vm0, $0xC350, v4  }
0x78: {  	[tilespmem:s7+$0x1D600] =	vst v4  }
0x79: {  	[tilespmem:s19], [sflag:$0x1] =	stream.indirect.gather [hbm4b:s3+s28], $0x20, s15, s28, $0xb8;
	[tilespmem:$0x1D800] =	vst v63  }
0x7a: {  	_ = 	snop  }
0x7b: {  	[tilespmem:s30], [sflag:$0x1] =	stream.indirect.gather [hbm4b:s3+s28], $0x20, s16, s28, $0xb8;
	[tilespmem:$0x1D800] =	vst v63  }
0x7c: {  	_ = 	snop  }
0x7d: {  	[tilespmem:s0], [sflag:$0x1] =	stream.indirect.gather [hbm4b:s3+s28], $0x20, s17, s28, $0xb8;
	[tilespmem:$0x1D800] =	vst v63  }
0x7e: {  	_ = 	snop  }
0x7f: {  	[tilespmem:s9], [sflag:$0x1] =	stream.indirect.gather [hbm4b:s3+s28], $0x20, s8, s28, $0xb8;
	[tilespmem:$0x1D800] =	vst v63  }
0x80: {  	_ =	swait.ge [sflag:s10], $0x1000  }
0x81: {  	[sflag:s10] =	ssyncset.done $0x0  }
0x82: {  	[sflag:s10] =	ssyncadd.s32 $0xFFFFF000  }
0x83: {  	_ =	swait.ge [sflag:s10], $0x1000  }
0x84: {  	[sflag:s10] =	ssyncset.done $0x0  }
0x85: {  	[sflag:s10] =	ssyncadd.s32 $0xFFFFF000  }
0x86: {  	_ =	swait.ge [sflag:s10], $0x1000  }
0x87: {  	[sflag:s10] =	ssyncset.done $0x0  }
0x88: {  	[sflag:s10] =	ssyncadd.s32 $0xFFFFF000  }
0x89: {  	_ =	swait.ge [sflag:s10], $0x1000  }
0x8a: {  	[sflag:s10] =	ssyncset.done $0x0  }
0x8b: {  	[sflag:s10] =	ssyncadd.s32 $0xFFFFF000  }
0x8c: {  	[spmem:s1] =	stream.indirect.scatter.add.f32 [tilespmem:s19], [sflag:$0x2], $0x20, s18, s28, $0xb8;
	[tilespmem:$0x1D800] =	vst v63  }
0x8d: {  	_ = 	snop  }
0x8e: {  	[spmem:s1] =	stream.indirect.scatter.add.f32 [tilespmem:s30], [sflag:$0x2], $0x20, s20, s28, $0xb8;
	[tilespmem:$0x1D800] =	vst v63  }
0x8f: {  	_ = 	snop  }
0x90: {  	[spmem:s1] =	stream.indirect.scatter.add.f32 [tilespmem:s0], [sflag:$0x2], $0x20, s21, s28, $0xb8;
	[tilespmem:$0x1D800] =	vst v63  }
0x91: {  	_ = 	snop  }
0x92: {  	[spmem:s1] =	stream.indirect.scatter.add.f32 [tilespmem:s9], [sflag:$0x2], $0x20, s22, s28, $0xb8;
	[tilespmem:$0x1D800] =	vst v63  }
0x93: {  	_ =	swait.ge [sflag:s14], $0x1000  }
0x94: {  	[sflag:s14] =	ssyncset.done $0x0  }
0x95: {  	[sflag:s14] =	ssyncadd.s32 $0xFFFFF000  }
0x96: {  	_ =	swait.ge [sflag:s14], $0x1000  }
0x97: {  	[sflag:s14] =	ssyncset.done $0x0  }
0x98: {  	[sflag:s14] =	ssyncadd.s32 $0xFFFFF000  }
0x99: {  	_ =	swait.ge [sflag:s14], $0x1000  }
0x9a: {  	[sflag:s14] =	ssyncset.done $0x0  }
0x9b: {  	[sflag:s14] =	ssyncadd.s32 $0xFFFFF000  }
0x9c: {  	_ =	swait.ge [sflag:s14], $0x1000  }
0x9d: {  	[sflag:s14] =	ssyncset.done $0x0  }
0x9e: {  	[sflag:s14] =	ssyncadd.s32 $0xFFFFF000  }
.LBB2_22:
0x9f: {  	s31 =	sadd.s32 $0x1, s31  }
0xa0: {  	p4 =	sne.s32 s31, $0x4  }
.Ltmp6:
0xa1: {  	_ = 	snop;
	(pc) =	sbr.rel @!p4 .LBB2_23-.Ltmp6, $1  }
0xa2: {  	_ =	sdelay $0x3  }
.LBB2_5:
0xa3: {  	s7 =	sshll.u32 s31, $0x4  }
0xa4: {  	s7 =	sor.u32 s29, s7  }
0xa5: {  	p4 =	sgt.u32 s7, $0x30  }
.Ltmp7:
0xa6: {  	_ = 	snop;
	(pc) =	sbr.rel @p4 .LBB2_22-.Ltmp7, $1  }
0xa7: {  	_ =	sdelay $0x3  }
0xa8: {  	s7 =	sshll.u32 s7, $0xB  }
0xa9: {  	s7 =	sadd.s32 s4, s7  }
0xaa: {  	s7 =	sshrl.u32 s7, $0x3  }
0xab: {  	s11 =	sadd.s32 s5, s7  }
0xac: {  	[tilespmem:s25], [sflag:$0x3] =	stream.linear.gather [hbm4b:s11+s2], $0x800, $0x38;
	[tilespmem:$0x1D800] =	vst v63  }
0xad: {  	_ =	swait.ge [sflag:s24], $0x800  }
0xae: {  	[sflag:s24] =	ssyncset.done $0x0  }
0xaf: {  	s7 =	sadd.s32 s6, s7;
	[sflag:s24] =	ssyncadd.s32 $0xFFFFF800  }
0xb0: {  	[tilespmem:s26], [sflag:$0x3] =	stream.linear.gather [hbm4b:s7+s2], $0x800, $0x38;
	[tilespmem:$0x1D800] =	vst v63  }
0xb1: {  	_ =	swait.ge [sflag:s24], $0x800  }
0xb2: {  	[sflag:s24] =	ssyncset.done $0x0  }
0xb3: {  	[sflag:s24] =	ssyncadd.s32 $0xFFFFF800  }
0xb4: {  	v4 =	vld [tilespmem:$0x1D000]  }
0xb5: {  	v5 =	vld [tilespmem:$0x1D1F0];
	_ =	sdelay $0x3  }
0xb6: {  	(v2sf) =	vpush v4, $0x0  }
0xb7: {  	(v2sf) =	vpush v5, $0xF;
	_ =	sdelay $0xd  }
0xb8: {  	s7 =	spop (v2sf)  }
0xb9: {  	s11 =	spop (v2sf)  }
0xba: {  	p5 =	slt.s32 s7, $0x186A0;
	p4 =	sgt.s32 s11, $0xC34F  }
0xbb: {  	p4 =	por !p5, !p4  }
0xbc: {  	p6 =	slt.s32 s7, $0xC350;
	p4 =	por !p4, !p4  }
0xbd: {  	p5 =	por !p2, !p6;
	p6 =	por !p4, !p0  }
0xbe: {  	p4 =	por !p5, !p5;
	p6 =	por !p6, !p6  }
0xbf: {  	p5 =	por p4, p6  }
.Ltmp8:
0xc0: {  	_ = 	snop;
	(pc) =	sbr.rel @!p5 .LBB2_10-.Ltmp8, $1  }
0xc1: {  	_ =	sdelay $0x3  }
0xc2: {  	s11 =	simm.s32 $0x0  }
0xc3: {  	s11 =	simm.s32 @p4 $0x0  }
0xc4: {  	p4 =	sne.s32 s11, $0x7C0  }
.Ltmp9:
0xc5: {  	_ = 	snop;
	(pc) =	sbr.rel @!p4 .LBB2_9-.Ltmp9, $2  }
0xc6: {  	_ =	sdelay $0x2  }
0xc7: {  	s7 =	sshra.s32 s11, $0x2;
	s11 =	sadd.s32 $0x40, s11  }
.LBB2_8:
0xc8: {  	p4 =	sne.s32 s11, $0x7C0;
	v4 =	vld [tilespmem:s7+$0x1D000]  }
0xc9: {  	v5 =	vld [tilespmem:s7+$0x1C800];
	_ =	sdelay $0x2  }
.Ltmp10:
0xca: {  	(pc) =	sbr.rel @p4 .LBB2_8-.Ltmp10, $4  }
0xcb: {  	vm0 =	vge.s32 v4, v0;
	vm1 =	vlt.s32 v4, v1  }
0xcc: {  	v4 =	vsub.s32 v4, v0;
	vm0 =	vmand vm0, vm1;
	v5 =	vadd.s32 v3, v5  }
0xcd: {  	v4 =	vnsel vm0, $0xC350, v4;
	[tilespmem:s7+$0x1C800] =	vst v5  }
0xce: {  	[tilespmem:s7+$0x1D000] =	vst v4;
	s7 =	sshra.s32 s11, $0x2;
	s11 =	sadd.s32 $0x40, s11  }
.LBB2_9:
0xcf: {  	v4 =	vld [tilespmem:s7+$0x1D000]  }
0xd0: {  	v5 =	vld [tilespmem:s7+$0x1C800];
	_ =	sdelay $0x3  }
0xd1: {  	vm0 =	vge.s32 v4, v0;
	vm1 =	vlt.s32 v4, v1  }
0xd2: {  	v4 =	vsub.s32 v4, v0;
	v5 =	vadd.s32 v3, v5;
	vm0 =	vmand vm0, vm1  }
0xd3: {  	[tilespmem:s7+$0x1C800] =	vst v5;
	v4 =	vnsel vm0, $0xC350, v4  }
0xd4: {  	[tilespmem:s7+$0x1D000] =	vst v4  }
0xd5: {  	[tilespmem:s19], [sflag:$0x1] =	stream.indirect.gather [hbm4b:s3+s28], $0x20, s25, s28, $0xb8;
	[tilespmem:$0x1D800] =	vst v63  }
0xd6: {  	s11 =	simm.s32 $0x1C880  }
0xd7: {  	[tilespmem:s30], [sflag:$0x1] =	stream.indirect.gather [hbm4b:s3+s28], $0x20, s11, s28, $0xb8;
	[tilespmem:$0x1D800] =	vst v63  }
0xd8: {  	s11 =	simm.s32 $0x1C900  }
0xd9: {  	[tilespmem:s0], [sflag:$0x1] =	stream.indirect.gather [hbm4b:s3+s28], $0x20, s11, s28, $0xb8;
	[tilespmem:$0x1D800] =	vst v63  }
0xda: {  	s11 =	simm.s32 $0x1C980  }
0xdb: {  	[tilespmem:s9], [sflag:$0x1] =	stream.indirect.gather [hbm4b:s3+s28], $0x20, s11, s28, $0xb8;
	[tilespmem:$0x1D800] =	vst v63  }
0xdc: {  	_ =	swait.ge [sflag:s10], $0x1000  }
0xdd: {  	[sflag:s10] =	ssyncset.done $0x0  }
0xde: {  	[sflag:s10] =	ssyncadd.s32 $0xFFFFF000  }
0xdf: {  	_ =	swait.ge [sflag:s10], $0x1000  }
0xe0: {  	[sflag:s10] =	ssyncset.done $0x0  }
0xe1: {  	[sflag:s10] =	ssyncadd.s32 $0xFFFFF000  }
0xe2: {  	_ =	swait.ge [sflag:s10], $0x1000  }
0xe3: {  	[sflag:s10] =	ssyncset.done $0x0  }
0xe4: {  	[sflag:s10] =	ssyncadd.s32 $0xFFFFF000  }
0xe5: {  	_ =	swait.ge [sflag:s10], $0x1000  }
0xe6: {  	[sflag:s10] =	ssyncset.done $0x0  }
0xe7: {  	[sflag:s10] =	ssyncadd.s32 $0xFFFFF000  }
0xe8: {  	[spmem:s1] =	stream.indirect.scatter.add.f32 [tilespmem:s19], [sflag:$0x2], $0x20, s26, s28, $0xb8;
	[tilespmem:$0x1D800] =	vst v63  }
0xe9: {  	s11 =	simm.s32 $0x1D080  }
0xea: {  	[spmem:s1] =	stream.indirect.scatter.add.f32 [tilespmem:s30], [sflag:$0x2], $0x20, s11, s28, $0xb8;
	[tilespmem:$0x1D800] =	vst v63  }
0xeb: {  	s11 =	simm.s32 $0x1D100  }
0xec: {  	[spmem:s1] =	stream.indirect.scatter.add.f32 [tilespmem:s0], [sflag:$0x2], $0x20, s11, s28, $0xb8;
	[tilespmem:$0x1D800] =	vst v63  }
0xed: {  	s11 =	simm.s32 $0x1D180  }
0xee: {  	[spmem:s1] =	stream.indirect.scatter.add.f32 [tilespmem:s9], [sflag:$0x2], $0x20, s11, s28, $0xb8;
	[tilespmem:$0x1D800] =	vst v63  }
0xef: {  	_ =	swait.ge [sflag:s14], $0x1000  }
0xf0: {  	[sflag:s14] =	ssyncset.done $0x0  }
0xf1: {  	[sflag:s14] =	ssyncadd.s32 $0xFFFFF000  }
0xf2: {  	_ =	swait.ge [sflag:s14], $0x1000  }
0xf3: {  	[sflag:s14] =	ssyncset.done $0x0  }
0xf4: {  	[sflag:s14] =	ssyncadd.s32 $0xFFFFF000  }
0xf5: {  	_ =	swait.ge [sflag:s14], $0x1000  }
0xf6: {  	[sflag:s14] =	ssyncset.done $0x0  }
0xf7: {  	[sflag:s14] =	ssyncadd.s32 $0xFFFFF000  }
0xf8: {  	_ =	swait.ge [sflag:s14], $0x1000  }
0xf9: {  	[sflag:s14] =	ssyncset.done $0x0  }
0xfa: {  	[sflag:s14] =	ssyncadd.s32 $0xFFFFF000  }
.LBB2_10:
0xfb: {  	v4 =	vld [tilespmem:$0x1D200]  }
0xfc: {  	v5 =	vld [tilespmem:$0x1D3F0];
	_ =	sdelay $0x3  }
0xfd: {  	(v2sf) =	vpush v4, $0x0  }
0xfe: {  	(v2sf) =	vpush v5, $0xF;
	_ =	sdelay $0xd  }
0xff: {  	s7 =	spop (v2sf)  }
0x100: {  	s11 =	spop (v2sf)  }
0x101: {  	p5 =	slt.s32 s7, $0x186A0;
	p4 =	sgt.s32 s11, $0xC34F  }
0x102: {  	p4 =	por !p5, !p4  }
0x103: {  	p6 =	slt.s32 s7, $0xC350;
	p4 =	por !p4, !p4  }
0x104: {  	p5 =	por !p2, !p6;
	p6 =	por !p4, !p0  }
0x105: {  	p4 =	por !p5, !p5;
	p6 =	por !p6, !p6  }
0x106: {  	p5 =	por p4, p6  }
.Ltmp11:
0x107: {  	_ = 	snop;
	(pc) =	sbr.rel @!p5 .LBB2_14-.Ltmp11, $1  }
0x108: {  	_ =	sdelay $0x3  }
0x109: {  	s11 =	simm.s32 $0x0  }
0x10a: {  	s11 =	simm.s32 @p4 $0x0  }
0x10b: {  	p4 =	sne.s32 s11, $0x7C0  }
.Ltmp12:
0x10c: {  	_ = 	snop;
	(pc) =	sbr.rel @!p4 .LBB2_13-.Ltmp12, $2  }
0x10d: {  	_ =	sdelay $0x2  }
0x10e: {  	s7 =	sshra.s32 s11, $0x2;
	s11 =	sadd.s32 $0x40, s11  }
.LBB2_12:
0x10f: {  	p4 =	sne.s32 s11, $0x7C0;
	v4 =	vld [tilespmem:s7+$0x1D200]  }
0x110: {  	v5 =	vld [tilespmem:s7+$0x1CA00];
	_ =	sdelay $0x2  }
.Ltmp13:
0x111: {  	(pc) =	sbr.rel @p4 .LBB2_12-.Ltmp13, $4  }
0x112: {  	vm0 =	vge.s32 v4, v0;
	vm1 =	vlt.s32 v4, v1  }
0x113: {  	v4 =	vsub.s32 v4, v0;
	vm0 =	vmand vm0, vm1;
	v5 =	vadd.s32 v3, v5  }
0x114: {  	v4 =	vnsel vm0, $0xC350, v4;
	[tilespmem:s7+$0x1CA00] =	vst v5  }
0x115: {  	[tilespmem:s7+$0x1D200] =	vst v4;
	s7 =	sshra.s32 s11, $0x2;
	s11 =	sadd.s32 $0x40, s11  }
.LBB2_13:
0x116: {  	v4 =	vld [tilespmem:s7+$0x1D200]  }
0x117: {  	v5 =	vld [tilespmem:s7+$0x1CA00];
	_ =	sdelay $0x3  }
0x118: {  	vm0 =	vge.s32 v4, v0;
	vm1 =	vlt.s32 v4, v1  }
0x119: {  	v4 =	vsub.s32 v4, v0;
	v5 =	vadd.s32 v3, v5;
	vm0 =	vmand vm0, vm1  }
0x11a: {  	[tilespmem:s7+$0x1CA00] =	vst v5;
	v4 =	vnsel vm0, $0xC350, v4  }
0x11b: {  	s11 =	simm.s32 $0x1CA00;
	[tilespmem:s7+$0x1D200] =	vst v4  }
0x11c: {  	[tilespmem:s19], [sflag:$0x1] =	stream.indirect.gather [hbm4b:s3+s28], $0x20, s11, s28, $0xb8;
	[tilespmem:$0x1D800] =	vst v63  }
0x11d: {  	s11 =	simm.s32 $0x1CA80  }
0x11e: {  	[tilespmem:s30], [sflag:$0x1] =	stream.indirect.gather [hbm4b:s3+s28], $0x20, s11, s28, $0xb8;
	[tilespmem:$0x1D800] =	vst v63  }
0x11f: {  	s11 =	simm.s32 $0x1CB00  }
0x120: {  	[tilespmem:s0], [sflag:$0x1] =	stream.indirect.gather [hbm4b:s3+s28], $0x20, s11, s28, $0xb8;
	[tilespmem:$0x1D800] =	vst v63  }
0x121: {  	s11 =	simm.s32 $0x1CB80  }
0x122: {  	[tilespmem:s9], [sflag:$0x1] =	stream.indirect.gather [hbm4b:s3+s28], $0x20, s11, s28, $0xb8;
	[tilespmem:$0x1D800] =	vst v63  }
0x123: {  	_ =	swait.ge [sflag:s10], $0x1000  }
0x124: {  	[sflag:s10] =	ssyncset.done $0x0  }
0x125: {  	[sflag:s10] =	ssyncadd.s32 $0xFFFFF000  }
0x126: {  	_ =	swait.ge [sflag:s10], $0x1000  }
0x127: {  	[sflag:s10] =	ssyncset.done $0x0  }
0x128: {  	[sflag:s10] =	ssyncadd.s32 $0xFFFFF000  }
0x129: {  	_ =	swait.ge [sflag:s10], $0x1000  }
0x12a: {  	[sflag:s10] =	ssyncset.done $0x0  }
0x12b: {  	[sflag:s10] =	ssyncadd.s32 $0xFFFFF000  }
0x12c: {  	_ =	swait.ge [sflag:s10], $0x1000  }
0x12d: {  	[sflag:s10] =	ssyncset.done $0x0  }
0x12e: {  	s11 =	simm.s32 $0x1D200;
	[sflag:s10] =	ssyncadd.s32 $0xFFFFF000  }
0x12f: {  	[spmem:s1] =	stream.indirect.scatter.add.f32 [tilespmem:s19], [sflag:$0x2], $0x20, s11, s28, $0xb8;
	[tilespmem:$0x1D800] =	vst v63  }
0x130: {  	s11 =	simm.s32 $0x1D280  }
0x131: {  	[spmem:s1] =	stream.indirect.scatter.add.f32 [tilespmem:s30], [sflag:$0x2], $0x20, s11, s28, $0xb8;
	[tilespmem:$0x1D800] =	vst v63  }
0x132: {  	s11 =	simm.s32 $0x1D300  }
0x133: {  	[spmem:s1] =	stream.indirect.scatter.add.f32 [tilespmem:s0], [sflag:$0x2], $0x20, s11, s28, $0xb8;
	[tilespmem:$0x1D800] =	vst v63  }
0x134: {  	s11 =	simm.s32 $0x1D380  }
0x135: {  	[spmem:s1] =	stream.indirect.scatter.add.f32 [tilespmem:s9], [sflag:$0x2], $0x20, s11, s28, $0xb8;
	[tilespmem:$0x1D800] =	vst v63  }
0x136: {  	_ =	swait.ge [sflag:s14], $0x1000  }
0x137: {  	[sflag:s14] =	ssyncset.done $0x0  }
0x138: {  	[sflag:s14] =	ssyncadd.s32 $0xFFFFF000  }
0x139: {  	_ =	swait.ge [sflag:s14], $0x1000  }
0x13a: {  	[sflag:s14] =	ssyncset.done $0x0  }
0x13b: {  	[sflag:s14] =	ssyncadd.s32 $0xFFFFF000  }
0x13c: {  	_ =	swait.ge [sflag:s14], $0x1000  }
0x13d: {  	[sflag:s14] =	ssyncset.done $0x0  }
0x13e: {  	[sflag:s14] =	ssyncadd.s32 $0xFFFFF000  }
0x13f: {  	_ =	swait.ge [sflag:s14], $0x1000  }
0x140: {  	[sflag:s14] =	ssyncset.done $0x0  }
0x141: {  	[sflag:s14] =	ssyncadd.s32 $0xFFFFF000  }
.LBB2_14:
0x142: {  	v4 =	vld [tilespmem:$0x1D400]  }
0x143: {  	v5 =	vld [tilespmem:$0x1D5F0];
	_ =	sdelay $0x3  }
0x144: {  	(v2sf) =	vpush v4, $0x0  }
0x145: {  	(v2sf) =	vpush v5, $0xF;
	_ =	sdelay $0xd  }
0x146: {  	s7 =	spop (v2sf)  }
0x147: {  	s11 =	spop (v2sf)  }
0x148: {  	p5 =	slt.s32 s7, $0x186A0;
	p4 =	sgt.s32 s11, $0xC34F  }
0x149: {  	p4 =	por !p5, !p4  }
0x14a: {  	p6 =	slt.s32 s7, $0xC350;
	p4 =	por !p4, !p4  }
0x14b: {  	p5 =	por !p2, !p6;
	p6 =	por !p4, !p0  }
0x14c: {  	p4 =	por !p5, !p5;
	p6 =	por !p6, !p6  }
0x14d: {  	p5 =	por p4, p6  }
.Ltmp14:
0x14e: {  	_ = 	snop;
	(pc) =	sbr.rel @!p5 .LBB2_18-.Ltmp14, $1  }
0x14f: {  	_ =	sdelay $0x3  }
0x150: {  	s11 =	simm.s32 $0x0  }
0x151: {  	s11 =	simm.s32 @p4 $0x0  }
0x152: {  	p4 =	sne.s32 s11, $0x7C0  }
.Ltmp15:
0x153: {  	_ = 	snop;
	(pc) =	sbr.rel @!p4 .LBB2_17-.Ltmp15, $2  }
0x154: {  	_ =	sdelay $0x2  }
0x155: {  	s7 =	sshra.s32 s11, $0x2;
	s11 =	sadd.s32 $0x40, s11  }
.LBB2_16:
0x156: {  	p4 =	sne.s32 s11, $0x7C0;
	v4 =	vld [tilespmem:s7+$0x1D400]  }
0x157: {  	v5 =	vld [tilespmem:s7+$0x1CC00];
	_ =	sdelay $0x2  }
.Ltmp16:
0x158: {  	(pc) =	sbr.rel @p4 .LBB2_16-.Ltmp16, $4  }
0x159: {  	vm0 =	vge.s32 v4, v0;
	vm1 =	vlt.s32 v4, v1  }
0x15a: {  	v4 =	vsub.s32 v4, v0;
	vm0 =	vmand vm0, vm1;
	v5 =	vadd.s32 v3, v5  }
0x15b: {  	v4 =	vnsel vm0, $0xC350, v4;
	[tilespmem:s7+$0x1CC00] =	vst v5  }
0x15c: {  	[tilespmem:s7+$0x1D400] =	vst v4;
	s7 =	sshra.s32 s11, $0x2;
	s11 =	sadd.s32 $0x40, s11  }
.LBB2_17:
0x15d: {  	v4 =	vld [tilespmem:s7+$0x1D400]  }
0x15e: {  	v5 =	vld [tilespmem:s7+$0x1CC00];
	_ =	sdelay $0x3  }
0x15f: {  	vm0 =	vge.s32 v4, v0;
	vm1 =	vlt.s32 v4, v1  }
0x160: {  	v4 =	vsub.s32 v4, v0;
	v5 =	vadd.s32 v3, v5;
	vm0 =	vmand vm0, vm1  }
0x161: {  	[tilespmem:s7+$0x1CC00] =	vst v5;
	v4 =	vnsel vm0, $0xC350, v4  }
0x162: {  	s11 =	simm.s32 $0x1CC00;
	[tilespmem:s7+$0x1D400] =	vst v4  }
0x163: {  	[tilespmem:s19], [sflag:$0x1] =	stream.indirect.gather [hbm4b:s3+s28], $0x20, s11, s28, $0xb8;
	[tilespmem:$0x1D800] =	vst v63  }
0x164: {  	s11 =	simm.s32 $0x1CC80  }
0x165: {  	[tilespmem:s30], [sflag:$0x1] =	stream.indirect.gather [hbm4b:s3+s28], $0x20, s11, s28, $0xb8;
	[tilespmem:$0x1D800] =	vst v63  }
0x166: {  	s11 =	simm.s32 $0x1CD00  }
0x167: {  	[tilespmem:s0], [sflag:$0x1] =	stream.indirect.gather [hbm4b:s3+s28], $0x20, s11, s28, $0xb8;
	[tilespmem:$0x1D800] =	vst v63  }
0x168: {  	s11 =	simm.s32 $0x1CD80  }
0x169: {  	[tilespmem:s9], [sflag:$0x1] =	stream.indirect.gather [hbm4b:s3+s28], $0x20, s11, s28, $0xb8;
	[tilespmem:$0x1D800] =	vst v63  }
0x16a: {  	_ =	swait.ge [sflag:s10], $0x1000  }
0x16b: {  	[sflag:s10] =	ssyncset.done $0x0  }
0x16c: {  	[sflag:s10] =	ssyncadd.s32 $0xFFFFF000  }
0x16d: {  	_ =	swait.ge [sflag:s10], $0x1000  }
0x16e: {  	[sflag:s10] =	ssyncset.done $0x0  }
0x16f: {  	[sflag:s10] =	ssyncadd.s32 $0xFFFFF000  }
0x170: {  	_ =	swait.ge [sflag:s10], $0x1000  }
0x171: {  	[sflag:s10] =	ssyncset.done $0x0  }
0x172: {  	[sflag:s10] =	ssyncadd.s32 $0xFFFFF000  }
0x173: {  	_ =	swait.ge [sflag:s10], $0x1000  }
0x174: {  	[sflag:s10] =	ssyncset.done $0x0  }
0x175: {  	s11 =	simm.s32 $0x1D400;
	[sflag:s10] =	ssyncadd.s32 $0xFFFFF000  }
0x176: {  	[spmem:s1] =	stream.indirect.scatter.add.f32 [tilespmem:s19], [sflag:$0x2], $0x20, s11, s28, $0xb8;
	[tilespmem:$0x1D800] =	vst v63  }
0x177: {  	s11 =	simm.s32 $0x1D480  }
0x178: {  	[spmem:s1] =	stream.indirect.scatter.add.f32 [tilespmem:s30], [sflag:$0x2], $0x20, s11, s28, $0xb8;
	[tilespmem:$0x1D800] =	vst v63  }
0x179: {  	_ = 	snop  }
0x17a: {  	[spmem:s1] =	stream.indirect.scatter.add.f32 [tilespmem:s0], [sflag:$0x2], $0x20, s12, s28, $0xb8;
	[tilespmem:$0x1D800] =	vst v63  }
0x17b: {  	_ = 	snop  }
0x17c: {  	[spmem:s1] =	stream.indirect.scatter.add.f32 [tilespmem:s9], [sflag:$0x2], $0x20, s13, s28, $0xb8;
	[tilespmem:$0x1D800] =	vst v63  }
0x17d: {  	_ =	swait.ge [sflag:s14], $0x1000  }
0x17e: {  	[sflag:s14] =	ssyncset.done $0x0  }
0x17f: {  	[sflag:s14] =	ssyncadd.s32 $0xFFFFF000  }
0x180: {  	_ =	swait.ge [sflag:s14], $0x1000  }
0x181: {  	[sflag:s14] =	ssyncset.done $0x0  }
0x182: {  	[sflag:s14] =	ssyncadd.s32 $0xFFFFF000  }
0x183: {  	_ =	swait.ge [sflag:s14], $0x1000  }
0x184: {  	[sflag:s14] =	ssyncset.done $0x0  }
0x185: {  	[sflag:s14] =	ssyncadd.s32 $0xFFFFF000  }
0x186: {  	_ =	swait.ge [sflag:s14], $0x1000  }
0x187: {  	[sflag:s14] =	ssyncset.done $0x0  }
0x188: {  	[sflag:s14] =	ssyncadd.s32 $0xFFFFF000  }
.LBB2_18:
0x189: {  	v4 =	vld [tilespmem:$0x1D600]  }
0x18a: {  	v5 =	vld [tilespmem:$0x1D7F0];
	_ =	sdelay $0x3  }
0x18b: {  	(v2sf) =	vpush v4, $0x0  }
0x18c: {  	(v2sf) =	vpush v5, $0xF;
	_ =	sdelay $0xd  }
0x18d: {  	s7 =	spop (v2sf)  }
0x18e: {  	s11 =	spop (v2sf)  }
0x18f: {  	p5 =	slt.s32 s7, $0x186A0;
	p4 =	sgt.s32 s11, $0xC34F  }
0x190: {  	p4 =	por !p5, !p4  }
0x191: {  	p6 =	slt.s32 s7, $0xC350;
	p4 =	por !p4, !p4  }
0x192: {  	p5 =	por !p2, !p6;
	p6 =	por !p4, !p0  }
0x193: {  	p4 =	por !p5, !p5;
	p6 =	por !p6, !p6  }
0x194: {  	p5 =	por p4, p6  }
.Ltmp17:
0x195: {  	_ = 	snop;
	(pc) =	sbr.rel @!p5 .LBB2_22-.Ltmp17, $1  }
0x196: {  	_ =	sdelay $0x3  }
0x197: {  	s11 =	simm.s32 $0x0  }
0x198: {  	s11 =	simm.s32 @p4 $0x0  }
0x199: {  	p4 =	sne.s32 s11, $0x7C0  }
.Ltmp18:
0x19a: {  	_ = 	snop;
	(pc) =	sbr.rel @!p4 .LBB2_21-.Ltmp18, $2  }
0x19b: {  	_ =	sdelay $0x2  }
0x19c: {  	s7 =	sshra.s32 s11, $0x2;
	s11 =	sadd.s32 $0x40, s11  }
.LBB2_20:
0x19d: {  	p4 =	sne.s32 s11, $0x7C0;
	v4 =	vld [tilespmem:s7+$0x1D600]  }
0x19e: {  	v5 =	vld [tilespmem:s7+$0x1CE00];
	_ =	sdelay $0x2  }
.Ltmp19:
0x19f: {  	(pc) =	sbr.rel @p4 .LBB2_20-.Ltmp19, $4  }
0x1a0: {  	vm0 =	vge.s32 v4, v0;
	vm1 =	vlt.s32 v4, v1  }
0x1a1: {  	v4 =	vsub.s32 v4, v0;
	vm0 =	vmand vm0, vm1;
	v5 =	vadd.s32 v3, v5  }
0x1a2: {  	v4 =	vnsel vm0, $0xC350, v4;
	[tilespmem:s7+$0x1CE00] =	vst v5  }
0x1a3: {  	[tilespmem:s7+$0x1D600] =	vst v4;
	s7 =	sshra.s32 s11, $0x2;
	s11 =	sadd.s32 $0x40, s11  }
.Ltmp20:
0x1a4: {  	_ = 	snop;
	(pc) =	sbr.rel .LBB2_21-.Ltmp20, $1  }
0x1a5: {  	_ =	sdelay $0x3  }
.LBB2_25:
0x1a6: {  	_ =	sfence.sel $0x180000  }
0x1a7: {  	[bflag:$0x0] =	sbarrier.arrive $0xFFFF  }
0x1a8: {  	_ =	strace $0x90000047  }
0x1a9: {  	s0 =	stileid.u32;
	[bflag:$0x2] =	sbarrier.arrive $0xFFFF  }
0x1aa: {  	p0 =	sne.s32 s0, $0x0;
	s0 =	rddreg [dreg:$0x3]  }
0x1ab: {  	s0 =	sadd.s32 @!p0 $0x100000, s0  }
0x1ac: {  	[sflag:s0] =	ssyncadd.tile.s32 @!p0 $0x1;
	_ =	shalt  }
.Lfunc_end2:
_tile_overlayer_lowered:
.L_overlay_start_2:
0x1ad: {  	(tag) =	ssettag $0x2  }
0x1ae: {  	s0 =	rddreg [dreg:$0x0];
	s2 =	stileid.u32  }
0x1af: {  	s1 =	rddreg [dreg:$0x1];
	p0 =	sne.s32 s2, $0x0  }
0x1b0: {  	s3 =	rddreg [dreg:$0x2];
	[bflag:$0x3] =	sbarrier.arrive $0xFFFF;
	s2 =	simm.s32 @!p0 $0x1C03  }
0x1b1: {  	[timem:s3], [sflag:s2] =	dma.local @!p0 [hbm:s0], s1  }
0x1b2: {  	s0 =	simm.s32 @!p0 $0x3  }
0x1b3: {  	_ =	swait.ge @!p0 [sflag:s0], s1  }
0x1b4: {  	s1 =	ssub.s32 @!p0 $0x0, s1;
	[sflag:s0] =	ssyncset.done @!p0 $0x0  }
0x1b5: {  	[sflag:s0] =	ssyncadd.s32 @!p0 s1  }
0x1b6: {  	[bflag:$0x3] =	sbarrier.arrive $0xFFFF  }
0x1b7: {  	_ =	shalt  }

</sc_bundles>
